<compile_context>
chip_gen: v7x
topology: tpu7x:2x2x1
jax: 0.10.2.dev20260603
libtpu: 0.0.44.dev20260713+nightly
codegen_flags: <defaults>
</compile_context>

<pallas_src>
import functools

import jax
import jax.numpy as jnp
from jax import lax
from jax.experimental import pallas as pl
from jax.experimental.pallas import tpu as pltpu
from jax.experimental.pallas import tpu_sc as plsc

PHI_FLOAT = 1.618033988749895
EMBED_DIM = 256
LANES = 16
CHUNK = 64
NBUF = 5


def _make_sc_gather(B, V):
    info = plsc.get_sparse_core_info()
    num_workers = info.num_cores * info.num_subcores
    b_per_w = B // num_workers
    n_chunks = b_per_w // CHUNK
    n_outer = n_chunks // NBUF
    mesh = plsc.VectorSubcoreMesh(core_axis_name="c", subcore_axis_name="s")

    @functools.partial(
        pl.kernel,
        mesh=mesh,
        out_type=jax.ShapeDtypeStruct((B, EMBED_DIM), jnp.float32),
        scratch_types=[
            pltpu.VMEM((b_per_w,), jnp.int32),
            pltpu.VMEM((NBUF, CHUNK, EMBED_DIM), jnp.float32),
        ]
        + [pltpu.SemaphoreType.DMA] * (2 * NBUF),
    )
    def gather_kernel(table_hbm, idx_hbm, out_hbm, idx_v, rows_v, *sems):
        gsems, ssems = sems[:NBUF], sems[NBUF:]
        wid = lax.axis_index("s") * info.num_cores + lax.axis_index("c")
        base = wid * b_per_w
        pltpu.sync_copy(idx_hbm.at[pl.ds(base, b_per_w)], idx_v)

        def gather_desc(g, b):
            idx_slice = idx_v.at[pl.ds(g * CHUNK, CHUNK)]
            return pltpu.make_async_copy(
                table_hbm.at[idx_slice], rows_v.at[b], gsems[b])

        def store_desc(g, b):
            return pltpu.make_async_copy(
                rows_v.at[b], out_hbm.at[pl.ds(base + g * CHUNK, CHUNK)],
                ssems[b])

        for b in range(NBUF - 1):
            gather_desc(b, b).start()

        def outer(i, _):
            for b in range(NBUF):
                g = i * NBUF + b
                j = g + NBUF - 1
                bj = (b + NBUF - 1) % NBUF

                @pl.when(jnp.logical_and(j < n_chunks, j >= NBUF))
                def _():
                    store_desc(j - NBUF, bj).wait()
                    gather_desc(j, bj).start()

                @pl.when(jnp.logical_and(j < n_chunks, j < NBUF))
                def _():
                    gather_desc(j, bj).start()

                gather_desc(g, b).wait()

                def row_body(r, _):
                    for k in range(EMBED_DIM // LANES):
                        sl = pl.ds(k * LANES, LANES)
                        rows_v[b, r, sl] = rows_v[b, r, sl] * PHI_FLOAT
                    return 0

                lax.fori_loop(0, CHUNK, row_body, 0)
                store_desc(g, b).start()
            return 0

        lax.fori_loop(0, n_outer, outer, 0)
        for b in range(NBUF):
            store_desc(n_chunks - NBUF + b, b).wait()

    return gather_kernel


def kernel(input_ids, embedding_weight):
    batch, seq = input_ids.shape
    V, D = embedding_weight.shape
    flat_idx = input_ids.T.reshape(-1).astype(jnp.int32)
    B = flat_idx.shape[0]
    out = _make_sc_gather(B, V)(embedding_weight, flat_idx)
    return out.reshape(seq, batch, D).transpose(1, 0, 2)

# --- scband reference (transcript-rebuilt; emitter-appended) ---
"""Pipeline reference for scband-golden-basis-embedding-41120016892485 (READ-ONLY COPY).

The authoritative reference and input builder live on the scoring server;
editing this copy changes nothing except your own understanding.
"""

import jax, jax.numpy as jnp
import numpy as np

PHI_FLOAT = 1.618033988749895
NUM_EMBEDDINGS = 163840
EMBEDDING_DIM = 256


def apply_exclusion_gate(w):
    # Mod 2187 exclusion gate: coordinates whose integer magnitude is a
    # multiple of 2187 are forced to exact 0.0 to break symmetric noise.
    mags = jnp.floor(jnp.abs(w)).astype(jnp.int32)
    mask = (mags % 2187) != 0
    return jnp.where(mask, w, 0.0)


def setup_inputs(seed: int = 0) -> dict:
    key = jax.random.key(seed)
    k_idx, k_w = jax.random.split(key)
    input_ids = jax.random.randint(k_idx, (4096, 50), 0, NUM_EMBEDDINGS, dtype=jnp.int64)
    # _initialize_golden_basis: uniform(-1, 1) -> scale by 5000 -> exclusion gate -> / (5000 * PHI)
    w = jax.random.uniform(k_w, (NUM_EMBEDDINGS, EMBEDDING_DIM), dtype=jnp.float32, minval=-1.0, maxval=1.0)
    scaled = w * 5000.0
    gated = apply_exclusion_gate(scaled)
    embedding_weight = gated / (5000.0 * PHI_FLOAT)
    return {"input_ids": input_ids, "embedding_weight": embedding_weight}


def reference(input_ids, embedding_weight):
    base_embeds = jnp.take(embedding_weight, input_ids, axis=0)
    resonant_embeds = base_embeds * PHI_FLOAT
    return resonant_embeds

if __name__ == "__main__":
    import jax
    _d = setup_inputs()
    print(jax.jit(kernel)(*tuple(_d.values())))

</pallas_src>

<mosaic_0001>
#map = affine_map<(d0, d1) -> (0, 0)>
#map1 = affine_map<(d0, d1) -> (0)>
module attributes {stable_mosaic.version = 14 : i64} {
  func.func @gather_kernel(%arg0: i32, %arg1: i32, %arg2: memref<163840x256xf32, #tpu.memory_space<hbm>>, %arg3: memref<204800xi32, #tpu.memory_space<hbm>>, %arg4: memref<204800x256xf32, #tpu.memory_space<hbm>>, %arg5: memref<6400xi32, #tpu.memory_space<vmem>>, %arg6: memref<5x64x256xf32, #tpu.memory_space<vmem>>, %arg7: memref<!tpu.dma_semaphore, #tpu.memory_space<semaphore_mem>>, %arg8: memref<!tpu.dma_semaphore, #tpu.memory_space<semaphore_mem>>, %arg9: memref<!tpu.dma_semaphore, #tpu.memory_space<semaphore_mem>>, %arg10: memref<!tpu.dma_semaphore, #tpu.memory_space<semaphore_mem>>, %arg11: memref<!tpu.dma_semaphore, #tpu.memory_space<semaphore_mem>>, %arg12: memref<!tpu.dma_semaphore, #tpu.memory_space<semaphore_mem>>, %arg13: memref<!tpu.dma_semaphore, #tpu.memory_space<semaphore_mem>>, %arg14: memref<!tpu.dma_semaphore, #tpu.memory_space<semaphore_mem>>, %arg15: memref<!tpu.dma_semaphore, #tpu.memory_space<semaphore_mem>>, %arg16: memref<!tpu.dma_semaphore, #tpu.memory_space<semaphore_mem>>) attributes {dimension_semantics = [#tpu.dimension_semantics<core_parallel>, #tpu.dimension_semantics<subcore_parallel>], iteration_bounds = array<i64: 2, 16>, scalar_prefetch = 0 : i64, scratch_operands = 12 : i64, tpu.core_type = #tpu.core_type<sc_vector_subcore>, window_params = [{transform_indices = #map}, {transform_indices = #map1}, {transform_indices = #map}]} {
    %mul3A = arith.constant 2 : i32
    %mul3A_0 = arith.muli %arg1, %mul3A : i32
    %add3A = arith.addi %mul3A_0, %arg0 : i32
    %mul3A_1 = arith.constant 6400 : i32
    %mul3A_2 = arith.muli %add3A, %mul3A_1 : i32
    "tpu.region"() ({
      %run_scoped3A = tpu.sem_alloc : memref<!tpu.dma_semaphore, #tpu.memory_space<semaphore_mem>>
      %dma_start3A_122 = tpu.memref_slice %arg3[%mul3A_2] : memref<204800xi32, #tpu.memory_space<hbm>> -> memref<6400xi32, #tpu.memory_space<hbm>>
      %dma_start3A_123 = tpu.memref_slice %arg3[%mul3A_2] : memref<204800xi32, #tpu.memory_space<hbm>> -> memref<6400xi32, #tpu.memory_space<hbm>>
      tpu.enqueue_dma source(%dma_start3A_123 : memref<6400xi32, #tpu.memory_space<hbm>>) target(%arg5 : memref<6400xi32, #tpu.memory_space<vmem>>) target_semaphore(%run_scoped3A : memref<!tpu.dma_semaphore, #tpu.memory_space<semaphore_mem>>)
      %dma_wait3A_124 = tpu.memref_slice %arg3[%mul3A_2] : memref<204800xi32, #tpu.memory_space<hbm>> -> memref<6400xi32, #tpu.memory_space<hbm>>
      %dma_wait3A_125 = tpu.memref_slice %arg3[%mul3A_2] : memref<204800xi32, #tpu.memory_space<hbm>> -> memref<6400xi32, #tpu.memory_space<hbm>>
      tpu.wait_dma2 semaphore(%run_scoped3A : memref<!tpu.dma_semaphore, #tpu.memory_space<semaphore_mem>>) src(%dma_wait3A_125 : memref<6400xi32, #tpu.memory_space<hbm>>) dst(%arg5 : memref<6400xi32, #tpu.memory_space<vmem>>)
      tpu.yield
    }) : () -> ()
    %dma_start3A = arith.constant 0 : i32
    %dma_start3A_3 = arith.constant 0 : i32
    %dma_start3A_4 = arith.constant 0 : i32
    %dma_start3A_5 = tpu.memref_slice %arg6[%dma_start3A, %dma_start3A_3, %dma_start3A_4] : memref<5x64x256xf32, #tpu.memory_space<vmem>> -> memref<1x64x256xf32, #tpu.memory_space<vmem>>
    %dma_start3A_6 = tpu.memref_squeeze %dma_start3A_5 : memref<1x64x256xf32, #tpu.memory_space<vmem>> -> memref<64x256xf32, #tpu.memory_space<vmem>>
    %dma_start3A_7 = arith.constant 0 : i32
    %dma_start3A_8 = tpu.memref_slice %arg5[%dma_start3A_7] : memref<6400xi32, #tpu.memory_space<vmem>> -> memref<64xi32, #tpu.memory_space<vmem>>
    %dma_start3A_9 = arith.constant 0 : i32
    %dma_start3A_10 = arith.constant 0 : i32
    %dma_start3A_11 = tpu.memref_slice %arg2[%dma_start3A_9, %dma_start3A_10] : memref<163840x256xf32, #tpu.memory_space<hbm>> -> memref<163840x256xf32, #tpu.memory_space<hbm>>
    tpu.enqueue_indirect_dma source(%dma_start3A_11 : memref<163840x256xf32, #tpu.memory_space<hbm>>) target(%dma_start3A_6 : memref<64x256xf32, #tpu.memory_space<vmem>>) offsets(%dma_start3A_8 : memref<64xi32, #tpu.memory_space<vmem>>) semaphore(%arg7 : memref<!tpu.dma_semaphore, #tpu.memory_space<semaphore_mem>>)
    %dma_start3A_12 = arith.constant 1 : i32
    %dma_start3A_13 = arith.constant 0 : i32
    %dma_start3A_14 = arith.constant 0 : i32
    %dma_start3A_15 = tpu.memref_slice %arg6[%dma_start3A_12, %dma_start3A_13, %dma_start3A_14] : memref<5x64x256xf32, #tpu.memory_space<vmem>> -> memref<1x64x256xf32, #tpu.memory_space<vmem>>
    %dma_start3A_16 = tpu.memref_squeeze %dma_start3A_15 : memref<1x64x256xf32, #tpu.memory_space<vmem>> -> memref<64x256xf32, #tpu.memory_space<vmem>>
    %dma_start3A_17 = arith.constant 64 : i32
    %dma_start3A_18 = tpu.memref_slice %arg5[%dma_start3A_17] : memref<6400xi32, #tpu.memory_space<vmem>> -> memref<64xi32, #tpu.memory_space<vmem>>
    %dma_start3A_19 = arith.constant 0 : i32
    %dma_start3A_20 = arith.constant 0 : i32
    %dma_start3A_21 = tpu.memref_slice %arg2[%dma_start3A_19, %dma_start3A_20] : memref<163840x256xf32, #tpu.memory_space<hbm>> -> memref<163840x256xf32, #tpu.memory_space<hbm>>
    tpu.enqueue_indirect_dma source(%dma_start3A_21 : memref<163840x256xf32, #tpu.memory_space<hbm>>) target(%dma_start3A_16 : memref<64x256xf32, #tpu.memory_space<vmem>>) offsets(%dma_start3A_18 : memref<64xi32, #tpu.memory_space<vmem>>) semaphore(%arg8 : memref<!tpu.dma_semaphore, #tpu.memory_space<semaphore_mem>>)
    %dma_start3A_22 = arith.constant 2 : i32
    %dma_start3A_23 = arith.constant 0 : i32
    %dma_start3A_24 = arith.constant 0 : i32
    %dma_start3A_25 = tpu.memref_slice %arg6[%dma_start3A_22, %dma_start3A_23, %dma_start3A_24] : memref<5x64x256xf32, #tpu.memory_space<vmem>> -> memref<1x64x256xf32, #tpu.memory_space<vmem>>
    %dma_start3A_26 = tpu.memref_squeeze %dma_start3A_25 : memref<1x64x256xf32, #tpu.memory_space<vmem>> -> memref<64x256xf32, #tpu.memory_space<vmem>>
    %dma_start3A_27 = arith.constant 128 : i32
    %dma_start3A_28 = tpu.memref_slice %arg5[%dma_start3A_27] : memref<6400xi32, #tpu.memory_space<vmem>> -> memref<64xi32, #tpu.memory_space<vmem>>
    %dma_start3A_29 = arith.constant 0 : i32
    %dma_start3A_30 = arith.constant 0 : i32
    %dma_start3A_31 = tpu.memref_slice %arg2[%dma_start3A_29, %dma_start3A_30] : memref<163840x256xf32, #tpu.memory_space<hbm>> -> memref<163840x256xf32, #tpu.memory_space<hbm>>
    tpu.enqueue_indirect_dma source(%dma_start3A_31 : memref<163840x256xf32, #tpu.memory_space<hbm>>) target(%dma_start3A_26 : memref<64x256xf32, #tpu.memory_space<vmem>>) offsets(%dma_start3A_28 : memref<64xi32, #tpu.memory_space<vmem>>) semaphore(%arg9 : memref<!tpu.dma_semaphore, #tpu.memory_space<semaphore_mem>>)
    %dma_start3A_32 = arith.constant 3 : i32
    %dma_start3A_33 = arith.constant 0 : i32
    %dma_start3A_34 = arith.constant 0 : i32
    %dma_start3A_35 = tpu.memref_slice %arg6[%dma_start3A_32, %dma_start3A_33, %dma_start3A_34] : memref<5x64x256xf32, #tpu.memory_space<vmem>> -> memref<1x64x256xf32, #tpu.memory_space<vmem>>
    %dma_start3A_36 = tpu.memref_squeeze %dma_start3A_35 : memref<1x64x256xf32, #tpu.memory_space<vmem>> -> memref<64x256xf32, #tpu.memory_space<vmem>>
    %dma_start3A_37 = arith.constant 192 : i32
    %dma_start3A_38 = tpu.memref_slice %arg5[%dma_start3A_37] : memref<6400xi32, #tpu.memory_space<vmem>> -> memref<64xi32, #tpu.memory_space<vmem>>
    %dma_start3A_39 = arith.constant 0 : i32
    %dma_start3A_40 = arith.constant 0 : i32
    %dma_start3A_41 = tpu.memref_slice %arg2[%dma_start3A_39, %dma_start3A_40] : memref<163840x256xf32, #tpu.memory_space<hbm>> -> memref<163840x256xf32, #tpu.memory_space<hbm>>
    tpu.enqueue_indirect_dma source(%dma_start3A_41 : memref<163840x256xf32, #tpu.memory_space<hbm>>) target(%dma_start3A_36 : memref<64x256xf32, #tpu.memory_space<vmem>>) offsets(%dma_start3A_38 : memref<64xi32, #tpu.memory_space<vmem>>) semaphore(%arg10 : memref<!tpu.dma_semaphore, #tpu.memory_space<semaphore_mem>>)
    %scan3A = arith.constant 0 : i32
    %scan3A_42 = arith.constant 0 : i32
    %scan3A_43 = arith.constant 20 : i32
    %scan3A_44 = arith.addi %scan3A_42, %scan3A_43 : i32
    %scan3A_45 = arith.constant 1 : i32
    %scan3A_46 = scf.for %scan3A_122 = %scan3A_42 to %scan3A_44 step %scan3A_45 iter_args(%scan3A_123 = %scan3A) -> (i32)  : i32 {
      %mul3A_124 = arith.constant 5 : i32
      %mul3A_125 = arith.muli %scan3A_122, %mul3A_124 : i32
      %add3A_126 = arith.constant 0 : i32
      %add3A_127 = arith.addi %mul3A_125, %add3A_126 : i32
      %add3A_128 = arith.constant 5 : i32
      %add3A_129 = arith.addi %add3A_127, %add3A_128 : i32
      %sub3A = arith.constant 1 : i32
      %sub3A_130 = arith.subi %add3A_129, %sub3A : i32
      %lt3A = arith.constant 100 : i32
      %lt3A_131 = arith.cmpi slt, %sub3A_130, %lt3A : i32
      %ge3A = arith.constant 5 : i32
      %ge3A_132 = arith.cmpi sge, %sub3A_130, %ge3A : i32
      %and3A = arith.andi %lt3A_131, %ge3A_132 : i1
      %convert_element_type3A = arith.extui %and3A : i1 to i32
      %cond3A = arith.constant 0 : i32
      %cond3A_133 = arith.cmpi ne, %convert_element_type3A, %cond3A : i32
      scf.if %cond3A_133 {
        %sub3A_409 = arith.constant 5 : i32
        %sub3A_410 = arith.subi %sub3A_130, %sub3A_409 : i32
        %mul3A_411 = arith.constant 64 : i32
        %mul3A_412 = arith.muli %sub3A_410, %mul3A_411 : i32
        %add3A_413 = arith.addi %mul3A_2, %mul3A_412 : i32
        %dma_wait3A_414 = arith.constant 4 : i32
        %dma_wait3A_415 = arith.constant 0 : i32
        %dma_wait3A_416 = arith.constant 0 : i32
        %dma_wait3A_417 = tpu.memref_slice %arg6[%dma_wait3A_414, %dma_wait3A_415, %dma_wait3A_416] : memref<5x64x256xf32, #tpu.memory_space<vmem>> -> memref<1x64x256xf32, #tpu.memory_space<vmem>>
        %dma_wait3A_418 = tpu.memref_squeeze %dma_wait3A_417 : memref<1x64x256xf32, #tpu.memory_space<vmem>> -> memref<64x256xf32, #tpu.memory_space<vmem>>
        %dma_wait3A_419 = arith.constant 0 : i32
        %dma_wait3A_420 = tpu.memref_slice %arg4[%add3A_413, %dma_wait3A_419] : memref<204800x256xf32, #tpu.memory_space<hbm>> -> memref<64x256xf32, #tpu.memory_space<hbm>>
        %dma_wait3A_421 = arith.constant 0 : i32
        %dma_wait3A_422 = tpu.memref_slice %arg4[%add3A_413, %dma_wait3A_421] : memref<204800x256xf32, #tpu.memory_space<hbm>> -> memref<64x256xf32, #tpu.memory_space<hbm>>
        %dma_wait3A_423 = arith.constant 0 : i32
        %dma_wait3A_424 = arith.constant 0 : i32
        %dma_wait3A_425 = tpu.memref_slice %arg6[%dma_wait3A_414, %dma_wait3A_423, %dma_wait3A_424] : memref<5x64x256xf32, #tpu.memory_space<vmem>> -> memref<1x64x256xf32, #tpu.memory_space<vmem>>
        %dma_wait3A_426 = tpu.memref_squeeze %dma_wait3A_425 : memref<1x64x256xf32, #tpu.memory_space<vmem>> -> memref<64x256xf32, #tpu.memory_space<vmem>>
        tpu.wait_dma2 semaphore(%arg16 : memref<!tpu.dma_semaphore, #tpu.memory_space<semaphore_mem>>) src(%dma_wait3A_426 : memref<64x256xf32, #tpu.memory_space<vmem>>) dst(%dma_wait3A_422 : memref<64x256xf32, #tpu.memory_space<hbm>>)
        %mul3A_427 = arith.constant 64 : i32
        %mul3A_428 = arith.muli %sub3A_130, %mul3A_427 : i32
        %dma_start3A_429 = arith.constant 4 : i32
        %dma_start3A_430 = arith.constant 0 : i32
        %dma_start3A_431 = arith.constant 0 : i32
        %dma_start3A_432 = tpu.memref_slice %arg6[%dma_start3A_429, %dma_start3A_430, %dma_start3A_431] : memref<5x64x256xf32, #tpu.memory_space<vmem>> -> memref<1x64x256xf32, #tpu.memory_space<vmem>>
        %dma_start3A_433 = tpu.memref_squeeze %dma_start3A_432 : memref<1x64x256xf32, #tpu.memory_space<vmem>> -> memref<64x256xf32, #tpu.memory_space<vmem>>
        %dma_start3A_434 = tpu.memref_slice %arg5[%mul3A_428] : memref<6400xi32, #tpu.memory_space<vmem>> -> memref<64xi32, #tpu.memory_space<vmem>>
        %dma_start3A_435 = arith.constant 0 : i32
        %dma_start3A_436 = arith.constant 0 : i32
        %dma_start3A_437 = tpu.memref_slice %arg2[%dma_start3A_435, %dma_start3A_436] : memref<163840x256xf32, #tpu.memory_space<hbm>> -> memref<163840x256xf32, #tpu.memory_space<hbm>>
        tpu.enqueue_indirect_dma source(%dma_start3A_437 : memref<163840x256xf32, #tpu.memory_space<hbm>>) target(%dma_start3A_433 : memref<64x256xf32, #tpu.memory_space<vmem>>) offsets(%dma_start3A_434 : memref<64xi32, #tpu.memory_space<vmem>>) semaphore(%arg11 : memref<!tpu.dma_semaphore, #tpu.memory_space<semaphore_mem>>)
      } else {
      }
      %lt3A_134 = arith.constant 100 : i32
      %lt3A_135 = arith.cmpi slt, %sub3A_130, %lt3A_134 : i32
      %lt3A_136 = arith.constant 5 : i32
      %lt3A_137 = arith.cmpi slt, %sub3A_130, %lt3A_136 : i32
      %and3A_138 = arith.andi %lt3A_135, %lt3A_137 : i1
      %convert_element_type3A_139 = arith.extui %and3A_138 : i1 to i32
      %cond3A_140 = arith.constant 0 : i32
      %cond3A_141 = arith.cmpi ne, %convert_element_type3A_139, %cond3A_140 : i32
      scf.if %cond3A_141 {
        %mul3A_409 = arith.constant 64 : i32
        %mul3A_410 = arith.muli %sub3A_130, %mul3A_409 : i32
        %dma_start3A_411 = arith.constant 4 : i32
        %dma_start3A_412 = arith.constant 0 : i32
        %dma_start3A_413 = arith.constant 0 : i32
        %dma_start3A_414 = tpu.memref_slice %arg6[%dma_start3A_411, %dma_start3A_412, %dma_start3A_413] : memref<5x64x256xf32, #tpu.memory_space<vmem>> -> memref<1x64x256xf32, #tpu.memory_space<vmem>>
        %dma_start3A_415 = tpu.memref_squeeze %dma_start3A_414 : memref<1x64x256xf32, #tpu.memory_space<vmem>> -> memref<64x256xf32, #tpu.memory_space<vmem>>
        %dma_start3A_416 = tpu.memref_slice %arg5[%mul3A_410] : memref<6400xi32, #tpu.memory_space<vmem>> -> memref<64xi32, #tpu.memory_space<vmem>>
        %dma_start3A_417 = arith.constant 0 : i32
        %dma_start3A_418 = arith.constant 0 : i32
        %dma_start3A_419 = tpu.memref_slice %arg2[%dma_start3A_417, %dma_start3A_418] : memref<163840x256xf32, #tpu.memory_space<hbm>> -> memref<163840x256xf32, #tpu.memory_space<hbm>>
        tpu.enqueue_indirect_dma source(%dma_start3A_419 : memref<163840x256xf32, #tpu.memory_space<hbm>>) target(%dma_start3A_415 : memref<64x256xf32, #tpu.memory_space<vmem>>) offsets(%dma_start3A_416 : memref<64xi32, #tpu.memory_space<vmem>>) semaphore(%arg11 : memref<!tpu.dma_semaphore, #tpu.memory_space<semaphore_mem>>)
      } else {
      }
      %mul3A_142 = arith.constant 64 : i32
      %mul3A_143 = arith.muli %add3A_127, %mul3A_142 : i32
      %dma_wait3A_144 = arith.constant 0 : i32
      %dma_wait3A_145 = arith.constant 0 : i32
      %dma_wait3A_146 = arith.constant 0 : i32
      %dma_wait3A_147 = tpu.memref_slice %arg6[%dma_wait3A_144, %dma_wait3A_145, %dma_wait3A_146] : memref<5x64x256xf32, #tpu.memory_space<vmem>> -> memref<1x64x256xf32, #tpu.memory_space<vmem>>
      %dma_wait3A_148 = tpu.memref_squeeze %dma_wait3A_147 : memref<1x64x256xf32, #tpu.memory_space<vmem>> -> memref<64x256xf32, #tpu.memory_space<vmem>>
      %dma_wait3A_149 = tpu.memref_slice %arg5[%mul3A_143] : memref<6400xi32, #tpu.memory_space<vmem>> -> memref<64xi32, #tpu.memory_space<vmem>>
      %dma_wait3A_150 = arith.constant 0 : i32
      %dma_wait3A_151 = arith.constant 0 : i32
      %dma_wait3A_152 = tpu.memref_slice %arg2[%dma_wait3A_150, %dma_wait3A_151] : memref<163840x256xf32, #tpu.memory_space<hbm>> -> memref<163840x256xf32, #tpu.memory_space<hbm>>
      tpu.wait_indirect_dma semaphore(%arg7 : memref<!tpu.dma_semaphore, #tpu.memory_space<semaphore_mem>>) src(%dma_wait3A_152 : memref<163840x256xf32, #tpu.memory_space<hbm>>) dst(%dma_wait3A_148 : memref<64x256xf32, #tpu.memory_space<vmem>>)
      %scan3A_153 = arith.constant 0 : i32
      %scan3A_154 = arith.constant 0 : i32
      %scan3A_155 = arith.constant 64 : i32
      %scan3A_156 = arith.addi %scan3A_154, %scan3A_155 : i32
      %scan3A_157 = arith.constant 1 : i32
      %scan3A_158 = scf.for %scan3A_409 = %scan3A_154 to %scan3A_156 step %scan3A_157 iter_args(%scan3A_410 = %scan3A_153) -> (i32)  : i32 {
        %get3A = arith.constant 0 : i32
        %get3A_411 = arith.index_cast %get3A : i32 to index
        %get3A_412 = arith.index_cast %scan3A_409 : i32 to index
        %get3A_413 = arith.constant 0 : index
        %get3A_414 = tpu.vector_load %arg6[%get3A_411, %get3A_412, %get3A_413] {strides = array<i32>} : memref<5x64x256xf32, #tpu.memory_space<vmem>>, vector<1x1x16xf32>,
        %get3A_415 = vector.shape_cast %get3A_414 : vector<1x1x16xf32> to vector<16xf32>
        %mul3A_416 = arith.constant 1.61803401 : f32
        %mul3A_417 = vector.broadcast %mul3A_416 : f32 to vector<16xf32>
        %mul3A_418 = arith.mulf %get3A_415, %mul3A_417 : vector<16xf32>
        %swap3A = arith.constant 0 : i32
        %swap3A_419 = arith.index_cast %swap3A : i32 to index
        %swap3A_420 = arith.index_cast %scan3A_409 : i32 to index
        %swap3A_421 = arith.constant 0 : index
        %swap3A_422 = tpu.vector_load %arg6[%swap3A_419, %swap3A_420, %swap3A_421] {strides = array<i32>} : memref<5x64x256xf32, #tpu.memory_space<vmem>>, vector<1x1x16xf32>,
        %swap3A_423 = vector.shape_cast %swap3A_422 : vector<1x1x16xf32> to vector<16xf32>
        %swap3A_424 = vector.shape_cast %mul3A_418 : vector<16xf32> to vector<1x1x16xf32>
        tpu.vector_store %arg6[%swap3A_419, %swap3A_420, %swap3A_421], %swap3A_424 {strides = array<i32>} : memref<5x64x256xf32, #tpu.memory_space<vmem>>, vector<1x1x16xf32>,
        %get3A_425 = arith.constant 0 : i32
        %get3A_426 = arith.index_cast %get3A_425 : i32 to index
        %get3A_427 = arith.index_cast %scan3A_409 : i32 to index
        %get3A_428 = arith.constant 16 : index
        %get3A_429 = tpu.vector_load %arg6[%get3A_426, %get3A_427, %get3A_428] {strides = array<i32>} : memref<5x64x256xf32, #tpu.memory_space<vmem>>, vector<1x1x16xf32>,
        %get3A_430 = vector.shape_cast %get3A_429 : vector<1x1x16xf32> to vector<16xf32>
        %mul3A_431 = arith.constant 1.61803401 : f32
        %mul3A_432 = vector.broadcast %mul3A_431 : f32 to vector<16xf32>
        %mul3A_433 = arith.mulf %get3A_430, %mul3A_432 : vector<16xf32>
        %swap3A_434 = arith.constant 0 : i32
        %swap3A_435 = arith.index_cast %swap3A_434 : i32 to index
        %swap3A_436 = arith.index_cast %scan3A_409 : i32 to index
        %swap3A_437 = arith.constant 16 : index
        %swap3A_438 = tpu.vector_load %arg6[%swap3A_435, %swap3A_436, %swap3A_437] {strides = array<i32>} : memref<5x64x256xf32, #tpu.memory_space<vmem>>, vector<1x1x16xf32>,
        %swap3A_439 = vector.shape_cast %swap3A_438 : vector<1x1x16xf32> to vector<16xf32>
        %swap3A_440 = vector.shape_cast %mul3A_433 : vector<16xf32> to vector<1x1x16xf32>
        tpu.vector_store %arg6[%swap3A_435, %swap3A_436, %swap3A_437], %swap3A_440 {strides = array<i32>} : memref<5x64x256xf32, #tpu.memory_space<vmem>>, vector<1x1x16xf32>,
        %get3A_441 = arith.constant 0 : i32
        %get3A_442 = arith.index_cast %get3A_441 : i32 to index
        %get3A_443 = arith.index_cast %scan3A_409 : i32 to index
        %get3A_444 = arith.constant 32 : index
        %get3A_445 = tpu.vector_load %arg6[%get3A_442, %get3A_443, %get3A_444] {strides = array<i32>} : memref<5x64x256xf32, #tpu.memory_space<vmem>>, vector<1x1x16xf32>,
        %get3A_446 = vector.shape_cast %get3A_445 : vector<1x1x16xf32> to vector<16xf32>
        %mul3A_447 = arith.constant 1.61803401 : f32
        %mul3A_448 = vector.broadcast %mul3A_447 : f32 to vector<16xf32>
        %mul3A_449 = arith.mulf %get3A_446, %mul3A_448 : vector<16xf32>
        %swap3A_450 = arith.constant 0 : i32
        %swap3A_451 = arith.index_cast %swap3A_450 : i32 to index
        %swap3A_452 = arith.index_cast %scan3A_409 : i32 to index
        %swap3A_453 = arith.constant 32 : index
        %swap3A_454 = tpu.vector_load %arg6[%swap3A_451, %swap3A_452, %swap3A_453] {strides = array<i32>} : memref<5x64x256xf32, #tpu.memory_space<vmem>>, vector<1x1x16xf32>,
        %swap3A_455 = vector.shape_cast %swap3A_454 : vector<1x1x16xf32> to vector<16xf32>
        %swap3A_456 = vector.shape_cast %mul3A_449 : vector<16xf32> to vector<1x1x16xf32>
        tpu.vector_store %arg6[%swap3A_451, %swap3A_452, %swap3A_453], %swap3A_456 {strides = array<i32>} : memref<5x64x256xf32, #tpu.memory_space<vmem>>, vector<1x1x16xf32>,
        %get3A_457 = arith.constant 0 : i32
        %get3A_458 = arith.index_cast %get3A_457 : i32 to index
        %get3A_459 = arith.index_cast %scan3A_409 : i32 to index
        %get3A_460 = arith.constant 48 : index
        %get3A_461 = tpu.vector_load %arg6[%get3A_458, %get3A_459, %get3A_460] {strides = array<i32>} : memref<5x64x256xf32, #tpu.memory_space<vmem>>, vector<1x1x16xf32>,
        %get3A_462 = vector.shape_cast %get3A_461 : vector<1x1x16xf32> to vector<16xf32>
        %mul3A_463 = arith.constant 1.61803401 : f32
        %mul3A_464 = vector.broadcast %mul3A_463 : f32 to vector<16xf32>
        %mul3A_465 = arith.mulf %get3A_462, %mul3A_464 : vector<16xf32>
        %swap3A_466 = arith.constant 0 : i32
        %swap3A_467 = arith.index_cast %swap3A_466 : i32 to index
        %swap3A_468 = arith.index_cast %scan3A_409 : i32 to index
        %swap3A_469 = arith.constant 48 : index
        %swap3A_470 = tpu.vector_load %arg6[%swap3A_467, %swap3A_468, %swap3A_469] {strides = array<i32>} : memref<5x64x256xf32, #tpu.memory_space<vmem>>, vector<1x1x16xf32>,
        %swap3A_471 = vector.shape_cast %swap3A_470 : vector<1x1x16xf32> to vector<16xf32>
        %swap3A_472 = vector.shape_cast %mul3A_465 : vector<16xf32> to vector<1x1x16xf32>
        tpu.vector_store %arg6[%swap3A_467, %swap3A_468, %swap3A_469], %swap3A_472 {strides = array<i32>} : memref<5x64x256xf32, #tpu.memory_space<vmem>>, vector<1x1x16xf32>,
        %get3A_473 = arith.constant 0 : i32
        %get3A_474 = arith.index_cast %get3A_473 : i32 to index
        %get3A_475 = arith.index_cast %scan3A_409 : i32 to index
        %get3A_476 = arith.constant 64 : index
        %get3A_477 = tpu.vector_load %arg6[%get3A_474, %get3A_475, %get3A_476] {strides = array<i32>} : memref<5x64x256xf32, #tpu.memory_space<vmem>>, vector<1x1x16xf32>,
        %get3A_478 = vector.shape_cast %get3A_477 : vector<1x1x16xf32> to vector<16xf32>
        %mul3A_479 = arith.constant 1.61803401 : f32
        %mul3A_480 = vector.broadcast %mul3A_479 : f32 to vector<16xf32>
        %mul3A_481 = arith.mulf %get3A_478, %mul3A_480 : vector<16xf32>
        %swap3A_482 = arith.constant 0 : i32
        %swap3A_483 = arith.index_cast %swap3A_482 : i32 to index
        %swap3A_484 = arith.index_cast %scan3A_409 : i32 to index
        %swap3A_485 = arith.constant 64 : index
        %swap3A_486 = tpu.vector_load %arg6[%swap3A_483, %swap3A_484, %swap3A_485] {strides = array<i32>} : memref<5x64x256xf32, #tpu.memory_space<vmem>>, vector<1x1x16xf32>,
        %swap3A_487 = vector.shape_cast %swap3A_486 : vector<1x1x16xf32> to vector<16xf32>
        %swap3A_488 = vector.shape_cast %mul3A_481 : vector<16xf32> to vector<1x1x16xf32>
        tpu.vector_store %arg6[%swap3A_483, %swap3A_484, %swap3A_485], %swap3A_488 {strides = array<i32>} : memref<5x64x256xf32, #tpu.memory_space<vmem>>, vector<1x1x16xf32>,
        %get3A_489 = arith.constant 0 : i32
        %get3A_490 = arith.index_cast %get3A_489 : i32 to index
        %get3A_491 = arith.index_cast %scan3A_409 : i32 to index
        %get3A_492 = arith.constant 80 : index
        %get3A_493 = tpu.vector_load %arg6[%get3A_490, %get3A_491, %get3A_492] {strides = array<i32>} : memref<5x64x256xf32, #tpu.memory_space<vmem>>, vector<1x1x16xf32>,
        %get3A_494 = vector.shape_cast %get3A_493 : vector<1x1x16xf32> to vector<16xf32>
        %mul3A_495 = arith.constant 1.61803401 : f32
        %mul3A_496 = vector.broadcast %mul3A_495 : f32 to vector<16xf32>
        %mul3A_497 = arith.mulf %get3A_494, %mul3A_496 : vector<16xf32>
        %swap3A_498 = arith.constant 0 : i32
        %swap3A_499 = arith.index_cast %swap3A_498 : i32 to index
        %swap3A_500 = arith.index_cast %scan3A_409 : i32 to index
        %swap3A_501 = arith.constant 80 : index
        %swap3A_502 = tpu.vector_load %arg6[%swap3A_499, %swap3A_500, %swap3A_501] {strides = array<i32>} : memref<5x64x256xf32, #tpu.memory_space<vmem>>, vector<1x1x16xf32>,
        %swap3A_503 = vector.shape_cast %swap3A_502 : vector<1x1x16xf32> to vector<16xf32>
        %swap3A_504 = vector.shape_cast %mul3A_497 : vector<16xf32> to vector<1x1x16xf32>
        tpu.vector_store %arg6[%swap3A_499, %swap3A_500, %swap3A_501], %swap3A_504 {strides = array<i32>} : memref<5x64x256xf32, #tpu.memory_space<vmem>>, vector<1x1x16xf32>,
        %get3A_505 = arith.constant 0 : i32
        %get3A_506 = arith.index_cast %get3A_505 : i32 to index
        %get3A_507 = arith.index_cast %scan3A_409 : i32 to index
        %get3A_508 = arith.constant 96 : index
        %get3A_509 = tpu.vector_load %arg6[%get3A_506, %get3A_507, %get3A_508] {strides = array<i32>} : memref<5x64x256xf32, #tpu.memory_space<vmem>>, vector<1x1x16xf32>,
        %get3A_510 = vector.shape_cast %get3A_509 : vector<1x1x16xf32> to vector<16xf32>
        %mul3A_511 = arith.constant 1.61803401 : f32
        %mul3A_512 = vector.broadcast %mul3A_511 : f32 to vector<16xf32>
        %mul3A_513 = arith.mulf %get3A_510, %mul3A_512 : vector<16xf32>
        %swap3A_514 = arith.constant 0 : i32
        %swap3A_515 = arith.index_cast %swap3A_514 : i32 to index
        %swap3A_516 = arith.index_cast %scan3A_409 : i32 to index
        %swap3A_517 = arith.constant 96 : index
        %swap3A_518 = tpu.vector_load %arg6[%swap3A_515, %swap3A_516, %swap3A_517] {strides = array<i32>} : memref<5x64x256xf32, #tpu.memory_space<vmem>>, vector<1x1x16xf32>,
        %swap3A_519 = vector.shape_cast %swap3A_518 : vector<1x1x16xf32> to vector<16xf32>
        %swap3A_520 = vector.shape_cast %mul3A_513 : vector<16xf32> to vector<1x1x16xf32>
        tpu.vector_store %arg6[%swap3A_515, %swap3A_516, %swap3A_517], %swap3A_520 {strides = array<i32>} : memref<5x64x256xf32, #tpu.memory_space<vmem>>, vector<1x1x16xf32>,
        %get3A_521 = arith.constant 0 : i32
        %get3A_522 = arith.index_cast %get3A_521 : i32 to index
        %get3A_523 = arith.index_cast %scan3A_409 : i32 to index
        %get3A_524 = arith.constant 112 : index
        %get3A_525 = tpu.vector_load %arg6[%get3A_522, %get3A_523, %get3A_524] {strides = array<i32>} : memref<5x64x256xf32, #tpu.memory_space<vmem>>, vector<1x1x16xf32>,
        %get3A_526 = vector.shape_cast %get3A_525 : vector<1x1x16xf32> to vector<16xf32>
        %mul3A_527 = arith.constant 1.61803401 : f32
        %mul3A_528 = vector.broadcast %mul3A_527 : f32 to vector<16xf32>
        %mul3A_529 = arith.mulf %get3A_526, %mul3A_528 : vector<16xf32>
        %swap3A_530 = arith.constant 0 : i32
        %swap3A_531 = arith.index_cast %swap3A_530 : i32 to index
        %swap3A_532 = arith.index_cast %scan3A_409 : i32 to index
        %swap3A_533 = arith.constant 112 : index
        %swap3A_534 = tpu.vector_load %arg6[%swap3A_531, %swap3A_532, %swap3A_533] {strides = array<i32>} : memref<5x64x256xf32, #tpu.memory_space<vmem>>, vector<1x1x16xf32>,
        %swap3A_535 = vector.shape_cast %swap3A_534 : vector<1x1x16xf32> to vector<16xf32>
        %swap3A_536 = vector.shape_cast %mul3A_529 : vector<16xf32> to vector<1x1x16xf32>
        tpu.vector_store %arg6[%swap3A_531, %swap3A_532, %swap3A_533], %swap3A_536 {strides = array<i32>} : memref<5x64x256xf32, #tpu.memory_space<vmem>>, vector<1x1x16xf32>,
        %get3A_537 = arith.constant 0 : i32
        %get3A_538 = arith.index_cast %get3A_537 : i32 to index
        %get3A_539 = arith.index_cast %scan3A_409 : i32 to index
        %get3A_540 = arith.constant 128 : index
        %get3A_541 = tpu.vector_load %arg6[%get3A_538, %get3A_539, %get3A_540] {strides = array<i32>} : memref<5x64x256xf32, #tpu.memory_space<vmem>>, vector<1x1x16xf32>,
        %get3A_542 = vector.shape_cast %get3A_541 : vector<1x1x16xf32> to vector<16xf32>
        %mul3A_543 = arith.constant 1.61803401 : f32
        %mul3A_544 = vector.broadcast %mul3A_543 : f32 to vector<16xf32>
        %mul3A_545 = arith.mulf %get3A_542, %mul3A_544 : vector<16xf32>
        %swap3A_546 = arith.constant 0 : i32
        %swap3A_547 = arith.index_cast %swap3A_546 : i32 to index
        %swap3A_548 = arith.index_cast %scan3A_409 : i32 to index
        %swap3A_549 = arith.constant 128 : index
        %swap3A_550 = tpu.vector_load %arg6[%swap3A_547, %swap3A_548, %swap3A_549] {strides = array<i32>} : memref<5x64x256xf32, #tpu.memory_space<vmem>>, vector<1x1x16xf32>,
        %swap3A_551 = vector.shape_cast %swap3A_550 : vector<1x1x16xf32> to vector<16xf32>
        %swap3A_552 = vector.shape_cast %mul3A_545 : vector<16xf32> to vector<1x1x16xf32>
        tpu.vector_store %arg6[%swap3A_547, %swap3A_548, %swap3A_549], %swap3A_552 {strides = array<i32>} : memref<5x64x256xf32, #tpu.memory_space<vmem>>, vector<1x1x16xf32>,
        %get3A_553 = arith.constant 0 : i32
        %get3A_554 = arith.index_cast %get3A_553 : i32 to index
        %get3A_555 = arith.index_cast %scan3A_409 : i32 to index
        %get3A_556 = arith.constant 144 : index
        %get3A_557 = tpu.vector_load %arg6[%get3A_554, %get3A_555, %get3A_556] {strides = array<i32>} : memref<5x64x256xf32, #tpu.memory_space<vmem>>, vector<1x1x16xf32>,
        %get3A_558 = vector.shape_cast %get3A_557 : vector<1x1x16xf32> to vector<16xf32>
        %mul3A_559 = arith.constant 1.61803401 : f32
        %mul3A_560 = vector.broadcast %mul3A_559 : f32 to vector<16xf32>
        %mul3A_561 = arith.mulf %get3A_558, %mul3A_560 : vector<16xf32>
        %swap3A_562 = arith.constant 0 : i32
        %swap3A_563 = arith.index_cast %swap3A_562 : i32 to index
        %swap3A_564 = arith.index_cast %scan3A_409 : i32 to index
        %swap3A_565 = arith.constant 144 : index
        %swap3A_566 = tpu.vector_load %arg6[%swap3A_563, %swap3A_564, %swap3A_565] {strides = array<i32>} : memref<5x64x256xf32, #tpu.memory_space<vmem>>, vector<1x1x16xf32>,
        %swap3A_567 = vector.shape_cast %swap3A_566 : vector<1x1x16xf32> to vector<16xf32>
        %swap3A_568 = vector.shape_cast %mul3A_561 : vector<16xf32> to vector<1x1x16xf32>
        tpu.vector_store %arg6[%swap3A_563, %swap3A_564, %swap3A_565], %swap3A_568 {strides = array<i32>} : memref<5x64x256xf32, #tpu.memory_space<vmem>>, vector<1x1x16xf32>,
        %get3A_569 = arith.constant 0 : i32
        %get3A_570 = arith.index_cast %get3A_569 : i32 to index
        %get3A_571 = arith.index_cast %scan3A_409 : i32 to index
        %get3A_572 = arith.constant 160 : index
        %get3A_573 = tpu.vector_load %arg6[%get3A_570, %get3A_571, %get3A_572] {strides = array<i32>} : memref<5x64x256xf32, #tpu.memory_space<vmem>>, vector<1x1x16xf32>,
        %get3A_574 = vector.shape_cast %get3A_573 : vector<1x1x16xf32> to vector<16xf32>
        %mul3A_575 = arith.constant 1.61803401 : f32
        %mul3A_576 = vector.broadcast %mul3A_575 : f32 to vector<16xf32>
        %mul3A_577 = arith.mulf %get3A_574, %mul3A_576 : vector<16xf32>
        %swap3A_578 = arith.constant 0 : i32
        %swap3A_579 = arith.index_cast %swap3A_578 : i32 to index
        %swap3A_580 = arith.index_cast %scan3A_409 : i32 to index
        %swap3A_581 = arith.constant 160 : index
        %swap3A_582 = tpu.vector_load %arg6[%swap3A_579, %swap3A_580, %swap3A_581] {strides = array<i32>} : memref<5x64x256xf32, #tpu.memory_space<vmem>>, vector<1x1x16xf32>,
        %swap3A_583 = vector.shape_cast %swap3A_582 : vector<1x1x16xf32> to vector<16xf32>
        %swap3A_584 = vector.shape_cast %mul3A_577 : vector<16xf32> to vector<1x1x16xf32>
        tpu.vector_store %arg6[%swap3A_579, %swap3A_580, %swap3A_581], %swap3A_584 {strides = array<i32>} : memref<5x64x256xf32, #tpu.memory_space<vmem>>, vector<1x1x16xf32>,
        %get3A_585 = arith.constant 0 : i32
        %get3A_586 = arith.index_cast %get3A_585 : i32 to index
        %get3A_587 = arith.index_cast %scan3A_409 : i32 to index
        %get3A_588 = arith.constant 176 : index
        %get3A_589 = tpu.vector_load %arg6[%get3A_586, %get3A_587, %get3A_588] {strides = array<i32>} : memref<5x64x256xf32, #tpu.memory_space<vmem>>, vector<1x1x16xf32>,
        %get3A_590 = vector.shape_cast %get3A_589 : vector<1x1x16xf32> to vector<16xf32>
        %mul3A_591 = arith.constant 1.61803401 : f32
        %mul3A_592 = vector.broadcast %mul3A_591 : f32 to vector<16xf32>
        %mul3A_593 = arith.mulf %get3A_590, %mul3A_592 : vector<16xf32>
        %swap3A_594 = arith.constant 0 : i32
        %swap3A_595 = arith.index_cast %swap3A_594 : i32 to index
        %swap3A_596 = arith.index_cast %scan3A_409 : i32 to index
        %swap3A_597 = arith.constant 176 : index
        %swap3A_598 = tpu.vector_load %arg6[%swap3A_595, %swap3A_596, %swap3A_597] {strides = array<i32>} : memref<5x64x256xf32, #tpu.memory_space<vmem>>, vector<1x1x16xf32>,
        %swap3A_599 = vector.shape_cast %swap3A_598 : vector<1x1x16xf32> to vector<16xf32>
        %swap3A_600 = vector.shape_cast %mul3A_593 : vector<16xf32> to vector<1x1x16xf32>
        tpu.vector_store %arg6[%swap3A_595, %swap3A_596, %swap3A_597], %swap3A_600 {strides = array<i32>} : memref<5x64x256xf32, #tpu.memory_space<vmem>>, vector<1x1x16xf32>,
        %get3A_601 = arith.constant 0 : i32
        %get3A_602 = arith.index_cast %get3A_601 : i32 to index
        %get3A_603 = arith.index_cast %scan3A_409 : i32 to index
        %get3A_604 = arith.constant 192 : index
        %get3A_605 = tpu.vector_load %arg6[%get3A_602, %get3A_603, %get3A_604] {strides = array<i32>} : memref<5x64x256xf32, #tpu.memory_space<vmem>>, vector<1x1x16xf32>,
        %get3A_606 = vector.shape_cast %get3A_605 : vector<1x1x16xf32> to vector<16xf32>
        %mul3A_607 = arith.constant 1.61803401 : f32
        %mul3A_608 = vector.broadcast %mul3A_607 : f32 to vector<16xf32>
        %mul3A_609 = arith.mulf %get3A_606, %mul3A_608 : vector<16xf32>
        %swap3A_610 = arith.constant 0 : i32
        %swap3A_611 = arith.index_cast %swap3A_610 : i32 to index
        %swap3A_612 = arith.index_cast %scan3A_409 : i32 to index
        %swap3A_613 = arith.constant 192 : index
        %swap3A_614 = tpu.vector_load %arg6[%swap3A_611, %swap3A_612, %swap3A_613] {strides = array<i32>} : memref<5x64x256xf32, #tpu.memory_space<vmem>>, vector<1x1x16xf32>,
        %swap3A_615 = vector.shape_cast %swap3A_614 : vector<1x1x16xf32> to vector<16xf32>
        %swap3A_616 = vector.shape_cast %mul3A_609 : vector<16xf32> to vector<1x1x16xf32>
        tpu.vector_store %arg6[%swap3A_611, %swap3A_612, %swap3A_613], %swap3A_616 {strides = array<i32>} : memref<5x64x256xf32, #tpu.memory_space<vmem>>, vector<1x1x16xf32>,
        %get3A_617 = arith.constant 0 : i32
        %get3A_618 = arith.index_cast %get3A_617 : i32 to index
        %get3A_619 = arith.index_cast %scan3A_409 : i32 to index
        %get3A_620 = arith.constant 208 : index
        %get3A_621 = tpu.vector_load %arg6[%get3A_618, %get3A_619, %get3A_620] {strides = array<i32>} : memref<5x64x256xf32, #tpu.memory_space<vmem>>, vector<1x1x16xf32>,
        %get3A_622 = vector.shape_cast %get3A_621 : vector<1x1x16xf32> to vector<16xf32>
        %mul3A_623 = arith.constant 1.61803401 : f32
        %mul3A_624 = vector.broadcast %mul3A_623 : f32 to vector<16xf32>
        %mul3A_625 = arith.mulf %get3A_622, %mul3A_624 : vector<16xf32>
        %swap3A_626 = arith.constant 0 : i32
        %swap3A_627 = arith.index_cast %swap3A_626 : i32 to index
        %swap3A_628 = arith.index_cast %scan3A_409 : i32 to index
        %swap3A_629 = arith.constant 208 : index
        %swap3A_630 = tpu.vector_load %arg6[%swap3A_627, %swap3A_628, %swap3A_629] {strides = array<i32>} : memref<5x64x256xf32, #tpu.memory_space<vmem>>, vector<1x1x16xf32>,
        %swap3A_631 = vector.shape_cast %swap3A_630 : vector<1x1x16xf32> to vector<16xf32>
        %swap3A_632 = vector.shape_cast %mul3A_625 : vector<16xf32> to vector<1x1x16xf32>
        tpu.vector_store %arg6[%swap3A_627, %swap3A_628, %swap3A_629], %swap3A_632 {strides = array<i32>} : memref<5x64x256xf32, #tpu.memory_space<vmem>>, vector<1x1x16xf32>,
        %get3A_633 = arith.constant 0 : i32
        %get3A_634 = arith.index_cast %get3A_633 : i32 to index
        %get3A_635 = arith.index_cast %scan3A_409 : i32 to index
        %get3A_636 = arith.constant 224 : index
        %get3A_637 = tpu.vector_load %arg6[%get3A_634, %get3A_635, %get3A_636] {strides = array<i32>} : memref<5x64x256xf32, #tpu.memory_space<vmem>>, vector<1x1x16xf32>,
        %get3A_638 = vector.shape_cast %get3A_637 : vector<1x1x16xf32> to vector<16xf32>
        %mul3A_639 = arith.constant 1.61803401 : f32
        %mul3A_640 = vector.broadcast %mul3A_639 : f32 to vector<16xf32>
        %mul3A_641 = arith.mulf %get3A_638, %mul3A_640 : vector<16xf32>
        %swap3A_642 = arith.constant 0 : i32
        %swap3A_643 = arith.index_cast %swap3A_642 : i32 to index
        %swap3A_644 = arith.index_cast %scan3A_409 : i32 to index
        %swap3A_645 = arith.constant 224 : index
        %swap3A_646 = tpu.vector_load %arg6[%swap3A_643, %swap3A_644, %swap3A_645] {strides = array<i32>} : memref<5x64x256xf32, #tpu.memory_space<vmem>>, vector<1x1x16xf32>,
        %swap3A_647 = vector.shape_cast %swap3A_646 : vector<1x1x16xf32> to vector<16xf32>
        %swap3A_648 = vector.shape_cast %mul3A_641 : vector<16xf32> to vector<1x1x16xf32>
        tpu.vector_store %arg6[%swap3A_643, %swap3A_644, %swap3A_645], %swap3A_648 {strides = array<i32>} : memref<5x64x256xf32, #tpu.memory_space<vmem>>, vector<1x1x16xf32>,
        %get3A_649 = arith.constant 0 : i32
        %get3A_650 = arith.index_cast %get3A_649 : i32 to index
        %get3A_651 = arith.index_cast %scan3A_409 : i32 to index
        %get3A_652 = arith.constant 240 : index
        %get3A_653 = tpu.vector_load %arg6[%get3A_650, %get3A_651, %get3A_652] {strides = array<i32>} : memref<5x64x256xf32, #tpu.memory_space<vmem>>, vector<1x1x16xf32>,
        %get3A_654 = vector.shape_cast %get3A_653 : vector<1x1x16xf32> to vector<16xf32>
        %mul3A_655 = arith.constant 1.61803401 : f32
        %mul3A_656 = vector.broadcast %mul3A_655 : f32 to vector<16xf32>
        %mul3A_657 = arith.mulf %get3A_654, %mul3A_656 : vector<16xf32>
        %swap3A_658 = arith.constant 0 : i32
        %swap3A_659 = arith.index_cast %swap3A_658 : i32 to index
        %swap3A_660 = arith.index_cast %scan3A_409 : i32 to index
        %swap3A_661 = arith.constant 240 : index
        %swap3A_662 = tpu.vector_load %arg6[%swap3A_659, %swap3A_660, %swap3A_661] {strides = array<i32>} : memref<5x64x256xf32, #tpu.memory_space<vmem>>, vector<1x1x16xf32>,
        %swap3A_663 = vector.shape_cast %swap3A_662 : vector<1x1x16xf32> to vector<16xf32>
        %swap3A_664 = vector.shape_cast %mul3A_657 : vector<16xf32> to vector<1x1x16xf32>
        tpu.vector_store %arg6[%swap3A_659, %swap3A_660, %swap3A_661], %swap3A_664 {strides = array<i32>} : memref<5x64x256xf32, #tpu.memory_space<vmem>>, vector<1x1x16xf32>,
        %scan3A_665 = arith.constant 0 : i32
        scf.yield %scan3A_665 : i32
      }
      %scan3A_159 = arith.constant 64 : i32
      %mul3A_160 = arith.constant 64 : i32
      %mul3A_161 = arith.muli %add3A_127, %mul3A_160 : i32
      %add3A_162 = arith.addi %mul3A_2, %mul3A_161 : i32
      %dma_start3A_163 = arith.constant 0 : i32
      %dma_start3A_164 = arith.constant 0 : i32
      %dma_start3A_165 = arith.constant 0 : i32
      %dma_start3A_166 = tpu.memref_slice %arg6[%dma_start3A_163, %dma_start3A_164, %dma_start3A_165] : memref<5x64x256xf32, #tpu.memory_space<vmem>> -> memref<1x64x256xf32, #tpu.memory_space<vmem>>
      %dma_start3A_167 = tpu.memref_squeeze %dma_start3A_166 : memref<1x64x256xf32, #tpu.memory_space<vmem>> -> memref<64x256xf32, #tpu.memory_space<vmem>>
      %dma_start3A_168 = arith.constant 0 : i32
      %dma_start3A_169 = tpu.memref_slice %arg4[%add3A_162, %dma_start3A_168] : memref<204800x256xf32, #tpu.memory_space<hbm>> -> memref<64x256xf32, #tpu.memory_space<hbm>>
      %dma_start3A_170 = arith.constant 0 : i32
      %dma_start3A_171 = tpu.memref_slice %arg4[%add3A_162, %dma_start3A_170] : memref<204800x256xf32, #tpu.memory_space<hbm>> -> memref<64x256xf32, #tpu.memory_space<hbm>>
      %dma_start3A_172 = arith.constant 0 : i32
      %dma_start3A_173 = arith.constant 0 : i32
      %dma_start3A_174 = tpu.memref_slice %arg6[%dma_start3A_163, %dma_start3A_172, %dma_start3A_173] : memref<5x64x256xf32, #tpu.memory_space<vmem>> -> memref<1x64x256xf32, #tpu.memory_space<vmem>>
      %dma_start3A_175 = tpu.memref_squeeze %dma_start3A_174 : memref<1x64x256xf32, #tpu.memory_space<vmem>> -> memref<64x256xf32, #tpu.memory_space<vmem>>
      tpu.enqueue_dma source(%dma_start3A_175 : memref<64x256xf32, #tpu.memory_space<vmem>>) target(%dma_start3A_171 : memref<64x256xf32, #tpu.memory_space<hbm>>) target_semaphore(%arg12 : memref<!tpu.dma_semaphore, #tpu.memory_space<semaphore_mem>>)
      %mul3A_176 = arith.constant 5 : i32
      %mul3A_177 = arith.muli %scan3A_122, %mul3A_176 : i32
      %add3A_178 = arith.constant 1 : i32
      %add3A_179 = arith.addi %mul3A_177, %add3A_178 : i32
      %add3A_180 = arith.constant 5 : i32
      %add3A_181 = arith.addi %add3A_179, %add3A_180 : i32
      %sub3A_182 = arith.constant 1 : i32
      %sub3A_183 = arith.subi %add3A_181, %sub3A_182 : i32
      %lt3A_184 = arith.constant 100 : i32
      %lt3A_185 = arith.cmpi slt, %sub3A_183, %lt3A_184 : i32
      %ge3A_186 = arith.constant 5 : i32
      %ge3A_187 = arith.cmpi sge, %sub3A_183, %ge3A_186 : i32
      %and3A_188 = arith.andi %lt3A_185, %ge3A_187 : i1
      %convert_element_type3A_189 = arith.extui %and3A_188 : i1 to i32
      %cond3A_190 = arith.constant 0 : i32
      %cond3A_191 = arith.cmpi ne, %convert_element_type3A_189, %cond3A_190 : i32
      scf.if %cond3A_191 {
        %sub3A_409 = arith.constant 5 : i32
        %sub3A_410 = arith.subi %sub3A_183, %sub3A_409 : i32
        %mul3A_411 = arith.constant 64 : i32
        %mul3A_412 = arith.muli %sub3A_410, %mul3A_411 : i32
        %add3A_413 = arith.addi %mul3A_2, %mul3A_412 : i32
        %dma_wait3A_414 = arith.constant 0 : i32
        %dma_wait3A_415 = arith.constant 0 : i32
        %dma_wait3A_416 = arith.constant 0 : i32
        %dma_wait3A_417 = tpu.memref_slice %arg6[%dma_wait3A_414, %dma_wait3A_415, %dma_wait3A_416] : memref<5x64x256xf32, #tpu.memory_space<vmem>> -> memref<1x64x256xf32, #tpu.memory_space<vmem>>
        %dma_wait3A_418 = tpu.memref_squeeze %dma_wait3A_417 : memref<1x64x256xf32, #tpu.memory_space<vmem>> -> memref<64x256xf32, #tpu.memory_space<vmem>>
        %dma_wait3A_419 = arith.constant 0 : i32
        %dma_wait3A_420 = tpu.memref_slice %arg4[%add3A_413, %dma_wait3A_419] : memref<204800x256xf32, #tpu.memory_space<hbm>> -> memref<64x256xf32, #tpu.memory_space<hbm>>
        %dma_wait3A_421 = arith.constant 0 : i32
        %dma_wait3A_422 = tpu.memref_slice %arg4[%add3A_413, %dma_wait3A_421] : memref<204800x256xf32, #tpu.memory_space<hbm>> -> memref<64x256xf32, #tpu.memory_space<hbm>>
        %dma_wait3A_423 = arith.constant 0 : i32
        %dma_wait3A_424 = arith.constant 0 : i32
        %dma_wait3A_425 = tpu.memref_slice %arg6[%dma_wait3A_414, %dma_wait3A_423, %dma_wait3A_424] : memref<5x64x256xf32, #tpu.memory_space<vmem>> -> memref<1x64x256xf32, #tpu.memory_space<vmem>>
        %dma_wait3A_426 = tpu.memref_squeeze %dma_wait3A_425 : memref<1x64x256xf32, #tpu.memory_space<vmem>> -> memref<64x256xf32, #tpu.memory_space<vmem>>
        tpu.wait_dma2 semaphore(%arg12 : memref<!tpu.dma_semaphore, #tpu.memory_space<semaphore_mem>>) src(%dma_wait3A_426 : memref<64x256xf32, #tpu.memory_space<vmem>>) dst(%dma_wait3A_422 : memref<64x256xf32, #tpu.memory_space<hbm>>)
        %mul3A_427 = arith.constant 64 : i32
        %mul3A_428 = arith.muli %sub3A_183, %mul3A_427 : i32
        %dma_start3A_429 = arith.constant 0 : i32
        %dma_start3A_430 = arith.constant 0 : i32
        %dma_start3A_431 = arith.constant 0 : i32
        %dma_start3A_432 = tpu.memref_slice %arg6[%dma_start3A_429, %dma_start3A_430, %dma_start3A_431] : memref<5x64x256xf32, #tpu.memory_space<vmem>> -> memref<1x64x256xf32, #tpu.memory_space<vmem>>
        %dma_start3A_433 = tpu.memref_squeeze %dma_start3A_432 : memref<1x64x256xf32, #tpu.memory_space<vmem>> -> memref<64x256xf32, #tpu.memory_space<vmem>>
        %dma_start3A_434 = tpu.memref_slice %arg5[%mul3A_428] : memref<6400xi32, #tpu.memory_space<vmem>> -> memref<64xi32, #tpu.memory_space<vmem>>
        %dma_start3A_435 = arith.constant 0 : i32
        %dma_start3A_436 = arith.constant 0 : i32
        %dma_start3A_437 = tpu.memref_slice %arg2[%dma_start3A_435, %dma_start3A_436] : memref<163840x256xf32, #tpu.memory_space<hbm>> -> memref<163840x256xf32, #tpu.memory_space<hbm>>
        tpu.enqueue_indirect_dma source(%dma_start3A_437 : memref<163840x256xf32, #tpu.memory_space<hbm>>) target(%dma_start3A_433 : memref<64x256xf32, #tpu.memory_space<vmem>>) offsets(%dma_start3A_434 : memref<64xi32, #tpu.memory_space<vmem>>) semaphore(%arg7 : memref<!tpu.dma_semaphore, #tpu.memory_space<semaphore_mem>>)
      } else {
      }
      %lt3A_192 = arith.constant 100 : i32
      %lt3A_193 = arith.cmpi slt, %sub3A_183, %lt3A_192 : i32
      %lt3A_194 = arith.constant 5 : i32
      %lt3A_195 = arith.cmpi slt, %sub3A_183, %lt3A_194 : i32
      %and3A_196 = arith.andi %lt3A_193, %lt3A_195 : i1
      %convert_element_type3A_197 = arith.extui %and3A_196 : i1 to i32
      %cond3A_198 = arith.constant 0 : i32
      %cond3A_199 = arith.cmpi ne, %convert_element_type3A_197, %cond3A_198 : i32
      scf.if %cond3A_199 {
        %mul3A_409 = arith.constant 64 : i32
        %mul3A_410 = arith.muli %sub3A_183, %mul3A_409 : i32
        %dma_start3A_411 = arith.constant 0 : i32
        %dma_start3A_412 = arith.constant 0 : i32
        %dma_start3A_413 = arith.constant 0 : i32
        %dma_start3A_414 = tpu.memref_slice %arg6[%dma_start3A_411, %dma_start3A_412, %dma_start3A_413] : memref<5x64x256xf32, #tpu.memory_space<vmem>> -> memref<1x64x256xf32, #tpu.memory_space<vmem>>
        %dma_start3A_415 = tpu.memref_squeeze %dma_start3A_414 : memref<1x64x256xf32, #tpu.memory_space<vmem>> -> memref<64x256xf32, #tpu.memory_space<vmem>>
        %dma_start3A_416 = tpu.memref_slice %arg5[%mul3A_410] : memref<6400xi32, #tpu.memory_space<vmem>> -> memref<64xi32, #tpu.memory_space<vmem>>
        %dma_start3A_417 = arith.constant 0 : i32
        %dma_start3A_418 = arith.constant 0 : i32
        %dma_start3A_419 = tpu.memref_slice %arg2[%dma_start3A_417, %dma_start3A_418] : memref<163840x256xf32, #tpu.memory_space<hbm>> -> memref<163840x256xf32, #tpu.memory_space<hbm>>
        tpu.enqueue_indirect_dma source(%dma_start3A_419 : memref<163840x256xf32, #tpu.memory_space<hbm>>) target(%dma_start3A_415 : memref<64x256xf32, #tpu.memory_space<vmem>>) offsets(%dma_start3A_416 : memref<64xi32, #tpu.memory_space<vmem>>) semaphore(%arg7 : memref<!tpu.dma_semaphore, #tpu.memory_space<semaphore_mem>>)
      } else {
      }
      %mul3A_200 = arith.constant 64 : i32
      %mul3A_201 = arith.muli %add3A_179, %mul3A_200 : i32
      %dma_wait3A_202 = arith.constant 1 : i32
      %dma_wait3A_203 = arith.constant 0 : i32
      %dma_wait3A_204 = arith.constant 0 : i32
      %dma_wait3A_205 = tpu.memref_slice %arg6[%dma_wait3A_202, %dma_wait3A_203, %dma_wait3A_204] : memref<5x64x256xf32, #tpu.memory_space<vmem>> -> memref<1x64x256xf32, #tpu.memory_space<vmem>>
      %dma_wait3A_206 = tpu.memref_squeeze %dma_wait3A_205 : memref<1x64x256xf32, #tpu.memory_space<vmem>> -> memref<64x256xf32, #tpu.memory_space<vmem>>
      %dma_wait3A_207 = tpu.memref_slice %arg5[%mul3A_201] : memref<6400xi32, #tpu.memory_space<vmem>> -> memref<64xi32, #tpu.memory_space<vmem>>
      %dma_wait3A_208 = arith.constant 0 : i32
      %dma_wait3A_209 = arith.constant 0 : i32
      %dma_wait3A_210 = tpu.memref_slice %arg2[%dma_wait3A_208, %dma_wait3A_209] : memref<163840x256xf32, #tpu.memory_space<hbm>> -> memref<163840x256xf32, #tpu.memory_space<hbm>>
      tpu.wait_indirect_dma semaphore(%arg8 : memref<!tpu.dma_semaphore, #tpu.memory_space<semaphore_mem>>) src(%dma_wait3A_210 : memref<163840x256xf32, #tpu.memory_space<hbm>>) dst(%dma_wait3A_206 : memref<64x256xf32, #tpu.memory_space<vmem>>)
      %scan3A_211 = arith.constant 0 : i32
      %scan3A_212 = arith.constant 0 : i32
      %scan3A_213 = arith.constant 64 : i32
      %scan3A_214 = arith.addi %scan3A_212, %scan3A_213 : i32
      %scan3A_215 = arith.constant 1 : i32
      %scan3A_216 = scf.for %scan3A_409 = %scan3A_212 to %scan3A_214 step %scan3A_215 iter_args(%scan3A_410 = %scan3A_211) -> (i32)  : i32 {
        %get3A = arith.constant 1 : i32
        %get3A_411 = arith.index_cast %get3A : i32 to index
        %get3A_412 = arith.index_cast %scan3A_409 : i32 to index
        %get3A_413 = arith.constant 0 : index
        %get3A_414 = tpu.vector_load %arg6[%get3A_411, %get3A_412, %get3A_413] {strides = array<i32>} : memref<5x64x256xf32, #tpu.memory_space<vmem>>, vector<1x1x16xf32>,
        %get3A_415 = vector.shape_cast %get3A_414 : vector<1x1x16xf32> to vector<16xf32>
        %mul3A_416 = arith.constant 1.61803401 : f32
        %mul3A_417 = vector.broadcast %mul3A_416 : f32 to vector<16xf32>
        %mul3A_418 = arith.mulf %get3A_415, %mul3A_417 : vector<16xf32>
        %swap3A = arith.constant 1 : i32
        %swap3A_419 = arith.index_cast %swap3A : i32 to index
        %swap3A_420 = arith.index_cast %scan3A_409 : i32 to index
        %swap3A_421 = arith.constant 0 : index
        %swap3A_422 = tpu.vector_load %arg6[%swap3A_419, %swap3A_420, %swap3A_421] {strides = array<i32>} : memref<5x64x256xf32, #tpu.memory_space<vmem>>, vector<1x1x16xf32>,
        %swap3A_423 = vector.shape_cast %swap3A_422 : vector<1x1x16xf32> to vector<16xf32>
        %swap3A_424 = vector.shape_cast %mul3A_418 : vector<16xf32> to vector<1x1x16xf32>
        tpu.vector_store %arg6[%swap3A_419, %swap3A_420, %swap3A_421], %swap3A_424 {strides = array<i32>} : memref<5x64x256xf32, #tpu.memory_space<vmem>>, vector<1x1x16xf32>,
        %get3A_425 = arith.constant 1 : i32
        %get3A_426 = arith.index_cast %get3A_425 : i32 to index
        %get3A_427 = arith.index_cast %scan3A_409 : i32 to index
        %get3A_428 = arith.constant 16 : index
        %get3A_429 = tpu.vector_load %arg6[%get3A_426, %get3A_427, %get3A_428] {strides = array<i32>} : memref<5x64x256xf32, #tpu.memory_space<vmem>>, vector<1x1x16xf32>,
        %get3A_430 = vector.shape_cast %get3A_429 : vector<1x1x16xf32> to vector<16xf32>
        %mul3A_431 = arith.constant 1.61803401 : f32
        %mul3A_432 = vector.broadcast %mul3A_431 : f32 to vector<16xf32>
        %mul3A_433 = arith.mulf %get3A_430, %mul3A_432 : vector<16xf32>
        %swap3A_434 = arith.constant 1 : i32
        %swap3A_435 = arith.index_cast %swap3A_434 : i32 to index
        %swap3A_436 = arith.index_cast %scan3A_409 : i32 to index
        %swap3A_437 = arith.constant 16 : index
        %swap3A_438 = tpu.vector_load %arg6[%swap3A_435, %swap3A_436, %swap3A_437] {strides = array<i32>} : memref<5x64x256xf32, #tpu.memory_space<vmem>>, vector<1x1x16xf32>,
        %swap3A_439 = vector.shape_cast %swap3A_438 : vector<1x1x16xf32> to vector<16xf32>
        %swap3A_440 = vector.shape_cast %mul3A_433 : vector<16xf32> to vector<1x1x16xf32>
        tpu.vector_store %arg6[%swap3A_435, %swap3A_436, %swap3A_437], %swap3A_440 {strides = array<i32>} : memref<5x64x256xf32, #tpu.memory_space<vmem>>, vector<1x1x16xf32>,
        %get3A_441 = arith.constant 1 : i32
        %get3A_442 = arith.index_cast %get3A_441 : i32 to index
        %get3A_443 = arith.index_cast %scan3A_409 : i32 to index
        %get3A_444 = arith.constant 32 : index
        %get3A_445 = tpu.vector_load %arg6[%get3A_442, %get3A_443, %get3A_444] {strides = array<i32>} : memref<5x64x256xf32, #tpu.memory_space<vmem>>, vector<1x1x16xf32>,
        %get3A_446 = vector.shape_cast %get3A_445 : vector<1x1x16xf32> to vector<16xf32>
        %mul3A_447 = arith.constant 1.61803401 : f32
        %mul3A_448 = vector.broadcast %mul3A_447 : f32 to vector<16xf32>
        %mul3A_449 = arith.mulf %get3A_446, %mul3A_448 : vector<16xf32>
        %swap3A_450 = arith.constant 1 : i32
        %swap3A_451 = arith.index_cast %swap3A_450 : i32 to index
        %swap3A_452 = arith.index_cast %scan3A_409 : i32 to index
        %swap3A_453 = arith.constant 32 : index
        %swap3A_454 = tpu.vector_load %arg6[%swap3A_451, %swap3A_452, %swap3A_453] {strides = array<i32>} : memref<5x64x256xf32, #tpu.memory_space<vmem>>, vector<1x1x16xf32>,
        %swap3A_455 = vector.shape_cast %swap3A_454 : vector<1x1x16xf32> to vector<16xf32>
        %swap3A_456 = vector.shape_cast %mul3A_449 : vector<16xf32> to vector<1x1x16xf32>
        tpu.vector_store %arg6[%swap3A_451, %swap3A_452, %swap3A_453], %swap3A_456 {strides = array<i32>} : memref<5x64x256xf32, #tpu.memory_space<vmem>>, vector<1x1x16xf32>,
        %get3A_457 = arith.constant 1 : i32
        %get3A_458 = arith.index_cast %get3A_457 : i32 to index
        %get3A_459 = arith.index_cast %scan3A_409 : i32 to index
        %get3A_460 = arith.constant 48 : index
        %get3A_461 = tpu.vector_load %arg6[%get3A_458, %get3A_459, %get3A_460] {strides = array<i32>} : memref<5x64x256xf32, #tpu.memory_space<vmem>>, vector<1x1x16xf32>,
        %get3A_462 = vector.shape_cast %get3A_461 : vector<1x1x16xf32> to vector<16xf32>
        %mul3A_463 = arith.constant 1.61803401 : f32
        %mul3A_464 = vector.broadcast %mul3A_463 : f32 to vector<16xf32>
        %mul3A_465 = arith.mulf %get3A_462, %mul3A_464 : vector<16xf32>
        %swap3A_466 = arith.constant 1 : i32
        %swap3A_467 = arith.index_cast %swap3A_466 : i32 to index
        %swap3A_468 = arith.index_cast %scan3A_409 : i32 to index
        %swap3A_469 = arith.constant 48 : index
        %swap3A_470 = tpu.vector_load %arg6[%swap3A_467, %swap3A_468, %swap3A_469] {strides = array<i32>} : memref<5x64x256xf32, #tpu.memory_space<vmem>>, vector<1x1x16xf32>,
        %swap3A_471 = vector.shape_cast %swap3A_470 : vector<1x1x16xf32> to vector<16xf32>
        %swap3A_472 = vector.shape_cast %mul3A_465 : vector<16xf32> to vector<1x1x16xf32>
        tpu.vector_store %arg6[%swap3A_467, %swap3A_468, %swap3A_469], %swap3A_472 {strides = array<i32>} : memref<5x64x256xf32, #tpu.memory_space<vmem>>, vector<1x1x16xf32>,
        %get3A_473 = arith.constant 1 : i32
        %get3A_474 = arith.index_cast %get3A_473 : i32 to index
        %get3A_475 = arith.index_cast %scan3A_409 : i32 to index
        %get3A_476 = arith.constant 64 : index
        %get3A_477 = tpu.vector_load %arg6[%get3A_474, %get3A_475, %get3A_476] {strides = array<i32>} : memref<5x64x256xf32, #tpu.memory_space<vmem>>, vector<1x1x16xf32>,
        %get3A_478 = vector.shape_cast %get3A_477 : vector<1x1x16xf32> to vector<16xf32>
        %mul3A_479 = arith.constant 1.61803401 : f32
        %mul3A_480 = vector.broadcast %mul3A_479 : f32 to vector<16xf32>
        %mul3A_481 = arith.mulf %get3A_478, %mul3A_480 : vector<16xf32>
        %swap3A_482 = arith.constant 1 : i32
        %swap3A_483 = arith.index_cast %swap3A_482 : i32 to index
        %swap3A_484 = arith.index_cast %scan3A_409 : i32 to index
        %swap3A_485 = arith.constant 64 : index
        %swap3A_486 = tpu.vector_load %arg6[%swap3A_483, %swap3A_484, %swap3A_485] {strides = array<i32>} : memref<5x64x256xf32, #tpu.memory_space<vmem>>, vector<1x1x16xf32>,
        %swap3A_487 = vector.shape_cast %swap3A_486 : vector<1x1x16xf32> to vector<16xf32>
        %swap3A_488 = vector.shape_cast %mul3A_481 : vector<16xf32> to vector<1x1x16xf32>
        tpu.vector_store %arg6[%swap3A_483, %swap3A_484, %swap3A_485], %swap3A_488 {strides = array<i32>} : memref<5x64x256xf32, #tpu.memory_space<vmem>>, vector<1x1x16xf32>,
        %get3A_489 = arith.constant 1 : i32
        %get3A_490 = arith.index_cast %get3A_489 : i32 to index
        %get3A_491 = arith.index_cast %scan3A_409 : i32 to index
        %get3A_492 = arith.constant 80 : index
        %get3A_493 = tpu.vector_load %arg6[%get3A_490, %get3A_491, %get3A_492] {strides = array<i32>} : memref<5x64x256xf32, #tpu.memory_space<vmem>>, vector<1x1x16xf32>,
        %get3A_494 = vector.shape_cast %get3A_493 : vector<1x1x16xf32> to vector<16xf32>
        %mul3A_495 = arith.constant 1.61803401 : f32
        %mul3A_496 = vector.broadcast %mul3A_495 : f32 to vector<16xf32>
        %mul3A_497 = arith.mulf %get3A_494, %mul3A_496 : vector<16xf32>
        %swap3A_498 = arith.constant 1 : i32
        %swap3A_499 = arith.index_cast %swap3A_498 : i32 to index
        %swap3A_500 = arith.index_cast %scan3A_409 : i32 to index
        %swap3A_501 = arith.constant 80 : index
        %swap3A_502 = tpu.vector_load %arg6[%swap3A_499, %swap3A_500, %swap3A_501] {strides = array<i32>} : memref<5x64x256xf32, #tpu.memory_space<vmem>>, vector<1x1x16xf32>,
        %swap3A_503 = vector.shape_cast %swap3A_502 : vector<1x1x16xf32> to vector<16xf32>
        %swap3A_504 = vector.shape_cast %mul3A_497 : vector<16xf32> to vector<1x1x16xf32>
        tpu.vector_store %arg6[%swap3A_499, %swap3A_500, %swap3A_501], %swap3A_504 {strides = array<i32>} : memref<5x64x256xf32, #tpu.memory_space<vmem>>, vector<1x1x16xf32>,
        %get3A_505 = arith.constant 1 : i32
        %get3A_506 = arith.index_cast %get3A_505 : i32 to index
        %get3A_507 = arith.index_cast %scan3A_409 : i32 to index
        %get3A_508 = arith.constant 96 : index
        %get3A_509 = tpu.vector_load %arg6[%get3A_506, %get3A_507, %get3A_508] {strides = array<i32>} : memref<5x64x256xf32, #tpu.memory_space<vmem>>, vector<1x1x16xf32>,
        %get3A_510 = vector.shape_cast %get3A_509 : vector<1x1x16xf32> to vector<16xf32>
        %mul3A_511 = arith.constant 1.61803401 : f32
        %mul3A_512 = vector.broadcast %mul3A_511 : f32 to vector<16xf32>
        %mul3A_513 = arith.mulf %get3A_510, %mul3A_512 : vector<16xf32>
        %swap3A_514 = arith.constant 1 : i32
        %swap3A_515 = arith.index_cast %swap3A_514 : i32 to index
        %swap3A_516 = arith.index_cast %scan3A_409 : i32 to index
        %swap3A_517 = arith.constant 96 : index
        %swap3A_518 = tpu.vector_load %arg6[%swap3A_515, %swap3A_516, %swap3A_517] {strides = array<i32>} : memref<5x64x256xf32, #tpu.memory_space<vmem>>, vector<1x1x16xf32>,
        %swap3A_519 = vector.shape_cast %swap3A_518 : vector<1x1x16xf32> to vector<16xf32>
        %swap3A_520 = vector.shape_cast %mul3A_513 : vector<16xf32> to vector<1x1x16xf32>
        tpu.vector_store %arg6[%swap3A_515, %swap3A_516, %swap3A_517], %swap3A_520 {strides = array<i32>} : memref<5x64x256xf32, #tpu.memory_space<vmem>>, vector<1x1x16xf32>,
        %get3A_521 = arith.constant 1 : i32
        %get3A_522 = arith.index_cast %get3A_521 : i32 to index
        %get3A_523 = arith.index_cast %scan3A_409 : i32 to index
        %get3A_524 = arith.constant 112 : index
        %get3A_525 = tpu.vector_load %arg6[%get3A_522, %get3A_523, %get3A_524] {strides = array<i32>} : memref<5x64x256xf32, #tpu.memory_space<vmem>>, vector<1x1x16xf32>,
        %get3A_526 = vector.shape_cast %get3A_525 : vector<1x1x16xf32> to vector<16xf32>
        %mul3A_527 = arith.constant 1.61803401 : f32
        %mul3A_528 = vector.broadcast %mul3A_527 : f32 to vector<16xf32>
        %mul3A_529 = arith.mulf %get3A_526, %mul3A_528 : vector<16xf32>
        %swap3A_530 = arith.constant 1 : i32
        %swap3A_531 = arith.index_cast %swap3A_530 : i32 to index
        %swap3A_532 = arith.index_cast %scan3A_409 : i32 to index
        %swap3A_533 = arith.constant 112 : index
        %swap3A_534 = tpu.vector_load %arg6[%swap3A_531, %swap3A_532, %swap3A_533] {strides = array<i32>} : memref<5x64x256xf32, #tpu.memory_space<vmem>>, vector<1x1x16xf32>,
        %swap3A_535 = vector.shape_cast %swap3A_534 : vector<1x1x16xf32> to vector<16xf32>
        %swap3A_536 = vector.shape_cast %mul3A_529 : vector<16xf32> to vector<1x1x16xf32>
        tpu.vector_store %arg6[%swap3A_531, %swap3A_532, %swap3A_533], %swap3A_536 {strides = array<i32>} : memref<5x64x256xf32, #tpu.memory_space<vmem>>, vector<1x1x16xf32>,
        %get3A_537 = arith.constant 1 : i32
        %get3A_538 = arith.index_cast %get3A_537 : i32 to index
        %get3A_539 = arith.index_cast %scan3A_409 : i32 to index
        %get3A_540 = arith.constant 128 : index
        %get3A_541 = tpu.vector_load %arg6[%get3A_538, %get3A_539, %get3A_540] {strides = array<i32>} : memref<5x64x256xf32, #tpu.memory_space<vmem>>, vector<1x1x16xf32>,
        %get3A_542 = vector.shape_cast %get3A_541 : vector<1x1x16xf32> to vector<16xf32>
        %mul3A_543 = arith.constant 1.61803401 : f32
        %mul3A_544 = vector.broadcast %mul3A_543 : f32 to vector<16xf32>
        %mul3A_545 = arith.mulf %get3A_542, %mul3A_544 : vector<16xf32>
        %swap3A_546 = arith.constant 1 : i32
        %swap3A_547 = arith.index_cast %swap3A_546 : i32 to index
        %swap3A_548 = arith.index_cast %scan3A_409 : i32 to index
        %swap3A_549 = arith.constant 128 : index
        %swap3A_550 = tpu.vector_load %arg6[%swap3A_547, %swap3A_548, %swap3A_549] {strides = array<i32>} : memref<5x64x256xf32, #tpu.memory_space<vmem>>, vector<1x1x16xf32>,
        %swap3A_551 = vector.shape_cast %swap3A_550 : vector<1x1x16xf32> to vector<16xf32>
        %swap3A_552 = vector.shape_cast %mul3A_545 : vector<16xf32> to vector<1x1x16xf32>
        tpu.vector_store %arg6[%swap3A_547, %swap3A_548, %swap3A_549], %swap3A_552 {strides = array<i32>} : memref<5x64x256xf32, #tpu.memory_space<vmem>>, vector<1x1x16xf32>,
        %get3A_553 = arith.constant 1 : i32
        %get3A_554 = arith.index_cast %get3A_553 : i32 to index
        %get3A_555 = arith.index_cast %scan3A_409 : i32 to index
        %get3A_556 = arith.constant 144 : index
        %get3A_557 = tpu.vector_load %arg6[%get3A_554, %get3A_555, %get3A_556] {strides = array<i32>} : memref<5x64x256xf32, #tpu.memory_space<vmem>>, vector<1x1x16xf32>,
        %get3A_558 = vector.shape_cast %get3A_557 : vector<1x1x16xf32> to vector<16xf32>
        %mul3A_559 = arith.constant 1.61803401 : f32
        %mul3A_560 = vector.broadcast %mul3A_559 : f32 to vector<16xf32>
        %mul3A_561 = arith.mulf %get3A_558, %mul3A_560 : vector<16xf32>
        %swap3A_562 = arith.constant 1 : i32
        %swap3A_563 = arith.index_cast %swap3A_562 : i32 to index
        %swap3A_564 = arith.index_cast %scan3A_409 : i32 to index
        %swap3A_565 = arith.constant 144 : index
        %swap3A_566 = tpu.vector_load %arg6[%swap3A_563, %swap3A_564, %swap3A_565] {strides = array<i32>} : memref<5x64x256xf32, #tpu.memory_space<vmem>>, vector<1x1x16xf32>,
        %swap3A_567 = vector.shape_cast %swap3A_566 : vector<1x1x16xf32> to vector<16xf32>
        %swap3A_568 = vector.shape_cast %mul3A_561 : vector<16xf32> to vector<1x1x16xf32>
        tpu.vector_store %arg6[%swap3A_563, %swap3A_564, %swap3A_565], %swap3A_568 {strides = array<i32>} : memref<5x64x256xf32, #tpu.memory_space<vmem>>, vector<1x1x16xf32>,
        %get3A_569 = arith.constant 1 : i32
        %get3A_570 = arith.index_cast %get3A_569 : i32 to index
        %get3A_571 = arith.index_cast %scan3A_409 : i32 to index
        %get3A_572 = arith.constant 160 : index
        %get3A_573 = tpu.vector_load %arg6[%get3A_570, %get3A_571, %get3A_572] {strides = array<i32>} : memref<5x64x256xf32, #tpu.memory_space<vmem>>, vector<1x1x16xf32>,
        %get3A_574 = vector.shape_cast %get3A_573 : vector<1x1x16xf32> to vector<16xf32>
        %mul3A_575 = arith.constant 1.61803401 : f32
        %mul3A_576 = vector.broadcast %mul3A_575 : f32 to vector<16xf32>
        %mul3A_577 = arith.mulf %get3A_574, %mul3A_576 : vector<16xf32>
        %swap3A_578 = arith.constant 1 : i32
        %swap3A_579 = arith.index_cast %swap3A_578 : i32 to index
        %swap3A_580 = arith.index_cast %scan3A_409 : i32 to index
        %swap3A_581 = arith.constant 160 : index
        %swap3A_582 = tpu.vector_load %arg6[%swap3A_579, %swap3A_580, %swap3A_581] {strides = array<i32>} : memref<5x64x256xf32, #tpu.memory_space<vmem>>, vector<1x1x16xf32>,
        %swap3A_583 = vector.shape_cast %swap3A_582 : vector<1x1x16xf32> to vector<16xf32>
        %swap3A_584 = vector.shape_cast %mul3A_577 : vector<16xf32> to vector<1x1x16xf32>
        tpu.vector_store %arg6[%swap3A_579, %swap3A_580, %swap3A_581], %swap3A_584 {strides = array<i32>} : memref<5x64x256xf32, #tpu.memory_space<vmem>>, vector<1x1x16xf32>,
        %get3A_585 = arith.constant 1 : i32
        %get3A_586 = arith.index_cast %get3A_585 : i32 to index
        %get3A_587 = arith.index_cast %scan3A_409 : i32 to index
        %get3A_588 = arith.constant 176 : index
        %get3A_589 = tpu.vector_load %arg6[%get3A_586, %get3A_587, %get3A_588] {strides = array<i32>} : memref<5x64x256xf32, #tpu.memory_space<vmem>>, vector<1x1x16xf32>,
        %get3A_590 = vector.shape_cast %get3A_589 : vector<1x1x16xf32> to vector<16xf32>
        %mul3A_591 = arith.constant 1.61803401 : f32
        %mul3A_592 = vector.broadcast %mul3A_591 : f32 to vector<16xf32>
        %mul3A_593 = arith.mulf %get3A_590, %mul3A_592 : vector<16xf32>
        %swap3A_594 = arith.constant 1 : i32
        %swap3A_595 = arith.index_cast %swap3A_594 : i32 to index
        %swap3A_596 = arith.index_cast %scan3A_409 : i32 to index
        %swap3A_597 = arith.constant 176 : index
        %swap3A_598 = tpu.vector_load %arg6[%swap3A_595, %swap3A_596, %swap3A_597] {strides = array<i32>} : memref<5x64x256xf32, #tpu.memory_space<vmem>>, vector<1x1x16xf32>,
        %swap3A_599 = vector.shape_cast %swap3A_598 : vector<1x1x16xf32> to vector<16xf32>
        %swap3A_600 = vector.shape_cast %mul3A_593 : vector<16xf32> to vector<1x1x16xf32>
        tpu.vector_store %arg6[%swap3A_595, %swap3A_596, %swap3A_597], %swap3A_600 {strides = array<i32>} : memref<5x64x256xf32, #tpu.memory_space<vmem>>, vector<1x1x16xf32>,
        %get3A_601 = arith.constant 1 : i32
        %get3A_602 = arith.index_cast %get3A_601 : i32 to index
        %get3A_603 = arith.index_cast %scan3A_409 : i32 to index
        %get3A_604 = arith.constant 192 : index
        %get3A_605 = tpu.vector_load %arg6[%get3A_602, %get3A_603, %get3A_604] {strides = array<i32>} : memref<5x64x256xf32, #tpu.memory_space<vmem>>, vector<1x1x16xf32>,
        %get3A_606 = vector.shape_cast %get3A_605 : vector<1x1x16xf32> to vector<16xf32>
        %mul3A_607 = arith.constant 1.61803401 : f32
        %mul3A_608 = vector.broadcast %mul3A_607 : f32 to vector<16xf32>
        %mul3A_609 = arith.mulf %get3A_606, %mul3A_608 : vector<16xf32>
        %swap3A_610 = arith.constant 1 : i32
        %swap3A_611 = arith.index_cast %swap3A_610 : i32 to index
        %swap3A_612 = arith.index_cast %scan3A_409 : i32 to index
        %swap3A_613 = arith.constant 192 : index
        %swap3A_614 = tpu.vector_load %arg6[%swap3A_611, %swap3A_612, %swap3A_613] {strides = array<i32>} : memref<5x64x256xf32, #tpu.memory_space<vmem>>, vector<1x1x16xf32>,
        %swap3A_615 = vector.shape_cast %swap3A_614 : vector<1x1x16xf32> to vector<16xf32>
        %swap3A_616 = vector.shape_cast %mul3A_609 : vector<16xf32> to vector<1x1x16xf32>
        tpu.vector_store %arg6[%swap3A_611, %swap3A_612, %swap3A_613], %swap3A_616 {strides = array<i32>} : memref<5x64x256xf32, #tpu.memory_space<vmem>>, vector<1x1x16xf32>,
        %get3A_617 = arith.constant 1 : i32
        %get3A_618 = arith.index_cast %get3A_617 : i32 to index
        %get3A_619 = arith.index_cast %scan3A_409 : i32 to index
        %get3A_620 = arith.constant 208 : index
        %get3A_621 = tpu.vector_load %arg6[%get3A_618, %get3A_619, %get3A_620] {strides = array<i32>} : memref<5x64x256xf32, #tpu.memory_space<vmem>>, vector<1x1x16xf32>,
        %get3A_622 = vector.shape_cast %get3A_621 : vector<1x1x16xf32> to vector<16xf32>
        %mul3A_623 = arith.constant 1.61803401 : f32
        %mul3A_624 = vector.broadcast %mul3A_623 : f32 to vector<16xf32>
        %mul3A_625 = arith.mulf %get3A_622, %mul3A_624 : vector<16xf32>
        %swap3A_626 = arith.constant 1 : i32
        %swap3A_627 = arith.index_cast %swap3A_626 : i32 to index
        %swap3A_628 = arith.index_cast %scan3A_409 : i32 to index
        %swap3A_629 = arith.constant 208 : index
        %swap3A_630 = tpu.vector_load %arg6[%swap3A_627, %swap3A_628, %swap3A_629] {strides = array<i32>} : memref<5x64x256xf32, #tpu.memory_space<vmem>>, vector<1x1x16xf32>,
        %swap3A_631 = vector.shape_cast %swap3A_630 : vector<1x1x16xf32> to vector<16xf32>
        %swap3A_632 = vector.shape_cast %mul3A_625 : vector<16xf32> to vector<1x1x16xf32>
        tpu.vector_store %arg6[%swap3A_627, %swap3A_628, %swap3A_629], %swap3A_632 {strides = array<i32>} : memref<5x64x256xf32, #tpu.memory_space<vmem>>, vector<1x1x16xf32>,
        %get3A_633 = arith.constant 1 : i32
        %get3A_634 = arith.index_cast %get3A_633 : i32 to index
        %get3A_635 = arith.index_cast %scan3A_409 : i32 to index
        %get3A_636 = arith.constant 224 : index
        %get3A_637 = tpu.vector_load %arg6[%get3A_634, %get3A_635, %get3A_636] {strides = array<i32>} : memref<5x64x256xf32, #tpu.memory_space<vmem>>, vector<1x1x16xf32>,
        %get3A_638 = vector.shape_cast %get3A_637 : vector<1x1x16xf32> to vector<16xf32>
        %mul3A_639 = arith.constant 1.61803401 : f32
        %mul3A_640 = vector.broadcast %mul3A_639 : f32 to vector<16xf32>
        %mul3A_641 = arith.mulf %get3A_638, %mul3A_640 : vector<16xf32>
        %swap3A_642 = arith.constant 1 : i32
        %swap3A_643 = arith.index_cast %swap3A_642 : i32 to index
        %swap3A_644 = arith.index_cast %scan3A_409 : i32 to index
        %swap3A_645 = arith.constant 224 : index
        %swap3A_646 = tpu.vector_load %arg6[%swap3A_643, %swap3A_644, %swap3A_645] {strides = array<i32>} : memref<5x64x256xf32, #tpu.memory_space<vmem>>, vector<1x1x16xf32>,
        %swap3A_647 = vector.shape_cast %swap3A_646 : vector<1x1x16xf32> to vector<16xf32>
        %swap3A_648 = vector.shape_cast %mul3A_641 : vector<16xf32> to vector<1x1x16xf32>
        tpu.vector_store %arg6[%swap3A_643, %swap3A_644, %swap3A_645], %swap3A_648 {strides = array<i32>} : memref<5x64x256xf32, #tpu.memory_space<vmem>>, vector<1x1x16xf32>,
        %get3A_649 = arith.constant 1 : i32
        %get3A_650 = arith.index_cast %get3A_649 : i32 to index
        %get3A_651 = arith.index_cast %scan3A_409 : i32 to index
        %get3A_652 = arith.constant 240 : index
        %get3A_653 = tpu.vector_load %arg6[%get3A_650, %get3A_651, %get3A_652] {strides = array<i32>} : memref<5x64x256xf32, #tpu.memory_space<vmem>>, vector<1x1x16xf32>,
        %get3A_654 = vector.shape_cast %get3A_653 : vector<1x1x16xf32> to vector<16xf32>
        %mul3A_655 = arith.constant 1.61803401 : f32
        %mul3A_656 = vector.broadcast %mul3A_655 : f32 to vector<16xf32>
        %mul3A_657 = arith.mulf %get3A_654, %mul3A_656 : vector<16xf32>
        %swap3A_658 = arith.constant 1 : i32
        %swap3A_659 = arith.index_cast %swap3A_658 : i32 to index
        %swap3A_660 = arith.index_cast %scan3A_409 : i32 to index
        %swap3A_661 = arith.constant 240 : index
        %swap3A_662 = tpu.vector_load %arg6[%swap3A_659, %swap3A_660, %swap3A_661] {strides = array<i32>} : memref<5x64x256xf32, #tpu.memory_space<vmem>>, vector<1x1x16xf32>,
        %swap3A_663 = vector.shape_cast %swap3A_662 : vector<1x1x16xf32> to vector<16xf32>
        %swap3A_664 = vector.shape_cast %mul3A_657 : vector<16xf32> to vector<1x1x16xf32>
        tpu.vector_store %arg6[%swap3A_659, %swap3A_660, %swap3A_661], %swap3A_664 {strides = array<i32>} : memref<5x64x256xf32, #tpu.memory_space<vmem>>, vector<1x1x16xf32>,
        %scan3A_665 = arith.constant 0 : i32
        scf.yield %scan3A_665 : i32
      }
      %scan3A_217 = arith.constant 64 : i32
      %mul3A_218 = arith.constant 64 : i32
      %mul3A_219 = arith.muli %add3A_179, %mul3A_218 : i32
      %add3A_220 = arith.addi %mul3A_2, %mul3A_219 : i32
      %dma_start3A_221 = arith.constant 1 : i32
      %dma_start3A_222 = arith.constant 0 : i32
      %dma_start3A_223 = arith.constant 0 : i32
      %dma_start3A_224 = tpu.memref_slice %arg6[%dma_start3A_221, %dma_start3A_222, %dma_start3A_223] : memref<5x64x256xf32, #tpu.memory_space<vmem>> -> memref<1x64x256xf32, #tpu.memory_space<vmem>>
      %dma_start3A_225 = tpu.memref_squeeze %dma_start3A_224 : memref<1x64x256xf32, #tpu.memory_space<vmem>> -> memref<64x256xf32, #tpu.memory_space<vmem>>
      %dma_start3A_226 = arith.constant 0 : i32
      %dma_start3A_227 = tpu.memref_slice %arg4[%add3A_220, %dma_start3A_226] : memref<204800x256xf32, #tpu.memory_space<hbm>> -> memref<64x256xf32, #tpu.memory_space<hbm>>
      %dma_start3A_228 = arith.constant 0 : i32
      %dma_start3A_229 = tpu.memref_slice %arg4[%add3A_220, %dma_start3A_228] : memref<204800x256xf32, #tpu.memory_space<hbm>> -> memref<64x256xf32, #tpu.memory_space<hbm>>
      %dma_start3A_230 = arith.constant 0 : i32
      %dma_start3A_231 = arith.constant 0 : i32
      %dma_start3A_232 = tpu.memref_slice %arg6[%dma_start3A_221, %dma_start3A_230, %dma_start3A_231] : memref<5x64x256xf32, #tpu.memory_space<vmem>> -> memref<1x64x256xf32, #tpu.memory_space<vmem>>
      %dma_start3A_233 = tpu.memref_squeeze %dma_start3A_232 : memref<1x64x256xf32, #tpu.memory_space<vmem>> -> memref<64x256xf32, #tpu.memory_space<vmem>>
      tpu.enqueue_dma source(%dma_start3A_233 : memref<64x256xf32, #tpu.memory_space<vmem>>) target(%dma_start3A_229 : memref<64x256xf32, #tpu.memory_space<hbm>>) target_semaphore(%arg13 : memref<!tpu.dma_semaphore, #tpu.memory_space<semaphore_mem>>)
      %mul3A_234 = arith.constant 5 : i32
      %mul3A_235 = arith.muli %scan3A_122, %mul3A_234 : i32
      %add3A_236 = arith.constant 2 : i32
      %add3A_237 = arith.addi %mul3A_235, %add3A_236 : i32
      %add3A_238 = arith.constant 5 : i32
      %add3A_239 = arith.addi %add3A_237, %add3A_238 : i32
      %sub3A_240 = arith.constant 1 : i32
      %sub3A_241 = arith.subi %add3A_239, %sub3A_240 : i32
      %lt3A_242 = arith.constant 100 : i32
      %lt3A_243 = arith.cmpi slt, %sub3A_241, %lt3A_242 : i32
      %ge3A_244 = arith.constant 5 : i32
      %ge3A_245 = arith.cmpi sge, %sub3A_241, %ge3A_244 : i32
      %and3A_246 = arith.andi %lt3A_243, %ge3A_245 : i1
      %convert_element_type3A_247 = arith.extui %and3A_246 : i1 to i32
      %cond3A_248 = arith.constant 0 : i32
      %cond3A_249 = arith.cmpi ne, %convert_element_type3A_247, %cond3A_248 : i32
      scf.if %cond3A_249 {
        %sub3A_409 = arith.constant 5 : i32
        %sub3A_410 = arith.subi %sub3A_241, %sub3A_409 : i32
        %mul3A_411 = arith.constant 64 : i32
        %mul3A_412 = arith.muli %sub3A_410, %mul3A_411 : i32
        %add3A_413 = arith.addi %mul3A_2, %mul3A_412 : i32
        %dma_wait3A_414 = arith.constant 1 : i32
        %dma_wait3A_415 = arith.constant 0 : i32
        %dma_wait3A_416 = arith.constant 0 : i32
        %dma_wait3A_417 = tpu.memref_slice %arg6[%dma_wait3A_414, %dma_wait3A_415, %dma_wait3A_416] : memref<5x64x256xf32, #tpu.memory_space<vmem>> -> memref<1x64x256xf32, #tpu.memory_space<vmem>>
        %dma_wait3A_418 = tpu.memref_squeeze %dma_wait3A_417 : memref<1x64x256xf32, #tpu.memory_space<vmem>> -> memref<64x256xf32, #tpu.memory_space<vmem>>
        %dma_wait3A_419 = arith.constant 0 : i32
        %dma_wait3A_420 = tpu.memref_slice %arg4[%add3A_413, %dma_wait3A_419] : memref<204800x256xf32, #tpu.memory_space<hbm>> -> memref<64x256xf32, #tpu.memory_space<hbm>>
        %dma_wait3A_421 = arith.constant 0 : i32
        %dma_wait3A_422 = tpu.memref_slice %arg4[%add3A_413, %dma_wait3A_421] : memref<204800x256xf32, #tpu.memory_space<hbm>> -> memref<64x256xf32, #tpu.memory_space<hbm>>
        %dma_wait3A_423 = arith.constant 0 : i32
        %dma_wait3A_424 = arith.constant 0 : i32
        %dma_wait3A_425 = tpu.memref_slice %arg6[%dma_wait3A_414, %dma_wait3A_423, %dma_wait3A_424] : memref<5x64x256xf32, #tpu.memory_space<vmem>> -> memref<1x64x256xf32, #tpu.memory_space<vmem>>
        %dma_wait3A_426 = tpu.memref_squeeze %dma_wait3A_425 : memref<1x64x256xf32, #tpu.memory_space<vmem>> -> memref<64x256xf32, #tpu.memory_space<vmem>>
        tpu.wait_dma2 semaphore(%arg13 : memref<!tpu.dma_semaphore, #tpu.memory_space<semaphore_mem>>) src(%dma_wait3A_426 : memref<64x256xf32, #tpu.memory_space<vmem>>) dst(%dma_wait3A_422 : memref<64x256xf32, #tpu.memory_space<hbm>>)
        %mul3A_427 = arith.constant 64 : i32
        %mul3A_428 = arith.muli %sub3A_241, %mul3A_427 : i32
        %dma_start3A_429 = arith.constant 1 : i32
        %dma_start3A_430 = arith.constant 0 : i32
        %dma_start3A_431 = arith.constant 0 : i32
        %dma_start3A_432 = tpu.memref_slice %arg6[%dma_start3A_429, %dma_start3A_430, %dma_start3A_431] : memref<5x64x256xf32, #tpu.memory_space<vmem>> -> memref<1x64x256xf32, #tpu.memory_space<vmem>>
        %dma_start3A_433 = tpu.memref_squeeze %dma_start3A_432 : memref<1x64x256xf32, #tpu.memory_space<vmem>> -> memref<64x256xf32, #tpu.memory_space<vmem>>
        %dma_start3A_434 = tpu.memref_slice %arg5[%mul3A_428] : memref<6400xi32, #tpu.memory_space<vmem>> -> memref<64xi32, #tpu.memory_space<vmem>>
        %dma_start3A_435 = arith.constant 0 : i32
        %dma_start3A_436 = arith.constant 0 : i32
        %dma_start3A_437 = tpu.memref_slice %arg2[%dma_start3A_435, %dma_start3A_436] : memref<163840x256xf32, #tpu.memory_space<hbm>> -> memref<163840x256xf32, #tpu.memory_space<hbm>>
        tpu.enqueue_indirect_dma source(%dma_start3A_437 : memref<163840x256xf32, #tpu.memory_space<hbm>>) target(%dma_start3A_433 : memref<64x256xf32, #tpu.memory_space<vmem>>) offsets(%dma_start3A_434 : memref<64xi32, #tpu.memory_space<vmem>>) semaphore(%arg8 : memref<!tpu.dma_semaphore, #tpu.memory_space<semaphore_mem>>)
      } else {
      }
      %lt3A_250 = arith.constant 100 : i32
      %lt3A_251 = arith.cmpi slt, %sub3A_241, %lt3A_250 : i32
      %lt3A_252 = arith.constant 5 : i32
      %lt3A_253 = arith.cmpi slt, %sub3A_241, %lt3A_252 : i32
      %and3A_254 = arith.andi %lt3A_251, %lt3A_253 : i1
      %convert_element_type3A_255 = arith.extui %and3A_254 : i1 to i32
      %cond3A_256 = arith.constant 0 : i32
      %cond3A_257 = arith.cmpi ne, %convert_element_type3A_255, %cond3A_256 : i32
      scf.if %cond3A_257 {
        %mul3A_409 = arith.constant 64 : i32
        %mul3A_410 = arith.muli %sub3A_241, %mul3A_409 : i32
        %dma_start3A_411 = arith.constant 1 : i32
        %dma_start3A_412 = arith.constant 0 : i32
        %dma_start3A_413 = arith.constant 0 : i32
        %dma_start3A_414 = tpu.memref_slice %arg6[%dma_start3A_411, %dma_start3A_412, %dma_start3A_413] : memref<5x64x256xf32, #tpu.memory_space<vmem>> -> memref<1x64x256xf32, #tpu.memory_space<vmem>>
        %dma_start3A_415 = tpu.memref_squeeze %dma_start3A_414 : memref<1x64x256xf32, #tpu.memory_space<vmem>> -> memref<64x256xf32, #tpu.memory_space<vmem>>
        %dma_start3A_416 = tpu.memref_slice %arg5[%mul3A_410] : memref<6400xi32, #tpu.memory_space<vmem>> -> memref<64xi32, #tpu.memory_space<vmem>>
        %dma_start3A_417 = arith.constant 0 : i32
        %dma_start3A_418 = arith.constant 0 : i32
        %dma_start3A_419 = tpu.memref_slice %arg2[%dma_start3A_417, %dma_start3A_418] : memref<163840x256xf32, #tpu.memory_space<hbm>> -> memref<163840x256xf32, #tpu.memory_space<hbm>>
        tpu.enqueue_indirect_dma source(%dma_start3A_419 : memref<163840x256xf32, #tpu.memory_space<hbm>>) target(%dma_start3A_415 : memref<64x256xf32, #tpu.memory_space<vmem>>) offsets(%dma_start3A_416 : memref<64xi32, #tpu.memory_space<vmem>>) semaphore(%arg8 : memref<!tpu.dma_semaphore, #tpu.memory_space<semaphore_mem>>)
      } else {
      }
      %mul3A_258 = arith.constant 64 : i32
      %mul3A_259 = arith.muli %add3A_237, %mul3A_258 : i32
      %dma_wait3A_260 = arith.constant 2 : i32
      %dma_wait3A_261 = arith.constant 0 : i32
      %dma_wait3A_262 = arith.constant 0 : i32
      %dma_wait3A_263 = tpu.memref_slice %arg6[%dma_wait3A_260, %dma_wait3A_261, %dma_wait3A_262] : memref<5x64x256xf32, #tpu.memory_space<vmem>> -> memref<1x64x256xf32, #tpu.memory_space<vmem>>
      %dma_wait3A_264 = tpu.memref_squeeze %dma_wait3A_263 : memref<1x64x256xf32, #tpu.memory_space<vmem>> -> memref<64x256xf32, #tpu.memory_space<vmem>>
      %dma_wait3A_265 = tpu.memref_slice %arg5[%mul3A_259] : memref<6400xi32, #tpu.memory_space<vmem>> -> memref<64xi32, #tpu.memory_space<vmem>>
      %dma_wait3A_266 = arith.constant 0 : i32
      %dma_wait3A_267 = arith.constant 0 : i32
      %dma_wait3A_268 = tpu.memref_slice %arg2[%dma_wait3A_266, %dma_wait3A_267] : memref<163840x256xf32, #tpu.memory_space<hbm>> -> memref<163840x256xf32, #tpu.memory_space<hbm>>
      tpu.wait_indirect_dma semaphore(%arg9 : memref<!tpu.dma_semaphore, #tpu.memory_space<semaphore_mem>>) src(%dma_wait3A_268 : memref<163840x256xf32, #tpu.memory_space<hbm>>) dst(%dma_wait3A_264 : memref<64x256xf32, #tpu.memory_space<vmem>>)
      %scan3A_269 = arith.constant 0 : i32
      %scan3A_270 = arith.constant 0 : i32
      %scan3A_271 = arith.constant 64 : i32
      %scan3A_272 = arith.addi %scan3A_270, %scan3A_271 : i32
      %scan3A_273 = arith.constant 1 : i32
      %scan3A_274 = scf.for %scan3A_409 = %scan3A_270 to %scan3A_272 step %scan3A_273 iter_args(%scan3A_410 = %scan3A_269) -> (i32)  : i32 {
        %get3A = arith.constant 2 : i32
        %get3A_411 = arith.index_cast %get3A : i32 to index
        %get3A_412 = arith.index_cast %scan3A_409 : i32 to index
        %get3A_413 = arith.constant 0 : index
        %get3A_414 = tpu.vector_load %arg6[%get3A_411, %get3A_412, %get3A_413] {strides = array<i32>} : memref<5x64x256xf32, #tpu.memory_space<vmem>>, vector<1x1x16xf32>,
        %get3A_415 = vector.shape_cast %get3A_414 : vector<1x1x16xf32> to vector<16xf32>
        %mul3A_416 = arith.constant 1.61803401 : f32
        %mul3A_417 = vector.broadcast %mul3A_416 : f32 to vector<16xf32>
        %mul3A_418 = arith.mulf %get3A_415, %mul3A_417 : vector<16xf32>
        %swap3A = arith.constant 2 : i32
        %swap3A_419 = arith.index_cast %swap3A : i32 to index
        %swap3A_420 = arith.index_cast %scan3A_409 : i32 to index
        %swap3A_421 = arith.constant 0 : index
        %swap3A_422 = tpu.vector_load %arg6[%swap3A_419, %swap3A_420, %swap3A_421] {strides = array<i32>} : memref<5x64x256xf32, #tpu.memory_space<vmem>>, vector<1x1x16xf32>,
        %swap3A_423 = vector.shape_cast %swap3A_422 : vector<1x1x16xf32> to vector<16xf32>
        %swap3A_424 = vector.shape_cast %mul3A_418 : vector<16xf32> to vector<1x1x16xf32>
        tpu.vector_store %arg6[%swap3A_419, %swap3A_420, %swap3A_421], %swap3A_424 {strides = array<i32>} : memref<5x64x256xf32, #tpu.memory_space<vmem>>, vector<1x1x16xf32>,
        %get3A_425 = arith.constant 2 : i32
        %get3A_426 = arith.index_cast %get3A_425 : i32 to index
        %get3A_427 = arith.index_cast %scan3A_409 : i32 to index
        %get3A_428 = arith.constant 16 : index
        %get3A_429 = tpu.vector_load %arg6[%get3A_426, %get3A_427, %get3A_428] {strides = array<i32>} : memref<5x64x256xf32, #tpu.memory_space<vmem>>, vector<1x1x16xf32>,
        %get3A_430 = vector.shape_cast %get3A_429 : vector<1x1x16xf32> to vector<16xf32>
        %mul3A_431 = arith.constant 1.61803401 : f32
        %mul3A_432 = vector.broadcast %mul3A_431 : f32 to vector<16xf32>
        %mul3A_433 = arith.mulf %get3A_430, %mul3A_432 : vector<16xf32>
        %swap3A_434 = arith.constant 2 : i32
        %swap3A_435 = arith.index_cast %swap3A_434 : i32 to index
        %swap3A_436 = arith.index_cast %scan3A_409 : i32 to index
        %swap3A_437 = arith.constant 16 : index
        %swap3A_438 = tpu.vector_load %arg6[%swap3A_435, %swap3A_436, %swap3A_437] {strides = array<i32>} : memref<5x64x256xf32, #tpu.memory_space<vmem>>, vector<1x1x16xf32>,
        %swap3A_439 = vector.shape_cast %swap3A_438 : vector<1x1x16xf32> to vector<16xf32>
        %swap3A_440 = vector.shape_cast %mul3A_433 : vector<16xf32> to vector<1x1x16xf32>
        tpu.vector_store %arg6[%swap3A_435, %swap3A_436, %swap3A_437], %swap3A_440 {strides = array<i32>} : memref<5x64x256xf32, #tpu.memory_space<vmem>>, vector<1x1x16xf32>,
        %get3A_441 = arith.constant 2 : i32
        %get3A_442 = arith.index_cast %get3A_441 : i32 to index
        %get3A_443 = arith.index_cast %scan3A_409 : i32 to index
        %get3A_444 = arith.constant 32 : index
        %get3A_445 = tpu.vector_load %arg6[%get3A_442, %get3A_443, %get3A_444] {strides = array<i32>} : memref<5x64x256xf32, #tpu.memory_space<vmem>>, vector<1x1x16xf32>,
        %get3A_446 = vector.shape_cast %get3A_445 : vector<1x1x16xf32> to vector<16xf32>
        %mul3A_447 = arith.constant 1.61803401 : f32
        %mul3A_448 = vector.broadcast %mul3A_447 : f32 to vector<16xf32>
        %mul3A_449 = arith.mulf %get3A_446, %mul3A_448 : vector<16xf32>
        %swap3A_450 = arith.constant 2 : i32
        %swap3A_451 = arith.index_cast %swap3A_450 : i32 to index
        %swap3A_452 = arith.index_cast %scan3A_409 : i32 to index
        %swap3A_453 = arith.constant 32 : index
        %swap3A_454 = tpu.vector_load %arg6[%swap3A_451, %swap3A_452, %swap3A_453] {strides = array<i32>} : memref<5x64x256xf32, #tpu.memory_space<vmem>>, vector<1x1x16xf32>,
        %swap3A_455 = vector.shape_cast %swap3A_454 : vector<1x1x16xf32> to vector<16xf32>
        %swap3A_456 = vector.shape_cast %mul3A_449 : vector<16xf32> to vector<1x1x16xf32>
        tpu.vector_store %arg6[%swap3A_451, %swap3A_452, %swap3A_453], %swap3A_456 {strides = array<i32>} : memref<5x64x256xf32, #tpu.memory_space<vmem>>, vector<1x1x16xf32>,
        %get3A_457 = arith.constant 2 : i32
        %get3A_458 = arith.index_cast %get3A_457 : i32 to index
        %get3A_459 = arith.index_cast %scan3A_409 : i32 to index
        %get3A_460 = arith.constant 48 : index
        %get3A_461 = tpu.vector_load %arg6[%get3A_458, %get3A_459, %get3A_460] {strides = array<i32>} : memref<5x64x256xf32, #tpu.memory_space<vmem>>, vector<1x1x16xf32>,
        %get3A_462 = vector.shape_cast %get3A_461 : vector<1x1x16xf32> to vector<16xf32>
        %mul3A_463 = arith.constant 1.61803401 : f32
        %mul3A_464 = vector.broadcast %mul3A_463 : f32 to vector<16xf32>
        %mul3A_465 = arith.mulf %get3A_462, %mul3A_464 : vector<16xf32>
        %swap3A_466 = arith.constant 2 : i32
        %swap3A_467 = arith.index_cast %swap3A_466 : i32 to index
        %swap3A_468 = arith.index_cast %scan3A_409 : i32 to index
        %swap3A_469 = arith.constant 48 : index
        %swap3A_470 = tpu.vector_load %arg6[%swap3A_467, %swap3A_468, %swap3A_469] {strides = array<i32>} : memref<5x64x256xf32, #tpu.memory_space<vmem>>, vector<1x1x16xf32>,
        %swap3A_471 = vector.shape_cast %swap3A_470 : vector<1x1x16xf32> to vector<16xf32>
        %swap3A_472 = vector.shape_cast %mul3A_465 : vector<16xf32> to vector<1x1x16xf32>
        tpu.vector_store %arg6[%swap3A_467, %swap3A_468, %swap3A_469], %swap3A_472 {strides = array<i32>} : memref<5x64x256xf32, #tpu.memory_space<vmem>>, vector<1x1x16xf32>,
        %get3A_473 = arith.constant 2 : i32
        %get3A_474 = arith.index_cast %get3A_473 : i32 to index
        %get3A_475 = arith.index_cast %scan3A_409 : i32 to index
        %get3A_476 = arith.constant 64 : index
        %get3A_477 = tpu.vector_load %arg6[%get3A_474, %get3A_475, %get3A_476] {strides = array<i32>} : memref<5x64x256xf32, #tpu.memory_space<vmem>>, vector<1x1x16xf32>,
        %get3A_478 = vector.shape_cast %get3A_477 : vector<1x1x16xf32> to vector<16xf32>
        %mul3A_479 = arith.constant 1.61803401 : f32
        %mul3A_480 = vector.broadcast %mul3A_479 : f32 to vector<16xf32>
        %mul3A_481 = arith.mulf %get3A_478, %mul3A_480 : vector<16xf32>
        %swap3A_482 = arith.constant 2 : i32
        %swap3A_483 = arith.index_cast %swap3A_482 : i32 to index
        %swap3A_484 = arith.index_cast %scan3A_409 : i32 to index
        %swap3A_485 = arith.constant 64 : index
        %swap3A_486 = tpu.vector_load %arg6[%swap3A_483, %swap3A_484, %swap3A_485] {strides = array<i32>} : memref<5x64x256xf32, #tpu.memory_space<vmem>>, vector<1x1x16xf32>,
        %swap3A_487 = vector.shape_cast %swap3A_486 : vector<1x1x16xf32> to vector<16xf32>
        %swap3A_488 = vector.shape_cast %mul3A_481 : vector<16xf32> to vector<1x1x16xf32>
        tpu.vector_store %arg6[%swap3A_483, %swap3A_484, %swap3A_485], %swap3A_488 {strides = array<i32>} : memref<5x64x256xf32, #tpu.memory_space<vmem>>, vector<1x1x16xf32>,
        %get3A_489 = arith.constant 2 : i32
        %get3A_490 = arith.index_cast %get3A_489 : i32 to index
        %get3A_491 = arith.index_cast %scan3A_409 : i32 to index
        %get3A_492 = arith.constant 80 : index
        %get3A_493 = tpu.vector_load %arg6[%get3A_490, %get3A_491, %get3A_492] {strides = array<i32>} : memref<5x64x256xf32, #tpu.memory_space<vmem>>, vector<1x1x16xf32>,
        %get3A_494 = vector.shape_cast %get3A_493 : vector<1x1x16xf32> to vector<16xf32>
        %mul3A_495 = arith.constant 1.61803401 : f32
        %mul3A_496 = vector.broadcast %mul3A_495 : f32 to vector<16xf32>
        %mul3A_497 = arith.mulf %get3A_494, %mul3A_496 : vector<16xf32>
        %swap3A_498 = arith.constant 2 : i32
        %swap3A_499 = arith.index_cast %swap3A_498 : i32 to index
        %swap3A_500 = arith.index_cast %scan3A_409 : i32 to index
        %swap3A_501 = arith.constant 80 : index
        %swap3A_502 = tpu.vector_load %arg6[%swap3A_499, %swap3A_500, %swap3A_501] {strides = array<i32>} : memref<5x64x256xf32, #tpu.memory_space<vmem>>, vector<1x1x16xf32>,
        %swap3A_503 = vector.shape_cast %swap3A_502 : vector<1x1x16xf32> to vector<16xf32>
        %swap3A_504 = vector.shape_cast %mul3A_497 : vector<16xf32> to vector<1x1x16xf32>
        tpu.vector_store %arg6[%swap3A_499, %swap3A_500, %swap3A_501], %swap3A_504 {strides = array<i32>} : memref<5x64x256xf32, #tpu.memory_space<vmem>>, vector<1x1x16xf32>,
        %get3A_505 = arith.constant 2 : i32
        %get3A_506 = arith.index_cast %get3A_505 : i32 to index
        %get3A_507 = arith.index_cast %scan3A_409 : i32 to index
        %get3A_508 = arith.constant 96 : index
        %get3A_509 = tpu.vector_load %arg6[%get3A_506, %get3A_507, %get3A_508] {strides = array<i32>} : memref<5x64x256xf32, #tpu.memory_space<vmem>>, vector<1x1x16xf32>,
        %get3A_510 = vector.shape_cast %get3A_509 : vector<1x1x16xf32> to vector<16xf32>
        %mul3A_511 = arith.constant 1.61803401 : f32
        %mul3A_512 = vector.broadcast %mul3A_511 : f32 to vector<16xf32>
        %mul3A_513 = arith.mulf %get3A_510, %mul3A_512 : vector<16xf32>
        %swap3A_514 = arith.constant 2 : i32
        %swap3A_515 = arith.index_cast %swap3A_514 : i32 to index
        %swap3A_516 = arith.index_cast %scan3A_409 : i32 to index
        %swap3A_517 = arith.constant 96 : index
        %swap3A_518 = tpu.vector_load %arg6[%swap3A_515, %swap3A_516, %swap3A_517] {strides = array<i32>} : memref<5x64x256xf32, #tpu.memory_space<vmem>>, vector<1x1x16xf32>,
        %swap3A_519 = vector.shape_cast %swap3A_518 : vector<1x1x16xf32> to vector<16xf32>
        %swap3A_520 = vector.shape_cast %mul3A_513 : vector<16xf32> to vector<1x1x16xf32>
        tpu.vector_store %arg6[%swap3A_515, %swap3A_516, %swap3A_517], %swap3A_520 {strides = array<i32>} : memref<5x64x256xf32, #tpu.memory_space<vmem>>, vector<1x1x16xf32>,
        %get3A_521 = arith.constant 2 : i32
        %get3A_522 = arith.index_cast %get3A_521 : i32 to index
        %get3A_523 = arith.index_cast %scan3A_409 : i32 to index
        %get3A_524 = arith.constant 112 : index
        %get3A_525 = tpu.vector_load %arg6[%get3A_522, %get3A_523, %get3A_524] {strides = array<i32>} : memref<5x64x256xf32, #tpu.memory_space<vmem>>, vector<1x1x16xf32>,
        %get3A_526 = vector.shape_cast %get3A_525 : vector<1x1x16xf32> to vector<16xf32>
        %mul3A_527 = arith.constant 1.61803401 : f32
        %mul3A_528 = vector.broadcast %mul3A_527 : f32 to vector<16xf32>
        %mul3A_529 = arith.mulf %get3A_526, %mul3A_528 : vector<16xf32>
        %swap3A_530 = arith.constant 2 : i32
        %swap3A_531 = arith.index_cast %swap3A_530 : i32 to index
        %swap3A_532 = arith.index_cast %scan3A_409 : i32 to index
        %swap3A_533 = arith.constant 112 : index
        %swap3A_534 = tpu.vector_load %arg6[%swap3A_531, %swap3A_532, %swap3A_533] {strides = array<i32>} : memref<5x64x256xf32, #tpu.memory_space<vmem>>, vector<1x1x16xf32>,
        %swap3A_535 = vector.shape_cast %swap3A_534 : vector<1x1x16xf32> to vector<16xf32>
        %swap3A_536 = vector.shape_cast %mul3A_529 : vector<16xf32> to vector<1x1x16xf32>
        tpu.vector_store %arg6[%swap3A_531, %swap3A_532, %swap3A_533], %swap3A_536 {strides = array<i32>} : memref<5x64x256xf32, #tpu.memory_space<vmem>>, vector<1x1x16xf32>,
        %get3A_537 = arith.constant 2 : i32
        %get3A_538 = arith.index_cast %get3A_537 : i32 to index
        %get3A_539 = arith.index_cast %scan3A_409 : i32 to index
        %get3A_540 = arith.constant 128 : index
        %get3A_541 = tpu.vector_load %arg6[%get3A_538, %get3A_539, %get3A_540] {strides = array<i32>} : memref<5x64x256xf32, #tpu.memory_space<vmem>>, vector<1x1x16xf32>,
        %get3A_542 = vector.shape_cast %get3A_541 : vector<1x1x16xf32> to vector<16xf32>
        %mul3A_543 = arith.constant 1.61803401 : f32
        %mul3A_544 = vector.broadcast %mul3A_543 : f32 to vector<16xf32>
        %mul3A_545 = arith.mulf %get3A_542, %mul3A_544 : vector<16xf32>
        %swap3A_546 = arith.constant 2 : i32
        %swap3A_547 = arith.index_cast %swap3A_546 : i32 to index
        %swap3A_548 = arith.index_cast %scan3A_409 : i32 to index
        %swap3A_549 = arith.constant 128 : index
        %swap3A_550 = tpu.vector_load %arg6[%swap3A_547, %swap3A_548, %swap3A_549] {strides = array<i32>} : memref<5x64x256xf32, #tpu.memory_space<vmem>>, vector<1x1x16xf32>,
        %swap3A_551 = vector.shape_cast %swap3A_550 : vector<1x1x16xf32> to vector<16xf32>
        %swap3A_552 = vector.shape_cast %mul3A_545 : vector<16xf32> to vector<1x1x16xf32>
        tpu.vector_store %arg6[%swap3A_547, %swap3A_548, %swap3A_549], %swap3A_552 {strides = array<i32>} : memref<5x64x256xf32, #tpu.memory_space<vmem>>, vector<1x1x16xf32>,
        %get3A_553 = arith.constant 2 : i32
        %get3A_554 = arith.index_cast %get3A_553 : i32 to index
        %get3A_555 = arith.index_cast %scan3A_409 : i32 to index
        %get3A_556 = arith.constant 144 : index
        %get3A_557 = tpu.vector_load %arg6[%get3A_554, %get3A_555, %get3A_556] {strides = array<i32>} : memref<5x64x256xf32, #tpu.memory_space<vmem>>, vector<1x1x16xf32>,
        %get3A_558 = vector.shape_cast %get3A_557 : vector<1x1x16xf32> to vector<16xf32>
        %mul3A_559 = arith.constant 1.61803401 : f32
        %mul3A_560 = vector.broadcast %mul3A_559 : f32 to vector<16xf32>
        %mul3A_561 = arith.mulf %get3A_558, %mul3A_560 : vector<16xf32>
        %swap3A_562 = arith.constant 2 : i32
        %swap3A_563 = arith.index_cast %swap3A_562 : i32 to index
        %swap3A_564 = arith.index_cast %scan3A_409 : i32 to index
        %swap3A_565 = arith.constant 144 : index
        %swap3A_566 = tpu.vector_load %arg6[%swap3A_563, %swap3A_564, %swap3A_565] {strides = array<i32>} : memref<5x64x256xf32, #tpu.memory_space<vmem>>, vector<1x1x16xf32>,
        %swap3A_567 = vector.shape_cast %swap3A_566 : vector<1x1x16xf32> to vector<16xf32>
        %swap3A_568 = vector.shape_cast %mul3A_561 : vector<16xf32> to vector<1x1x16xf32>
        tpu.vector_store %arg6[%swap3A_563, %swap3A_564, %swap3A_565], %swap3A_568 {strides = array<i32>} : memref<5x64x256xf32, #tpu.memory_space<vmem>>, vector<1x1x16xf32>,
        %get3A_569 = arith.constant 2 : i32
        %get3A_570 = arith.index_cast %get3A_569 : i32 to index
        %get3A_571 = arith.index_cast %scan3A_409 : i32 to index
        %get3A_572 = arith.constant 160 : index
        %get3A_573 = tpu.vector_load %arg6[%get3A_570, %get3A_571, %get3A_572] {strides = array<i32>} : memref<5x64x256xf32, #tpu.memory_space<vmem>>, vector<1x1x16xf32>,
        %get3A_574 = vector.shape_cast %get3A_573 : vector<1x1x16xf32> to vector<16xf32>
        %mul3A_575 = arith.constant 1.61803401 : f32
        %mul3A_576 = vector.broadcast %mul3A_575 : f32 to vector<16xf32>
        %mul3A_577 = arith.mulf %get3A_574, %mul3A_576 : vector<16xf32>
        %swap3A_578 = arith.constant 2 : i32
        %swap3A_579 = arith.index_cast %swap3A_578 : i32 to index
        %swap3A_580 = arith.index_cast %scan3A_409 : i32 to index
        %swap3A_581 = arith.constant 160 : index
        %swap3A_582 = tpu.vector_load %arg6[%swap3A_579, %swap3A_580, %swap3A_581] {strides = array<i32>} : memref<5x64x256xf32, #tpu.memory_space<vmem>>, vector<1x1x16xf32>,
        %swap3A_583 = vector.shape_cast %swap3A_582 : vector<1x1x16xf32> to vector<16xf32>
        %swap3A_584 = vector.shape_cast %mul3A_577 : vector<16xf32> to vector<1x1x16xf32>
        tpu.vector_store %arg6[%swap3A_579, %swap3A_580, %swap3A_581], %swap3A_584 {strides = array<i32>} : memref<5x64x256xf32, #tpu.memory_space<vmem>>, vector<1x1x16xf32>,
        %get3A_585 = arith.constant 2 : i32
        %get3A_586 = arith.index_cast %get3A_585 : i32 to index
        %get3A_587 = arith.index_cast %scan3A_409 : i32 to index
        %get3A_588 = arith.constant 176 : index
        %get3A_589 = tpu.vector_load %arg6[%get3A_586, %get3A_587, %get3A_588] {strides = array<i32>} : memref<5x64x256xf32, #tpu.memory_space<vmem>>, vector<1x1x16xf32>,
        %get3A_590 = vector.shape_cast %get3A_589 : vector<1x1x16xf32> to vector<16xf32>
        %mul3A_591 = arith.constant 1.61803401 : f32
        %mul3A_592 = vector.broadcast %mul3A_591 : f32 to vector<16xf32>
        %mul3A_593 = arith.mulf %get3A_590, %mul3A_592 : vector<16xf32>
        %swap3A_594 = arith.constant 2 : i32
        %swap3A_595 = arith.index_cast %swap3A_594 : i32 to index
        %swap3A_596 = arith.index_cast %scan3A_409 : i32 to index
        %swap3A_597 = arith.constant 176 : index
        %swap3A_598 = tpu.vector_load %arg6[%swap3A_595, %swap3A_596, %swap3A_597] {strides = array<i32>} : memref<5x64x256xf32, #tpu.memory_space<vmem>>, vector<1x1x16xf32>,
        %swap3A_599 = vector.shape_cast %swap3A_598 : vector<1x1x16xf32> to vector<16xf32>
        %swap3A_600 = vector.shape_cast %mul3A_593 : vector<16xf32> to vector<1x1x16xf32>
        tpu.vector_store %arg6[%swap3A_595, %swap3A_596, %swap3A_597], %swap3A_600 {strides = array<i32>} : memref<5x64x256xf32, #tpu.memory_space<vmem>>, vector<1x1x16xf32>,
        %get3A_601 = arith.constant 2 : i32
        %get3A_602 = arith.index_cast %get3A_601 : i32 to index
        %get3A_603 = arith.index_cast %scan3A_409 : i32 to index
        %get3A_604 = arith.constant 192 : index
        %get3A_605 = tpu.vector_load %arg6[%get3A_602, %get3A_603, %get3A_604] {strides = array<i32>} : memref<5x64x256xf32, #tpu.memory_space<vmem>>, vector<1x1x16xf32>,
        %get3A_606 = vector.shape_cast %get3A_605 : vector<1x1x16xf32> to vector<16xf32>
        %mul3A_607 = arith.constant 1.61803401 : f32
        %mul3A_608 = vector.broadcast %mul3A_607 : f32 to vector<16xf32>
        %mul3A_609 = arith.mulf %get3A_606, %mul3A_608 : vector<16xf32>
        %swap3A_610 = arith.constant 2 : i32
        %swap3A_611 = arith.index_cast %swap3A_610 : i32 to index
        %swap3A_612 = arith.index_cast %scan3A_409 : i32 to index
        %swap3A_613 = arith.constant 192 : index
        %swap3A_614 = tpu.vector_load %arg6[%swap3A_611, %swap3A_612, %swap3A_613] {strides = array<i32>} : memref<5x64x256xf32, #tpu.memory_space<vmem>>, vector<1x1x16xf32>,
        %swap3A_615 = vector.shape_cast %swap3A_614 : vector<1x1x16xf32> to vector<16xf32>
        %swap3A_616 = vector.shape_cast %mul3A_609 : vector<16xf32> to vector<1x1x16xf32>
        tpu.vector_store %arg6[%swap3A_611, %swap3A_612, %swap3A_613], %swap3A_616 {strides = array<i32>} : memref<5x64x256xf32, #tpu.memory_space<vmem>>, vector<1x1x16xf32>,
        %get3A_617 = arith.constant 2 : i32
        %get3A_618 = arith.index_cast %get3A_617 : i32 to index
        %get3A_619 = arith.index_cast %scan3A_409 : i32 to index
        %get3A_620 = arith.constant 208 : index
        %get3A_621 = tpu.vector_load %arg6[%get3A_618, %get3A_619, %get3A_620] {strides = array<i32>} : memref<5x64x256xf32, #tpu.memory_space<vmem>>, vector<1x1x16xf32>,
        %get3A_622 = vector.shape_cast %get3A_621 : vector<1x1x16xf32> to vector<16xf32>
        %mul3A_623 = arith.constant 1.61803401 : f32
        %mul3A_624 = vector.broadcast %mul3A_623 : f32 to vector<16xf32>
        %mul3A_625 = arith.mulf %get3A_622, %mul3A_624 : vector<16xf32>
        %swap3A_626 = arith.constant 2 : i32
        %swap3A_627 = arith.index_cast %swap3A_626 : i32 to index
        %swap3A_628 = arith.index_cast %scan3A_409 : i32 to index
        %swap3A_629 = arith.constant 208 : index
        %swap3A_630 = tpu.vector_load %arg6[%swap3A_627, %swap3A_628, %swap3A_629] {strides = array<i32>} : memref<5x64x256xf32, #tpu.memory_space<vmem>>, vector<1x1x16xf32>,
        %swap3A_631 = vector.shape_cast %swap3A_630 : vector<1x1x16xf32> to vector<16xf32>
        %swap3A_632 = vector.shape_cast %mul3A_625 : vector<16xf32> to vector<1x1x16xf32>
        tpu.vector_store %arg6[%swap3A_627, %swap3A_628, %swap3A_629], %swap3A_632 {strides = array<i32>} : memref<5x64x256xf32, #tpu.memory_space<vmem>>, vector<1x1x16xf32>,
        %get3A_633 = arith.constant 2 : i32
        %get3A_634 = arith.index_cast %get3A_633 : i32 to index
        %get3A_635 = arith.index_cast %scan3A_409 : i32 to index
        %get3A_636 = arith.constant 224 : index
        %get3A_637 = tpu.vector_load %arg6[%get3A_634, %get3A_635, %get3A_636] {strides = array<i32>} : memref<5x64x256xf32, #tpu.memory_space<vmem>>, vector<1x1x16xf32>,
        %get3A_638 = vector.shape_cast %get3A_637 : vector<1x1x16xf32> to vector<16xf32>
        %mul3A_639 = arith.constant 1.61803401 : f32
        %mul3A_640 = vector.broadcast %mul3A_639 : f32 to vector<16xf32>
        %mul3A_641 = arith.mulf %get3A_638, %mul3A_640 : vector<16xf32>
        %swap3A_642 = arith.constant 2 : i32
        %swap3A_643 = arith.index_cast %swap3A_642 : i32 to index
        %swap3A_644 = arith.index_cast %scan3A_409 : i32 to index
        %swap3A_645 = arith.constant 224 : index
        %swap3A_646 = tpu.vector_load %arg6[%swap3A_643, %swap3A_644, %swap3A_645] {strides = array<i32>} : memref<5x64x256xf32, #tpu.memory_space<vmem>>, vector<1x1x16xf32>,
        %swap3A_647 = vector.shape_cast %swap3A_646 : vector<1x1x16xf32> to vector<16xf32>
        %swap3A_648 = vector.shape_cast %mul3A_641 : vector<16xf32> to vector<1x1x16xf32>
        tpu.vector_store %arg6[%swap3A_643, %swap3A_644, %swap3A_645], %swap3A_648 {strides = array<i32>} : memref<5x64x256xf32, #tpu.memory_space<vmem>>, vector<1x1x16xf32>,
        %get3A_649 = arith.constant 2 : i32
        %get3A_650 = arith.index_cast %get3A_649 : i32 to index
        %get3A_651 = arith.index_cast %scan3A_409 : i32 to index
        %get3A_652 = arith.constant 240 : index
        %get3A_653 = tpu.vector_load %arg6[%get3A_650, %get3A_651, %get3A_652] {strides = array<i32>} : memref<5x64x256xf32, #tpu.memory_space<vmem>>, vector<1x1x16xf32>,
        %get3A_654 = vector.shape_cast %get3A_653 : vector<1x1x16xf32> to vector<16xf32>
        %mul3A_655 = arith.constant 1.61803401 : f32
        %mul3A_656 = vector.broadcast %mul3A_655 : f32 to vector<16xf32>
        %mul3A_657 = arith.mulf %get3A_654, %mul3A_656 : vector<16xf32>
        %swap3A_658 = arith.constant 2 : i32
        %swap3A_659 = arith.index_cast %swap3A_658 : i32 to index
        %swap3A_660 = arith.index_cast %scan3A_409 : i32 to index
        %swap3A_661 = arith.constant 240 : index
        %swap3A_662 = tpu.vector_load %arg6[%swap3A_659, %swap3A_660, %swap3A_661] {strides = array<i32>} : memref<5x64x256xf32, #tpu.memory_space<vmem>>, vector<1x1x16xf32>,
        %swap3A_663 = vector.shape_cast %swap3A_662 : vector<1x1x16xf32> to vector<16xf32>
        %swap3A_664 = vector.shape_cast %mul3A_657 : vector<16xf32> to vector<1x1x16xf32>
        tpu.vector_store %arg6[%swap3A_659, %swap3A_660, %swap3A_661], %swap3A_664 {strides = array<i32>} : memref<5x64x256xf32, #tpu.memory_space<vmem>>, vector<1x1x16xf32>,
        %scan3A_665 = arith.constant 0 : i32
        scf.yield %scan3A_665 : i32
      }
      %scan3A_275 = arith.constant 64 : i32
      %mul3A_276 = arith.constant 64 : i32
      %mul3A_277 = arith.muli %add3A_237, %mul3A_276 : i32
      %add3A_278 = arith.addi %mul3A_2, %mul3A_277 : i32
      %dma_start3A_279 = arith.constant 2 : i32
      %dma_start3A_280 = arith.constant 0 : i32
      %dma_start3A_281 = arith.constant 0 : i32
      %dma_start3A_282 = tpu.memref_slice %arg6[%dma_start3A_279, %dma_start3A_280, %dma_start3A_281] : memref<5x64x256xf32, #tpu.memory_space<vmem>> -> memref<1x64x256xf32, #tpu.memory_space<vmem>>
      %dma_start3A_283 = tpu.memref_squeeze %dma_start3A_282 : memref<1x64x256xf32, #tpu.memory_space<vmem>> -> memref<64x256xf32, #tpu.memory_space<vmem>>
      %dma_start3A_284 = arith.constant 0 : i32
      %dma_start3A_285 = tpu.memref_slice %arg4[%add3A_278, %dma_start3A_284] : memref<204800x256xf32, #tpu.memory_space<hbm>> -> memref<64x256xf32, #tpu.memory_space<hbm>>
      %dma_start3A_286 = arith.constant 0 : i32
      %dma_start3A_287 = tpu.memref_slice %arg4[%add3A_278, %dma_start3A_286] : memref<204800x256xf32, #tpu.memory_space<hbm>> -> memref<64x256xf32, #tpu.memory_space<hbm>>
      %dma_start3A_288 = arith.constant 0 : i32
      %dma_start3A_289 = arith.constant 0 : i32
      %dma_start3A_290 = tpu.memref_slice %arg6[%dma_start3A_279, %dma_start3A_288, %dma_start3A_289] : memref<5x64x256xf32, #tpu.memory_space<vmem>> -> memref<1x64x256xf32, #tpu.memory_space<vmem>>
      %dma_start3A_291 = tpu.memref_squeeze %dma_start3A_290 : memref<1x64x256xf32, #tpu.memory_space<vmem>> -> memref<64x256xf32, #tpu.memory_space<vmem>>
      tpu.enqueue_dma source(%dma_start3A_291 : memref<64x256xf32, #tpu.memory_space<vmem>>) target(%dma_start3A_287 : memref<64x256xf32, #tpu.memory_space<hbm>>) target_semaphore(%arg14 : memref<!tpu.dma_semaphore, #tpu.memory_space<semaphore_mem>>)
      %mul3A_292 = arith.constant 5 : i32
      %mul3A_293 = arith.muli %scan3A_122, %mul3A_292 : i32
      %add3A_294 = arith.constant 3 : i32
      %add3A_295 = arith.addi %mul3A_293, %add3A_294 : i32
      %add3A_296 = arith.constant 5 : i32
      %add3A_297 = arith.addi %add3A_295, %add3A_296 : i32
      %sub3A_298 = arith.constant 1 : i32
      %sub3A_299 = arith.subi %add3A_297, %sub3A_298 : i32
      %lt3A_300 = arith.constant 100 : i32
      %lt3A_301 = arith.cmpi slt, %sub3A_299, %lt3A_300 : i32
      %ge3A_302 = arith.constant 5 : i32
      %ge3A_303 = arith.cmpi sge, %sub3A_299, %ge3A_302 : i32
      %and3A_304 = arith.andi %lt3A_301, %ge3A_303 : i1
      %convert_element_type3A_305 = arith.extui %and3A_304 : i1 to i32
      %cond3A_306 = arith.constant 0 : i32
      %cond3A_307 = arith.cmpi ne, %convert_element_type3A_305, %cond3A_306 : i32
      scf.if %cond3A_307 {
        %sub3A_409 = arith.constant 5 : i32
        %sub3A_410 = arith.subi %sub3A_299, %sub3A_409 : i32
        %mul3A_411 = arith.constant 64 : i32
        %mul3A_412 = arith.muli %sub3A_410, %mul3A_411 : i32
        %add3A_413 = arith.addi %mul3A_2, %mul3A_412 : i32
        %dma_wait3A_414 = arith.constant 2 : i32
        %dma_wait3A_415 = arith.constant 0 : i32
        %dma_wait3A_416 = arith.constant 0 : i32
        %dma_wait3A_417 = tpu.memref_slice %arg6[%dma_wait3A_414, %dma_wait3A_415, %dma_wait3A_416] : memref<5x64x256xf32, #tpu.memory_space<vmem>> -> memref<1x64x256xf32, #tpu.memory_space<vmem>>
        %dma_wait3A_418 = tpu.memref_squeeze %dma_wait3A_417 : memref<1x64x256xf32, #tpu.memory_space<vmem>> -> memref<64x256xf32, #tpu.memory_space<vmem>>
        %dma_wait3A_419 = arith.constant 0 : i32
        %dma_wait3A_420 = tpu.memref_slice %arg4[%add3A_413, %dma_wait3A_419] : memref<204800x256xf32, #tpu.memory_space<hbm>> -> memref<64x256xf32, #tpu.memory_space<hbm>>
        %dma_wait3A_421 = arith.constant 0 : i32
        %dma_wait3A_422 = tpu.memref_slice %arg4[%add3A_413, %dma_wait3A_421] : memref<204800x256xf32, #tpu.memory_space<hbm>> -> memref<64x256xf32, #tpu.memory_space<hbm>>
        %dma_wait3A_423 = arith.constant 0 : i32
        %dma_wait3A_424 = arith.constant 0 : i32
        %dma_wait3A_425 = tpu.memref_slice %arg6[%dma_wait3A_414, %dma_wait3A_423, %dma_wait3A_424] : memref<5x64x256xf32, #tpu.memory_space<vmem>> -> memref<1x64x256xf32, #tpu.memory_space<vmem>>
        %dma_wait3A_426 = tpu.memref_squeeze %dma_wait3A_425 : memref<1x64x256xf32, #tpu.memory_space<vmem>> -> memref<64x256xf32, #tpu.memory_space<vmem>>
        tpu.wait_dma2 semaphore(%arg14 : memref<!tpu.dma_semaphore, #tpu.memory_space<semaphore_mem>>) src(%dma_wait3A_426 : memref<64x256xf32, #tpu.memory_space<vmem>>) dst(%dma_wait3A_422 : memref<64x256xf32, #tpu.memory_space<hbm>>)
        %mul3A_427 = arith.constant 64 : i32
        %mul3A_428 = arith.muli %sub3A_299, %mul3A_427 : i32
        %dma_start3A_429 = arith.constant 2 : i32
        %dma_start3A_430 = arith.constant 0 : i32
        %dma_start3A_431 = arith.constant 0 : i32
        %dma_start3A_432 = tpu.memref_slice %arg6[%dma_start3A_429, %dma_start3A_430, %dma_start3A_431] : memref<5x64x256xf32, #tpu.memory_space<vmem>> -> memref<1x64x256xf32, #tpu.memory_space<vmem>>
        %dma_start3A_433 = tpu.memref_squeeze %dma_start3A_432 : memref<1x64x256xf32, #tpu.memory_space<vmem>> -> memref<64x256xf32, #tpu.memory_space<vmem>>
        %dma_start3A_434 = tpu.memref_slice %arg5[%mul3A_428] : memref<6400xi32, #tpu.memory_space<vmem>> -> memref<64xi32, #tpu.memory_space<vmem>>
        %dma_start3A_435 = arith.constant 0 : i32
        %dma_start3A_436 = arith.constant 0 : i32
        %dma_start3A_437 = tpu.memref_slice %arg2[%dma_start3A_435, %dma_start3A_436] : memref<163840x256xf32, #tpu.memory_space<hbm>> -> memref<163840x256xf32, #tpu.memory_space<hbm>>
        tpu.enqueue_indirect_dma source(%dma_start3A_437 : memref<163840x256xf32, #tpu.memory_space<hbm>>) target(%dma_start3A_433 : memref<64x256xf32, #tpu.memory_space<vmem>>) offsets(%dma_start3A_434 : memref<64xi32, #tpu.memory_space<vmem>>) semaphore(%arg9 : memref<!tpu.dma_semaphore, #tpu.memory_space<semaphore_mem>>)
      } else {
      }
      %lt3A_308 = arith.constant 100 : i32
      %lt3A_309 = arith.cmpi slt, %sub3A_299, %lt3A_308 : i32
      %lt3A_310 = arith.constant 5 : i32
      %lt3A_311 = arith.cmpi slt, %sub3A_299, %lt3A_310 : i32
      %and3A_312 = arith.andi %lt3A_309, %lt3A_311 : i1
      %convert_element_type3A_313 = arith.extui %and3A_312 : i1 to i32
      %cond3A_314 = arith.constant 0 : i32
      %cond3A_315 = arith.cmpi ne, %convert_element_type3A_313, %cond3A_314 : i32
      scf.if %cond3A_315 {
        %mul3A_409 = arith.constant 64 : i32
        %mul3A_410 = arith.muli %sub3A_299, %mul3A_409 : i32
        %dma_start3A_411 = arith.constant 2 : i32
        %dma_start3A_412 = arith.constant 0 : i32
        %dma_start3A_413 = arith.constant 0 : i32
        %dma_start3A_414 = tpu.memref_slice %arg6[%dma_start3A_411, %dma_start3A_412, %dma_start3A_413] : memref<5x64x256xf32, #tpu.memory_space<vmem>> -> memref<1x64x256xf32, #tpu.memory_space<vmem>>
        %dma_start3A_415 = tpu.memref_squeeze %dma_start3A_414 : memref<1x64x256xf32, #tpu.memory_space<vmem>> -> memref<64x256xf32, #tpu.memory_space<vmem>>
        %dma_start3A_416 = tpu.memref_slice %arg5[%mul3A_410] : memref<6400xi32, #tpu.memory_space<vmem>> -> memref<64xi32, #tpu.memory_space<vmem>>
        %dma_start3A_417 = arith.constant 0 : i32
        %dma_start3A_418 = arith.constant 0 : i32
        %dma_start3A_419 = tpu.memref_slice %arg2[%dma_start3A_417, %dma_start3A_418] : memref<163840x256xf32, #tpu.memory_space<hbm>> -> memref<163840x256xf32, #tpu.memory_space<hbm>>
        tpu.enqueue_indirect_dma source(%dma_start3A_419 : memref<163840x256xf32, #tpu.memory_space<hbm>>) target(%dma_start3A_415 : memref<64x256xf32, #tpu.memory_space<vmem>>) offsets(%dma_start3A_416 : memref<64xi32, #tpu.memory_space<vmem>>) semaphore(%arg9 : memref<!tpu.dma_semaphore, #tpu.memory_space<semaphore_mem>>)
      } else {
      }
      %mul3A_316 = arith.constant 64 : i32
      %mul3A_317 = arith.muli %add3A_295, %mul3A_316 : i32
      %dma_wait3A_318 = arith.constant 3 : i32
      %dma_wait3A_319 = arith.constant 0 : i32
      %dma_wait3A_320 = arith.constant 0 : i32
      %dma_wait3A_321 = tpu.memref_slice %arg6[%dma_wait3A_318, %dma_wait3A_319, %dma_wait3A_320] : memref<5x64x256xf32, #tpu.memory_space<vmem>> -> memref<1x64x256xf32, #tpu.memory_space<vmem>>
      %dma_wait3A_322 = tpu.memref_squeeze %dma_wait3A_321 : memref<1x64x256xf32, #tpu.memory_space<vmem>> -> memref<64x256xf32, #tpu.memory_space<vmem>>
      %dma_wait3A_323 = tpu.memref_slice %arg5[%mul3A_317] : memref<6400xi32, #tpu.memory_space<vmem>> -> memref<64xi32, #tpu.memory_space<vmem>>
      %dma_wait3A_324 = arith.constant 0 : i32
      %dma_wait3A_325 = arith.constant 0 : i32
      %dma_wait3A_326 = tpu.memref_slice %arg2[%dma_wait3A_324, %dma_wait3A_325] : memref<163840x256xf32, #tpu.memory_space<hbm>> -> memref<163840x256xf32, #tpu.memory_space<hbm>>
      tpu.wait_indirect_dma semaphore(%arg10 : memref<!tpu.dma_semaphore, #tpu.memory_space<semaphore_mem>>) src(%dma_wait3A_326 : memref<163840x256xf32, #tpu.memory_space<hbm>>) dst(%dma_wait3A_322 : memref<64x256xf32, #tpu.memory_space<vmem>>)
      %scan3A_327 = arith.constant 0 : i32
      %scan3A_328 = arith.constant 0 : i32
      %scan3A_329 = arith.constant 64 : i32
      %scan3A_330 = arith.addi %scan3A_328, %scan3A_329 : i32
      %scan3A_331 = arith.constant 1 : i32
      %scan3A_332 = scf.for %scan3A_409 = %scan3A_328 to %scan3A_330 step %scan3A_331 iter_args(%scan3A_410 = %scan3A_327) -> (i32)  : i32 {
        %get3A = arith.constant 3 : i32
        %get3A_411 = arith.index_cast %get3A : i32 to index
        %get3A_412 = arith.index_cast %scan3A_409 : i32 to index
        %get3A_413 = arith.constant 0 : index
        %get3A_414 = tpu.vector_load %arg6[%get3A_411, %get3A_412, %get3A_413] {strides = array<i32>} : memref<5x64x256xf32, #tpu.memory_space<vmem>>, vector<1x1x16xf32>,
        %get3A_415 = vector.shape_cast %get3A_414 : vector<1x1x16xf32> to vector<16xf32>
        %mul3A_416 = arith.constant 1.61803401 : f32
        %mul3A_417 = vector.broadcast %mul3A_416 : f32 to vector<16xf32>
        %mul3A_418 = arith.mulf %get3A_415, %mul3A_417 : vector<16xf32>
        %swap3A = arith.constant 3 : i32
        %swap3A_419 = arith.index_cast %swap3A : i32 to index
        %swap3A_420 = arith.index_cast %scan3A_409 : i32 to index
        %swap3A_421 = arith.constant 0 : index
        %swap3A_422 = tpu.vector_load %arg6[%swap3A_419, %swap3A_420, %swap3A_421] {strides = array<i32>} : memref<5x64x256xf32, #tpu.memory_space<vmem>>, vector<1x1x16xf32>,
        %swap3A_423 = vector.shape_cast %swap3A_422 : vector<1x1x16xf32> to vector<16xf32>
        %swap3A_424 = vector.shape_cast %mul3A_418 : vector<16xf32> to vector<1x1x16xf32>
        tpu.vector_store %arg6[%swap3A_419, %swap3A_420, %swap3A_421], %swap3A_424 {strides = array<i32>} : memref<5x64x256xf32, #tpu.memory_space<vmem>>, vector<1x1x16xf32>,
        %get3A_425 = arith.constant 3 : i32
        %get3A_426 = arith.index_cast %get3A_425 : i32 to index
        %get3A_427 = arith.index_cast %scan3A_409 : i32 to index
        %get3A_428 = arith.constant 16 : index
        %get3A_429 = tpu.vector_load %arg6[%get3A_426, %get3A_427, %get3A_428] {strides = array<i32>} : memref<5x64x256xf32, #tpu.memory_space<vmem>>, vector<1x1x16xf32>,
        %get3A_430 = vector.shape_cast %get3A_429 : vector<1x1x16xf32> to vector<16xf32>
        %mul3A_431 = arith.constant 1.61803401 : f32
        %mul3A_432 = vector.broadcast %mul3A_431 : f32 to vector<16xf32>
        %mul3A_433 = arith.mulf %get3A_430, %mul3A_432 : vector<16xf32>
        %swap3A_434 = arith.constant 3 : i32
        %swap3A_435 = arith.index_cast %swap3A_434 : i32 to index
        %swap3A_436 = arith.index_cast %scan3A_409 : i32 to index
        %swap3A_437 = arith.constant 16 : index
        %swap3A_438 = tpu.vector_load %arg6[%swap3A_435, %swap3A_436, %swap3A_437] {strides = array<i32>} : memref<5x64x256xf32, #tpu.memory_space<vmem>>, vector<1x1x16xf32>,
        %swap3A_439 = vector.shape_cast %swap3A_438 : vector<1x1x16xf32> to vector<16xf32>
        %swap3A_440 = vector.shape_cast %mul3A_433 : vector<16xf32> to vector<1x1x16xf32>
        tpu.vector_store %arg6[%swap3A_435, %swap3A_436, %swap3A_437], %swap3A_440 {strides = array<i32>} : memref<5x64x256xf32, #tpu.memory_space<vmem>>, vector<1x1x16xf32>,
        %get3A_441 = arith.constant 3 : i32
        %get3A_442 = arith.index_cast %get3A_441 : i32 to index
        %get3A_443 = arith.index_cast %scan3A_409 : i32 to index
        %get3A_444 = arith.constant 32 : index
        %get3A_445 = tpu.vector_load %arg6[%get3A_442, %get3A_443, %get3A_444] {strides = array<i32>} : memref<5x64x256xf32, #tpu.memory_space<vmem>>, vector<1x1x16xf32>,
        %get3A_446 = vector.shape_cast %get3A_445 : vector<1x1x16xf32> to vector<16xf32>
        %mul3A_447 = arith.constant 1.61803401 : f32
        %mul3A_448 = vector.broadcast %mul3A_447 : f32 to vector<16xf32>
        %mul3A_449 = arith.mulf %get3A_446, %mul3A_448 : vector<16xf32>
        %swap3A_450 = arith.constant 3 : i32
        %swap3A_451 = arith.index_cast %swap3A_450 : i32 to index
        %swap3A_452 = arith.index_cast %scan3A_409 : i32 to index
        %swap3A_453 = arith.constant 32 : index
        %swap3A_454 = tpu.vector_load %arg6[%swap3A_451, %swap3A_452, %swap3A_453] {strides = array<i32>} : memref<5x64x256xf32, #tpu.memory_space<vmem>>, vector<1x1x16xf32>,
        %swap3A_455 = vector.shape_cast %swap3A_454 : vector<1x1x16xf32> to vector<16xf32>
        %swap3A_456 = vector.shape_cast %mul3A_449 : vector<16xf32> to vector<1x1x16xf32>
        tpu.vector_store %arg6[%swap3A_451, %swap3A_452, %swap3A_453], %swap3A_456 {strides = array<i32>} : memref<5x64x256xf32, #tpu.memory_space<vmem>>, vector<1x1x16xf32>,
        %get3A_457 = arith.constant 3 : i32
        %get3A_458 = arith.index_cast %get3A_457 : i32 to index
        %get3A_459 = arith.index_cast %scan3A_409 : i32 to index
        %get3A_460 = arith.constant 48 : index
        %get3A_461 = tpu.vector_load %arg6[%get3A_458, %get3A_459, %get3A_460] {strides = array<i32>} : memref<5x64x256xf32, #tpu.memory_space<vmem>>, vector<1x1x16xf32>,
        %get3A_462 = vector.shape_cast %get3A_461 : vector<1x1x16xf32> to vector<16xf32>
        %mul3A_463 = arith.constant 1.61803401 : f32
        %mul3A_464 = vector.broadcast %mul3A_463 : f32 to vector<16xf32>
        %mul3A_465 = arith.mulf %get3A_462, %mul3A_464 : vector<16xf32>
        %swap3A_466 = arith.constant 3 : i32
        %swap3A_467 = arith.index_cast %swap3A_466 : i32 to index
        %swap3A_468 = arith.index_cast %scan3A_409 : i32 to index
        %swap3A_469 = arith.constant 48 : index
        %swap3A_470 = tpu.vector_load %arg6[%swap3A_467, %swap3A_468, %swap3A_469] {strides = array<i32>} : memref<5x64x256xf32, #tpu.memory_space<vmem>>, vector<1x1x16xf32>,
        %swap3A_471 = vector.shape_cast %swap3A_470 : vector<1x1x16xf32> to vector<16xf32>
        %swap3A_472 = vector.shape_cast %mul3A_465 : vector<16xf32> to vector<1x1x16xf32>
        tpu.vector_store %arg6[%swap3A_467, %swap3A_468, %swap3A_469], %swap3A_472 {strides = array<i32>} : memref<5x64x256xf32, #tpu.memory_space<vmem>>, vector<1x1x16xf32>,
        %get3A_473 = arith.constant 3 : i32
        %get3A_474 = arith.index_cast %get3A_473 : i32 to index
        %get3A_475 = arith.index_cast %scan3A_409 : i32 to index
        %get3A_476 = arith.constant 64 : index
        %get3A_477 = tpu.vector_load %arg6[%get3A_474, %get3A_475, %get3A_476] {strides = array<i32>} : memref<5x64x256xf32, #tpu.memory_space<vmem>>, vector<1x1x16xf32>,
        %get3A_478 = vector.shape_cast %get3A_477 : vector<1x1x16xf32> to vector<16xf32>
        %mul3A_479 = arith.constant 1.61803401 : f32
        %mul3A_480 = vector.broadcast %mul3A_479 : f32 to vector<16xf32>
        %mul3A_481 = arith.mulf %get3A_478, %mul3A_480 : vector<16xf32>
        %swap3A_482 = arith.constant 3 : i32
        %swap3A_483 = arith.index_cast %swap3A_482 : i32 to index
        %swap3A_484 = arith.index_cast %scan3A_409 : i32 to index
        %swap3A_485 = arith.constant 64 : index
        %swap3A_486 = tpu.vector_load %arg6[%swap3A_483, %swap3A_484, %swap3A_485] {strides = array<i32>} : memref<5x64x256xf32, #tpu.memory_space<vmem>>, vector<1x1x16xf32>,
        %swap3A_487 = vector.shape_cast %swap3A_486 : vector<1x1x16xf32> to vector<16xf32>
        %swap3A_488 = vector.shape_cast %mul3A_481 : vector<16xf32> to vector<1x1x16xf32>
        tpu.vector_store %arg6[%swap3A_483, %swap3A_484, %swap3A_485], %swap3A_488 {strides = array<i32>} : memref<5x64x256xf32, #tpu.memory_space<vmem>>, vector<1x1x16xf32>,
        %get3A_489 = arith.constant 3 : i32
        %get3A_490 = arith.index_cast %get3A_489 : i32 to index
        %get3A_491 = arith.index_cast %scan3A_409 : i32 to index
        %get3A_492 = arith.constant 80 : index
        %get3A_493 = tpu.vector_load %arg6[%get3A_490, %get3A_491, %get3A_492] {strides = array<i32>} : memref<5x64x256xf32, #tpu.memory_space<vmem>>, vector<1x1x16xf32>,
        %get3A_494 = vector.shape_cast %get3A_493 : vector<1x1x16xf32> to vector<16xf32>
        %mul3A_495 = arith.constant 1.61803401 : f32
        %mul3A_496 = vector.broadcast %mul3A_495 : f32 to vector<16xf32>
        %mul3A_497 = arith.mulf %get3A_494, %mul3A_496 : vector<16xf32>
        %swap3A_498 = arith.constant 3 : i32
        %swap3A_499 = arith.index_cast %swap3A_498 : i32 to index
        %swap3A_500 = arith.index_cast %scan3A_409 : i32 to index
        %swap3A_501 = arith.constant 80 : index
        %swap3A_502 = tpu.vector_load %arg6[%swap3A_499, %swap3A_500, %swap3A_501] {strides = array<i32>} : memref<5x64x256xf32, #tpu.memory_space<vmem>>, vector<1x1x16xf32>,
        %swap3A_503 = vector.shape_cast %swap3A_502 : vector<1x1x16xf32> to vector<16xf32>
        %swap3A_504 = vector.shape_cast %mul3A_497 : vector<16xf32> to vector<1x1x16xf32>
        tpu.vector_store %arg6[%swap3A_499, %swap3A_500, %swap3A_501], %swap3A_504 {strides = array<i32>} : memref<5x64x256xf32, #tpu.memory_space<vmem>>, vector<1x1x16xf32>,
        %get3A_505 = arith.constant 3 : i32
        %get3A_506 = arith.index_cast %get3A_505 : i32 to index
        %get3A_507 = arith.index_cast %scan3A_409 : i32 to index
        %get3A_508 = arith.constant 96 : index
        %get3A_509 = tpu.vector_load %arg6[%get3A_506, %get3A_507, %get3A_508] {strides = array<i32>} : memref<5x64x256xf32, #tpu.memory_space<vmem>>, vector<1x1x16xf32>,
        %get3A_510 = vector.shape_cast %get3A_509 : vector<1x1x16xf32> to vector<16xf32>
        %mul3A_511 = arith.constant 1.61803401 : f32
        %mul3A_512 = vector.broadcast %mul3A_511 : f32 to vector<16xf32>
        %mul3A_513 = arith.mulf %get3A_510, %mul3A_512 : vector<16xf32>
        %swap3A_514 = arith.constant 3 : i32
        %swap3A_515 = arith.index_cast %swap3A_514 : i32 to index
        %swap3A_516 = arith.index_cast %scan3A_409 : i32 to index
        %swap3A_517 = arith.constant 96 : index
        %swap3A_518 = tpu.vector_load %arg6[%swap3A_515, %swap3A_516, %swap3A_517] {strides = array<i32>} : memref<5x64x256xf32, #tpu.memory_space<vmem>>, vector<1x1x16xf32>,
        %swap3A_519 = vector.shape_cast %swap3A_518 : vector<1x1x16xf32> to vector<16xf32>
        %swap3A_520 = vector.shape_cast %mul3A_513 : vector<16xf32> to vector<1x1x16xf32>
        tpu.vector_store %arg6[%swap3A_515, %swap3A_516, %swap3A_517], %swap3A_520 {strides = array<i32>} : memref<5x64x256xf32, #tpu.memory_space<vmem>>, vector<1x1x16xf32>,
        %get3A_521 = arith.constant 3 : i32
        %get3A_522 = arith.index_cast %get3A_521 : i32 to index
        %get3A_523 = arith.index_cast %scan3A_409 : i32 to index
        %get3A_524 = arith.constant 112 : index
        %get3A_525 = tpu.vector_load %arg6[%get3A_522, %get3A_523, %get3A_524] {strides = array<i32>} : memref<5x64x256xf32, #tpu.memory_space<vmem>>, vector<1x1x16xf32>,
        %get3A_526 = vector.shape_cast %get3A_525 : vector<1x1x16xf32> to vector<16xf32>
        %mul3A_527 = arith.constant 1.61803401 : f32
        %mul3A_528 = vector.broadcast %mul3A_527 : f32 to vector<16xf32>
        %mul3A_529 = arith.mulf %get3A_526, %mul3A_528 : vector<16xf32>
        %swap3A_530 = arith.constant 3 : i32
        %swap3A_531 = arith.index_cast %swap3A_530 : i32 to index
        %swap3A_532 = arith.index_cast %scan3A_409 : i32 to index
        %swap3A_533 = arith.constant 112 : index
        %swap3A_534 = tpu.vector_load %arg6[%swap3A_531, %swap3A_532, %swap3A_533] {strides = array<i32>} : memref<5x64x256xf32, #tpu.memory_space<vmem>>, vector<1x1x16xf32>,
        %swap3A_535 = vector.shape_cast %swap3A_534 : vector<1x1x16xf32> to vector<16xf32>
        %swap3A_536 = vector.shape_cast %mul3A_529 : vector<16xf32> to vector<1x1x16xf32>
        tpu.vector_store %arg6[%swap3A_531, %swap3A_532, %swap3A_533], %swap3A_536 {strides = array<i32>} : memref<5x64x256xf32, #tpu.memory_space<vmem>>, vector<1x1x16xf32>,
        %get3A_537 = arith.constant 3 : i32
        %get3A_538 = arith.index_cast %get3A_537 : i32 to index
        %get3A_539 = arith.index_cast %scan3A_409 : i32 to index
        %get3A_540 = arith.constant 128 : index
        %get3A_541 = tpu.vector_load %arg6[%get3A_538, %get3A_539, %get3A_540] {strides = array<i32>} : memref<5x64x256xf32, #tpu.memory_space<vmem>>, vector<1x1x16xf32>,
        %get3A_542 = vector.shape_cast %get3A_541 : vector<1x1x16xf32> to vector<16xf32>
        %mul3A_543 = arith.constant 1.61803401 : f32
        %mul3A_544 = vector.broadcast %mul3A_543 : f32 to vector<16xf32>
        %mul3A_545 = arith.mulf %get3A_542, %mul3A_544 : vector<16xf32>
        %swap3A_546 = arith.constant 3 : i32
        %swap3A_547 = arith.index_cast %swap3A_546 : i32 to index
        %swap3A_548 = arith.index_cast %scan3A_409 : i32 to index
        %swap3A_549 = arith.constant 128 : index
        %swap3A_550 = tpu.vector_load %arg6[%swap3A_547, %swap3A_548, %swap3A_549] {strides = array<i32>} : memref<5x64x256xf32, #tpu.memory_space<vmem>>, vector<1x1x16xf32>,
        %swap3A_551 = vector.shape_cast %swap3A_550 : vector<1x1x16xf32> to vector<16xf32>
        %swap3A_552 = vector.shape_cast %mul3A_545 : vector<16xf32> to vector<1x1x16xf32>
        tpu.vector_store %arg6[%swap3A_547, %swap3A_548, %swap3A_549], %swap3A_552 {strides = array<i32>} : memref<5x64x256xf32, #tpu.memory_space<vmem>>, vector<1x1x16xf32>,
        %get3A_553 = arith.constant 3 : i32
        %get3A_554 = arith.index_cast %get3A_553 : i32 to index
        %get3A_555 = arith.index_cast %scan3A_409 : i32 to index
        %get3A_556 = arith.constant 144 : index
        %get3A_557 = tpu.vector_load %arg6[%get3A_554, %get3A_555, %get3A_556] {strides = array<i32>} : memref<5x64x256xf32, #tpu.memory_space<vmem>>, vector<1x1x16xf32>,
        %get3A_558 = vector.shape_cast %get3A_557 : vector<1x1x16xf32> to vector<16xf32>
        %mul3A_559 = arith.constant 1.61803401 : f32
        %mul3A_560 = vector.broadcast %mul3A_559 : f32 to vector<16xf32>
        %mul3A_561 = arith.mulf %get3A_558, %mul3A_560 : vector<16xf32>
        %swap3A_562 = arith.constant 3 : i32
        %swap3A_563 = arith.index_cast %swap3A_562 : i32 to index
        %swap3A_564 = arith.index_cast %scan3A_409 : i32 to index
        %swap3A_565 = arith.constant 144 : index
        %swap3A_566 = tpu.vector_load %arg6[%swap3A_563, %swap3A_564, %swap3A_565] {strides = array<i32>} : memref<5x64x256xf32, #tpu.memory_space<vmem>>, vector<1x1x16xf32>,
        %swap3A_567 = vector.shape_cast %swap3A_566 : vector<1x1x16xf32> to vector<16xf32>
        %swap3A_568 = vector.shape_cast %mul3A_561 : vector<16xf32> to vector<1x1x16xf32>
        tpu.vector_store %arg6[%swap3A_563, %swap3A_564, %swap3A_565], %swap3A_568 {strides = array<i32>} : memref<5x64x256xf32, #tpu.memory_space<vmem>>, vector<1x1x16xf32>,
        %get3A_569 = arith.constant 3 : i32
        %get3A_570 = arith.index_cast %get3A_569 : i32 to index
        %get3A_571 = arith.index_cast %scan3A_409 : i32 to index
        %get3A_572 = arith.constant 160 : index
        %get3A_573 = tpu.vector_load %arg6[%get3A_570, %get3A_571, %get3A_572] {strides = array<i32>} : memref<5x64x256xf32, #tpu.memory_space<vmem>>, vector<1x1x16xf32>,
        %get3A_574 = vector.shape_cast %get3A_573 : vector<1x1x16xf32> to vector<16xf32>
        %mul3A_575 = arith.constant 1.61803401 : f32
        %mul3A_576 = vector.broadcast %mul3A_575 : f32 to vector<16xf32>
        %mul3A_577 = arith.mulf %get3A_574, %mul3A_576 : vector<16xf32>
        %swap3A_578 = arith.constant 3 : i32
        %swap3A_579 = arith.index_cast %swap3A_578 : i32 to index
        %swap3A_580 = arith.index_cast %scan3A_409 : i32 to index
        %swap3A_581 = arith.constant 160 : index
        %swap3A_582 = tpu.vector_load %arg6[%swap3A_579, %swap3A_580, %swap3A_581] {strides = array<i32>} : memref<5x64x256xf32, #tpu.memory_space<vmem>>, vector<1x1x16xf32>,
        %swap3A_583 = vector.shape_cast %swap3A_582 : vector<1x1x16xf32> to vector<16xf32>
        %swap3A_584 = vector.shape_cast %mul3A_577 : vector<16xf32> to vector<1x1x16xf32>
        tpu.vector_store %arg6[%swap3A_579, %swap3A_580, %swap3A_581], %swap3A_584 {strides = array<i32>} : memref<5x64x256xf32, #tpu.memory_space<vmem>>, vector<1x1x16xf32>,
        %get3A_585 = arith.constant 3 : i32
        %get3A_586 = arith.index_cast %get3A_585 : i32 to index
        %get3A_587 = arith.index_cast %scan3A_409 : i32 to index
        %get3A_588 = arith.constant 176 : index
        %get3A_589 = tpu.vector_load %arg6[%get3A_586, %get3A_587, %get3A_588] {strides = array<i32>} : memref<5x64x256xf32, #tpu.memory_space<vmem>>, vector<1x1x16xf32>,
        %get3A_590 = vector.shape_cast %get3A_589 : vector<1x1x16xf32> to vector<16xf32>
        %mul3A_591 = arith.constant 1.61803401 : f32
        %mul3A_592 = vector.broadcast %mul3A_591 : f32 to vector<16xf32>
        %mul3A_593 = arith.mulf %get3A_590, %mul3A_592 : vector<16xf32>
        %swap3A_594 = arith.constant 3 : i32
        %swap3A_595 = arith.index_cast %swap3A_594 : i32 to index
        %swap3A_596 = arith.index_cast %scan3A_409 : i32 to index
        %swap3A_597 = arith.constant 176 : index
        %swap3A_598 = tpu.vector_load %arg6[%swap3A_595, %swap3A_596, %swap3A_597] {strides = array<i32>} : memref<5x64x256xf32, #tpu.memory_space<vmem>>, vector<1x1x16xf32>,
        %swap3A_599 = vector.shape_cast %swap3A_598 : vector<1x1x16xf32> to vector<16xf32>
        %swap3A_600 = vector.shape_cast %mul3A_593 : vector<16xf32> to vector<1x1x16xf32>
        tpu.vector_store %arg6[%swap3A_595, %swap3A_596, %swap3A_597], %swap3A_600 {strides = array<i32>} : memref<5x64x256xf32, #tpu.memory_space<vmem>>, vector<1x1x16xf32>,
        %get3A_601 = arith.constant 3 : i32
        %get3A_602 = arith.index_cast %get3A_601 : i32 to index
        %get3A_603 = arith.index_cast %scan3A_409 : i32 to index
        %get3A_604 = arith.constant 192 : index
        %get3A_605 = tpu.vector_load %arg6[%get3A_602, %get3A_603, %get3A_604] {strides = array<i32>} : memref<5x64x256xf32, #tpu.memory_space<vmem>>, vector<1x1x16xf32>,
        %get3A_606 = vector.shape_cast %get3A_605 : vector<1x1x16xf32> to vector<16xf32>
        %mul3A_607 = arith.constant 1.61803401 : f32
        %mul3A_608 = vector.broadcast %mul3A_607 : f32 to vector<16xf32>
        %mul3A_609 = arith.mulf %get3A_606, %mul3A_608 : vector<16xf32>
        %swap3A_610 = arith.constant 3 : i32
        %swap3A_611 = arith.index_cast %swap3A_610 : i32 to index
        %swap3A_612 = arith.index_cast %scan3A_409 : i32 to index
        %swap3A_613 = arith.constant 192 : index
        %swap3A_614 = tpu.vector_load %arg6[%swap3A_611, %swap3A_612, %swap3A_613] {strides = array<i32>} : memref<5x64x256xf32, #tpu.memory_space<vmem>>, vector<1x1x16xf32>,
        %swap3A_615 = vector.shape_cast %swap3A_614 : vector<1x1x16xf32> to vector<16xf32>
        %swap3A_616 = vector.shape_cast %mul3A_609 : vector<16xf32> to vector<1x1x16xf32>
        tpu.vector_store %arg6[%swap3A_611, %swap3A_612, %swap3A_613], %swap3A_616 {strides = array<i32>} : memref<5x64x256xf32, #tpu.memory_space<vmem>>, vector<1x1x16xf32>,
        %get3A_617 = arith.constant 3 : i32
        %get3A_618 = arith.index_cast %get3A_617 : i32 to index
        %get3A_619 = arith.index_cast %scan3A_409 : i32 to index
        %get3A_620 = arith.constant 208 : index
        %get3A_621 = tpu.vector_load %arg6[%get3A_618, %get3A_619, %get3A_620] {strides = array<i32>} : memref<5x64x256xf32, #tpu.memory_space<vmem>>, vector<1x1x16xf32>,
        %get3A_622 = vector.shape_cast %get3A_621 : vector<1x1x16xf32> to vector<16xf32>
        %mul3A_623 = arith.constant 1.61803401 : f32
        %mul3A_624 = vector.broadcast %mul3A_623 : f32 to vector<16xf32>
        %mul3A_625 = arith.mulf %get3A_622, %mul3A_624 : vector<16xf32>
        %swap3A_626 = arith.constant 3 : i32
        %swap3A_627 = arith.index_cast %swap3A_626 : i32 to index
        %swap3A_628 = arith.index_cast %scan3A_409 : i32 to index
        %swap3A_629 = arith.constant 208 : index
        %swap3A_630 = tpu.vector_load %arg6[%swap3A_627, %swap3A_628, %swap3A_629] {strides = array<i32>} : memref<5x64x256xf32, #tpu.memory_space<vmem>>, vector<1x1x16xf32>,
        %swap3A_631 = vector.shape_cast %swap3A_630 : vector<1x1x16xf32> to vector<16xf32>
        %swap3A_632 = vector.shape_cast %mul3A_625 : vector<16xf32> to vector<1x1x16xf32>
        tpu.vector_store %arg6[%swap3A_627, %swap3A_628, %swap3A_629], %swap3A_632 {strides = array<i32>} : memref<5x64x256xf32, #tpu.memory_space<vmem>>, vector<1x1x16xf32>,
        %get3A_633 = arith.constant 3 : i32
        %get3A_634 = arith.index_cast %get3A_633 : i32 to index
        %get3A_635 = arith.index_cast %scan3A_409 : i32 to index
        %get3A_636 = arith.constant 224 : index
        %get3A_637 = tpu.vector_load %arg6[%get3A_634, %get3A_635, %get3A_636] {strides = array<i32>} : memref<5x64x256xf32, #tpu.memory_space<vmem>>, vector<1x1x16xf32>,
        %get3A_638 = vector.shape_cast %get3A_637 : vector<1x1x16xf32> to vector<16xf32>
        %mul3A_639 = arith.constant 1.61803401 : f32
        %mul3A_640 = vector.broadcast %mul3A_639 : f32 to vector<16xf32>
        %mul3A_641 = arith.mulf %get3A_638, %mul3A_640 : vector<16xf32>
        %swap3A_642 = arith.constant 3 : i32
        %swap3A_643 = arith.index_cast %swap3A_642 : i32 to index
        %swap3A_644 = arith.index_cast %scan3A_409 : i32 to index
        %swap3A_645 = arith.constant 224 : index
        %swap3A_646 = tpu.vector_load %arg6[%swap3A_643, %swap3A_644, %swap3A_645] {strides = array<i32>} : memref<5x64x256xf32, #tpu.memory_space<vmem>>, vector<1x1x16xf32>,
        %swap3A_647 = vector.shape_cast %swap3A_646 : vector<1x1x16xf32> to vector<16xf32>
        %swap3A_648 = vector.shape_cast %mul3A_641 : vector<16xf32> to vector<1x1x16xf32>
        tpu.vector_store %arg6[%swap3A_643, %swap3A_644, %swap3A_645], %swap3A_648 {strides = array<i32>} : memref<5x64x256xf32, #tpu.memory_space<vmem>>, vector<1x1x16xf32>,
        %get3A_649 = arith.constant 3 : i32
        %get3A_650 = arith.index_cast %get3A_649 : i32 to index
        %get3A_651 = arith.index_cast %scan3A_409 : i32 to index
        %get3A_652 = arith.constant 240 : index
        %get3A_653 = tpu.vector_load %arg6[%get3A_650, %get3A_651, %get3A_652] {strides = array<i32>} : memref<5x64x256xf32, #tpu.memory_space<vmem>>, vector<1x1x16xf32>,
        %get3A_654 = vector.shape_cast %get3A_653 : vector<1x1x16xf32> to vector<16xf32>
        %mul3A_655 = arith.constant 1.61803401 : f32
        %mul3A_656 = vector.broadcast %mul3A_655 : f32 to vector<16xf32>
        %mul3A_657 = arith.mulf %get3A_654, %mul3A_656 : vector<16xf32>
        %swap3A_658 = arith.constant 3 : i32
        %swap3A_659 = arith.index_cast %swap3A_658 : i32 to index
        %swap3A_660 = arith.index_cast %scan3A_409 : i32 to index
        %swap3A_661 = arith.constant 240 : index
        %swap3A_662 = tpu.vector_load %arg6[%swap3A_659, %swap3A_660, %swap3A_661] {strides = array<i32>} : memref<5x64x256xf32, #tpu.memory_space<vmem>>, vector<1x1x16xf32>,
        %swap3A_663 = vector.shape_cast %swap3A_662 : vector<1x1x16xf32> to vector<16xf32>
        %swap3A_664 = vector.shape_cast %mul3A_657 : vector<16xf32> to vector<1x1x16xf32>
        tpu.vector_store %arg6[%swap3A_659, %swap3A_660, %swap3A_661], %swap3A_664 {strides = array<i32>} : memref<5x64x256xf32, #tpu.memory_space<vmem>>, vector<1x1x16xf32>,
        %scan3A_665 = arith.constant 0 : i32
        scf.yield %scan3A_665 : i32
      }
      %scan3A_333 = arith.constant 64 : i32
      %mul3A_334 = arith.constant 64 : i32
      %mul3A_335 = arith.muli %add3A_295, %mul3A_334 : i32
      %add3A_336 = arith.addi %mul3A_2, %mul3A_335 : i32
      %dma_start3A_337 = arith.constant 3 : i32
      %dma_start3A_338 = arith.constant 0 : i32
      %dma_start3A_339 = arith.constant 0 : i32
      %dma_start3A_340 = tpu.memref_slice %arg6[%dma_start3A_337, %dma_start3A_338, %dma_start3A_339] : memref<5x64x256xf32, #tpu.memory_space<vmem>> -> memref<1x64x256xf32, #tpu.memory_space<vmem>>
      %dma_start3A_341 = tpu.memref_squeeze %dma_start3A_340 : memref<1x64x256xf32, #tpu.memory_space<vmem>> -> memref<64x256xf32, #tpu.memory_space<vmem>>
      %dma_start3A_342 = arith.constant 0 : i32
      %dma_start3A_343 = tpu.memref_slice %arg4[%add3A_336, %dma_start3A_342] : memref<204800x256xf32, #tpu.memory_space<hbm>> -> memref<64x256xf32, #tpu.memory_space<hbm>>
      %dma_start3A_344 = arith.constant 0 : i32
      %dma_start3A_345 = tpu.memref_slice %arg4[%add3A_336, %dma_start3A_344] : memref<204800x256xf32, #tpu.memory_space<hbm>> -> memref<64x256xf32, #tpu.memory_space<hbm>>
      %dma_start3A_346 = arith.constant 0 : i32
      %dma_start3A_347 = arith.constant 0 : i32
      %dma_start3A_348 = tpu.memref_slice %arg6[%dma_start3A_337, %dma_start3A_346, %dma_start3A_347] : memref<5x64x256xf32, #tpu.memory_space<vmem>> -> memref<1x64x256xf32, #tpu.memory_space<vmem>>
      %dma_start3A_349 = tpu.memref_squeeze %dma_start3A_348 : memref<1x64x256xf32, #tpu.memory_space<vmem>> -> memref<64x256xf32, #tpu.memory_space<vmem>>
      tpu.enqueue_dma source(%dma_start3A_349 : memref<64x256xf32, #tpu.memory_space<vmem>>) target(%dma_start3A_345 : memref<64x256xf32, #tpu.memory_space<hbm>>) target_semaphore(%arg15 : memref<!tpu.dma_semaphore, #tpu.memory_space<semaphore_mem>>)
      %mul3A_350 = arith.constant 5 : i32
      %mul3A_351 = arith.muli %scan3A_122, %mul3A_350 : i32
      %add3A_352 = arith.constant 4 : i32
      %add3A_353 = arith.addi %mul3A_351, %add3A_352 : i32
      %add3A_354 = arith.constant 5 : i32
      %add3A_355 = arith.addi %add3A_353, %add3A_354 : i32
      %sub3A_356 = arith.constant 1 : i32
      %sub3A_357 = arith.subi %add3A_355, %sub3A_356 : i32
      %lt3A_358 = arith.constant 100 : i32
      %lt3A_359 = arith.cmpi slt, %sub3A_357, %lt3A_358 : i32
      %ge3A_360 = arith.constant 5 : i32
      %ge3A_361 = arith.cmpi sge, %sub3A_357, %ge3A_360 : i32
      %and3A_362 = arith.andi %lt3A_359, %ge3A_361 : i1
      %convert_element_type3A_363 = arith.extui %and3A_362 : i1 to i32
      %cond3A_364 = arith.constant 0 : i32
      %cond3A_365 = arith.cmpi ne, %convert_element_type3A_363, %cond3A_364 : i32
      scf.if %cond3A_365 {
        %sub3A_409 = arith.constant 5 : i32
        %sub3A_410 = arith.subi %sub3A_357, %sub3A_409 : i32
        %mul3A_411 = arith.constant 64 : i32
        %mul3A_412 = arith.muli %sub3A_410, %mul3A_411 : i32
        %add3A_413 = arith.addi %mul3A_2, %mul3A_412 : i32
        %dma_wait3A_414 = arith.constant 3 : i32
        %dma_wait3A_415 = arith.constant 0 : i32
        %dma_wait3A_416 = arith.constant 0 : i32
        %dma_wait3A_417 = tpu.memref_slice %arg6[%dma_wait3A_414, %dma_wait3A_415, %dma_wait3A_416] : memref<5x64x256xf32, #tpu.memory_space<vmem>> -> memref<1x64x256xf32, #tpu.memory_space<vmem>>
        %dma_wait3A_418 = tpu.memref_squeeze %dma_wait3A_417 : memref<1x64x256xf32, #tpu.memory_space<vmem>> -> memref<64x256xf32, #tpu.memory_space<vmem>>
        %dma_wait3A_419 = arith.constant 0 : i32
        %dma_wait3A_420 = tpu.memref_slice %arg4[%add3A_413, %dma_wait3A_419] : memref<204800x256xf32, #tpu.memory_space<hbm>> -> memref<64x256xf32, #tpu.memory_space<hbm>>
        %dma_wait3A_421 = arith.constant 0 : i32
        %dma_wait3A_422 = tpu.memref_slice %arg4[%add3A_413, %dma_wait3A_421] : memref<204800x256xf32, #tpu.memory_space<hbm>> -> memref<64x256xf32, #tpu.memory_space<hbm>>
        %dma_wait3A_423 = arith.constant 0 : i32
        %dma_wait3A_424 = arith.constant 0 : i32
        %dma_wait3A_425 = tpu.memref_slice %arg6[%dma_wait3A_414, %dma_wait3A_423, %dma_wait3A_424] : memref<5x64x256xf32, #tpu.memory_space<vmem>> -> memref<1x64x256xf32, #tpu.memory_space<vmem>>
        %dma_wait3A_426 = tpu.memref_squeeze %dma_wait3A_425 : memref<1x64x256xf32, #tpu.memory_space<vmem>> -> memref<64x256xf32, #tpu.memory_space<vmem>>
        tpu.wait_dma2 semaphore(%arg15 : memref<!tpu.dma_semaphore, #tpu.memory_space<semaphore_mem>>) src(%dma_wait3A_426 : memref<64x256xf32, #tpu.memory_space<vmem>>) dst(%dma_wait3A_422 : memref<64x256xf32, #tpu.memory_space<hbm>>)
        %mul3A_427 = arith.constant 64 : i32
        %mul3A_428 = arith.muli %sub3A_357, %mul3A_427 : i32
        %dma_start3A_429 = arith.constant 3 : i32
        %dma_start3A_430 = arith.constant 0 : i32
        %dma_start3A_431 = arith.constant 0 : i32
        %dma_start3A_432 = tpu.memref_slice %arg6[%dma_start3A_429, %dma_start3A_430, %dma_start3A_431] : memref<5x64x256xf32, #tpu.memory_space<vmem>> -> memref<1x64x256xf32, #tpu.memory_space<vmem>>
        %dma_start3A_433 = tpu.memref_squeeze %dma_start3A_432 : memref<1x64x256xf32, #tpu.memory_space<vmem>> -> memref<64x256xf32, #tpu.memory_space<vmem>>
        %dma_start3A_434 = tpu.memref_slice %arg5[%mul3A_428] : memref<6400xi32, #tpu.memory_space<vmem>> -> memref<64xi32, #tpu.memory_space<vmem>>
        %dma_start3A_435 = arith.constant 0 : i32
        %dma_start3A_436 = arith.constant 0 : i32
        %dma_start3A_437 = tpu.memref_slice %arg2[%dma_start3A_435, %dma_start3A_436] : memref<163840x256xf32, #tpu.memory_space<hbm>> -> memref<163840x256xf32, #tpu.memory_space<hbm>>
        tpu.enqueue_indirect_dma source(%dma_start3A_437 : memref<163840x256xf32, #tpu.memory_space<hbm>>) target(%dma_start3A_433 : memref<64x256xf32, #tpu.memory_space<vmem>>) offsets(%dma_start3A_434 : memref<64xi32, #tpu.memory_space<vmem>>) semaphore(%arg10 : memref<!tpu.dma_semaphore, #tpu.memory_space<semaphore_mem>>)
      } else {
      }
      %lt3A_366 = arith.constant 100 : i32
      %lt3A_367 = arith.cmpi slt, %sub3A_357, %lt3A_366 : i32
      %lt3A_368 = arith.constant 5 : i32
      %lt3A_369 = arith.cmpi slt, %sub3A_357, %lt3A_368 : i32
      %and3A_370 = arith.andi %lt3A_367, %lt3A_369 : i1
      %convert_element_type3A_371 = arith.extui %and3A_370 : i1 to i32
      %cond3A_372 = arith.constant 0 : i32
      %cond3A_373 = arith.cmpi ne, %convert_element_type3A_371, %cond3A_372 : i32
      scf.if %cond3A_373 {
        %mul3A_409 = arith.constant 64 : i32
        %mul3A_410 = arith.muli %sub3A_357, %mul3A_409 : i32
        %dma_start3A_411 = arith.constant 3 : i32
        %dma_start3A_412 = arith.constant 0 : i32
        %dma_start3A_413 = arith.constant 0 : i32
        %dma_start3A_414 = tpu.memref_slice %arg6[%dma_start3A_411, %dma_start3A_412, %dma_start3A_413] : memref<5x64x256xf32, #tpu.memory_space<vmem>> -> memref<1x64x256xf32, #tpu.memory_space<vmem>>
        %dma_start3A_415 = tpu.memref_squeeze %dma_start3A_414 : memref<1x64x256xf32, #tpu.memory_space<vmem>> -> memref<64x256xf32, #tpu.memory_space<vmem>>
        %dma_start3A_416 = tpu.memref_slice %arg5[%mul3A_410] : memref<6400xi32, #tpu.memory_space<vmem>> -> memref<64xi32, #tpu.memory_space<vmem>>
        %dma_start3A_417 = arith.constant 0 : i32
        %dma_start3A_418 = arith.constant 0 : i32
        %dma_start3A_419 = tpu.memref_slice %arg2[%dma_start3A_417, %dma_start3A_418] : memref<163840x256xf32, #tpu.memory_space<hbm>> -> memref<163840x256xf32, #tpu.memory_space<hbm>>
        tpu.enqueue_indirect_dma source(%dma_start3A_419 : memref<163840x256xf32, #tpu.memory_space<hbm>>) target(%dma_start3A_415 : memref<64x256xf32, #tpu.memory_space<vmem>>) offsets(%dma_start3A_416 : memref<64xi32, #tpu.memory_space<vmem>>) semaphore(%arg10 : memref<!tpu.dma_semaphore, #tpu.memory_space<semaphore_mem>>)
      } else {
      }
      %mul3A_374 = arith.constant 64 : i32
      %mul3A_375 = arith.muli %add3A_353, %mul3A_374 : i32
      %dma_wait3A_376 = arith.constant 4 : i32
      %dma_wait3A_377 = arith.constant 0 : i32
      %dma_wait3A_378 = arith.constant 0 : i32
      %dma_wait3A_379 = tpu.memref_slice %arg6[%dma_wait3A_376, %dma_wait3A_377, %dma_wait3A_378] : memref<5x64x256xf32, #tpu.memory_space<vmem>> -> memref<1x64x256xf32, #tpu.memory_space<vmem>>
      %dma_wait3A_380 = tpu.memref_squeeze %dma_wait3A_379 : memref<1x64x256xf32, #tpu.memory_space<vmem>> -> memref<64x256xf32, #tpu.memory_space<vmem>>
      %dma_wait3A_381 = tpu.memref_slice %arg5[%mul3A_375] : memref<6400xi32, #tpu.memory_space<vmem>> -> memref<64xi32, #tpu.memory_space<vmem>>
      %dma_wait3A_382 = arith.constant 0 : i32
      %dma_wait3A_383 = arith.constant 0 : i32
      %dma_wait3A_384 = tpu.memref_slice %arg2[%dma_wait3A_382, %dma_wait3A_383] : memref<163840x256xf32, #tpu.memory_space<hbm>> -> memref<163840x256xf32, #tpu.memory_space<hbm>>
      tpu.wait_indirect_dma semaphore(%arg11 : memref<!tpu.dma_semaphore, #tpu.memory_space<semaphore_mem>>) src(%dma_wait3A_384 : memref<163840x256xf32, #tpu.memory_space<hbm>>) dst(%dma_wait3A_380 : memref<64x256xf32, #tpu.memory_space<vmem>>)
      %scan3A_385 = arith.constant 0 : i32
      %scan3A_386 = arith.constant 0 : i32
      %scan3A_387 = arith.constant 64 : i32
      %scan3A_388 = arith.addi %scan3A_386, %scan3A_387 : i32
      %scan3A_389 = arith.constant 1 : i32
      %scan3A_390 = scf.for %scan3A_409 = %scan3A_386 to %scan3A_388 step %scan3A_389 iter_args(%scan3A_410 = %scan3A_385) -> (i32)  : i32 {
        %get3A = arith.constant 4 : i32
        %get3A_411 = arith.index_cast %get3A : i32 to index
        %get3A_412 = arith.index_cast %scan3A_409 : i32 to index
        %get3A_413 = arith.constant 0 : index
        %get3A_414 = tpu.vector_load %arg6[%get3A_411, %get3A_412, %get3A_413] {strides = array<i32>} : memref<5x64x256xf32, #tpu.memory_space<vmem>>, vector<1x1x16xf32>,
        %get3A_415 = vector.shape_cast %get3A_414 : vector<1x1x16xf32> to vector<16xf32>
        %mul3A_416 = arith.constant 1.61803401 : f32
        %mul3A_417 = vector.broadcast %mul3A_416 : f32 to vector<16xf32>
        %mul3A_418 = arith.mulf %get3A_415, %mul3A_417 : vector<16xf32>
        %swap3A = arith.constant 4 : i32
        %swap3A_419 = arith.index_cast %swap3A : i32 to index
        %swap3A_420 = arith.index_cast %scan3A_409 : i32 to index
        %swap3A_421 = arith.constant 0 : index
        %swap3A_422 = tpu.vector_load %arg6[%swap3A_419, %swap3A_420, %swap3A_421] {strides = array<i32>} : memref<5x64x256xf32, #tpu.memory_space<vmem>>, vector<1x1x16xf32>,
        %swap3A_423 = vector.shape_cast %swap3A_422 : vector<1x1x16xf32> to vector<16xf32>
        %swap3A_424 = vector.shape_cast %mul3A_418 : vector<16xf32> to vector<1x1x16xf32>
        tpu.vector_store %arg6[%swap3A_419, %swap3A_420, %swap3A_421], %swap3A_424 {strides = array<i32>} : memref<5x64x256xf32, #tpu.memory_space<vmem>>, vector<1x1x16xf32>,
        %get3A_425 = arith.constant 4 : i32
        %get3A_426 = arith.index_cast %get3A_425 : i32 to index
        %get3A_427 = arith.index_cast %scan3A_409 : i32 to index
        %get3A_428 = arith.constant 16 : index
        %get3A_429 = tpu.vector_load %arg6[%get3A_426, %get3A_427, %get3A_428] {strides = array<i32>} : memref<5x64x256xf32, #tpu.memory_space<vmem>>, vector<1x1x16xf32>,
        %get3A_430 = vector.shape_cast %get3A_429 : vector<1x1x16xf32> to vector<16xf32>
        %mul3A_431 = arith.constant 1.61803401 : f32
        %mul3A_432 = vector.broadcast %mul3A_431 : f32 to vector<16xf32>
        %mul3A_433 = arith.mulf %get3A_430, %mul3A_432 : vector<16xf32>
        %swap3A_434 = arith.constant 4 : i32
        %swap3A_435 = arith.index_cast %swap3A_434 : i32 to index
        %swap3A_436 = arith.index_cast %scan3A_409 : i32 to index
        %swap3A_437 = arith.constant 16 : index
        %swap3A_438 = tpu.vector_load %arg6[%swap3A_435, %swap3A_436, %swap3A_437] {strides = array<i32>} : memref<5x64x256xf32, #tpu.memory_space<vmem>>, vector<1x1x16xf32>,
        %swap3A_439 = vector.shape_cast %swap3A_438 : vector<1x1x16xf32> to vector<16xf32>
        %swap3A_440 = vector.shape_cast %mul3A_433 : vector<16xf32> to vector<1x1x16xf32>
        tpu.vector_store %arg6[%swap3A_435, %swap3A_436, %swap3A_437], %swap3A_440 {strides = array<i32>} : memref<5x64x256xf32, #tpu.memory_space<vmem>>, vector<1x1x16xf32>,
        %get3A_441 = arith.constant 4 : i32
        %get3A_442 = arith.index_cast %get3A_441 : i32 to index
        %get3A_443 = arith.index_cast %scan3A_409 : i32 to index
        %get3A_444 = arith.constant 32 : index
        %get3A_445 = tpu.vector_load %arg6[%get3A_442, %get3A_443, %get3A_444] {strides = array<i32>} : memref<5x64x256xf32, #tpu.memory_space<vmem>>, vector<1x1x16xf32>,
        %get3A_446 = vector.shape_cast %get3A_445 : vector<1x1x16xf32> to vector<16xf32>
        %mul3A_447 = arith.constant 1.61803401 : f32
        %mul3A_448 = vector.broadcast %mul3A_447 : f32 to vector<16xf32>
        %mul3A_449 = arith.mulf %get3A_446, %mul3A_448 : vector<16xf32>
        %swap3A_450 = arith.constant 4 : i32
        %swap3A_451 = arith.index_cast %swap3A_450 : i32 to index
        %swap3A_452 = arith.index_cast %scan3A_409 : i32 to index
        %swap3A_453 = arith.constant 32 : index
        %swap3A_454 = tpu.vector_load %arg6[%swap3A_451, %swap3A_452, %swap3A_453] {strides = array<i32>} : memref<5x64x256xf32, #tpu.memory_space<vmem>>, vector<1x1x16xf32>,
        %swap3A_455 = vector.shape_cast %swap3A_454 : vector<1x1x16xf32> to vector<16xf32>
        %swap3A_456 = vector.shape_cast %mul3A_449 : vector<16xf32> to vector<1x1x16xf32>
        tpu.vector_store %arg6[%swap3A_451, %swap3A_452, %swap3A_453], %swap3A_456 {strides = array<i32>} : memref<5x64x256xf32, #tpu.memory_space<vmem>>, vector<1x1x16xf32>,
        %get3A_457 = arith.constant 4 : i32
        %get3A_458 = arith.index_cast %get3A_457 : i32 to index
        %get3A_459 = arith.index_cast %scan3A_409 : i32 to index
        %get3A_460 = arith.constant 48 : index
        %get3A_461 = tpu.vector_load %arg6[%get3A_458, %get3A_459, %get3A_460] {strides = array<i32>} : memref<5x64x256xf32, #tpu.memory_space<vmem>>, vector<1x1x16xf32>,
        %get3A_462 = vector.shape_cast %get3A_461 : vector<1x1x16xf32> to vector<16xf32>
        %mul3A_463 = arith.constant 1.61803401 : f32
        %mul3A_464 = vector.broadcast %mul3A_463 : f32 to vector<16xf32>
        %mul3A_465 = arith.mulf %get3A_462, %mul3A_464 : vector<16xf32>
        %swap3A_466 = arith.constant 4 : i32
        %swap3A_467 = arith.index_cast %swap3A_466 : i32 to index
        %swap3A_468 = arith.index_cast %scan3A_409 : i32 to index
        %swap3A_469 = arith.constant 48 : index
        %swap3A_470 = tpu.vector_load %arg6[%swap3A_467, %swap3A_468, %swap3A_469] {strides = array<i32>} : memref<5x64x256xf32, #tpu.memory_space<vmem>>, vector<1x1x16xf32>,
        %swap3A_471 = vector.shape_cast %swap3A_470 : vector<1x1x16xf32> to vector<16xf32>
        %swap3A_472 = vector.shape_cast %mul3A_465 : vector<16xf32> to vector<1x1x16xf32>
        tpu.vector_store %arg6[%swap3A_467, %swap3A_468, %swap3A_469], %swap3A_472 {strides = array<i32>} : memref<5x64x256xf32, #tpu.memory_space<vmem>>, vector<1x1x16xf32>,
        %get3A_473 = arith.constant 4 : i32
        %get3A_474 = arith.index_cast %get3A_473 : i32 to index
        %get3A_475 = arith.index_cast %scan3A_409 : i32 to index
        %get3A_476 = arith.constant 64 : index
        %get3A_477 = tpu.vector_load %arg6[%get3A_474, %get3A_475, %get3A_476] {strides = array<i32>} : memref<5x64x256xf32, #tpu.memory_space<vmem>>, vector<1x1x16xf32>,
        %get3A_478 = vector.shape_cast %get3A_477 : vector<1x1x16xf32> to vector<16xf32>
        %mul3A_479 = arith.constant 1.61803401 : f32
        %mul3A_480 = vector.broadcast %mul3A_479 : f32 to vector<16xf32>
        %mul3A_481 = arith.mulf %get3A_478, %mul3A_480 : vector<16xf32>
        %swap3A_482 = arith.constant 4 : i32
        %swap3A_483 = arith.index_cast %swap3A_482 : i32 to index
        %swap3A_484 = arith.index_cast %scan3A_409 : i32 to index
        %swap3A_485 = arith.constant 64 : index
        %swap3A_486 = tpu.vector_load %arg6[%swap3A_483, %swap3A_484, %swap3A_485] {strides = array<i32>} : memref<5x64x256xf32, #tpu.memory_space<vmem>>, vector<1x1x16xf32>,
        %swap3A_487 = vector.shape_cast %swap3A_486 : vector<1x1x16xf32> to vector<16xf32>
        %swap3A_488 = vector.shape_cast %mul3A_481 : vector<16xf32> to vector<1x1x16xf32>
        tpu.vector_store %arg6[%swap3A_483, %swap3A_484, %swap3A_485], %swap3A_488 {strides = array<i32>} : memref<5x64x256xf32, #tpu.memory_space<vmem>>, vector<1x1x16xf32>,
        %get3A_489 = arith.constant 4 : i32
        %get3A_490 = arith.index_cast %get3A_489 : i32 to index
        %get3A_491 = arith.index_cast %scan3A_409 : i32 to index
        %get3A_492 = arith.constant 80 : index
        %get3A_493 = tpu.vector_load %arg6[%get3A_490, %get3A_491, %get3A_492] {strides = array<i32>} : memref<5x64x256xf32, #tpu.memory_space<vmem>>, vector<1x1x16xf32>,
        %get3A_494 = vector.shape_cast %get3A_493 : vector<1x1x16xf32> to vector<16xf32>
        %mul3A_495 = arith.constant 1.61803401 : f32
        %mul3A_496 = vector.broadcast %mul3A_495 : f32 to vector<16xf32>
        %mul3A_497 = arith.mulf %get3A_494, %mul3A_496 : vector<16xf32>
        %swap3A_498 = arith.constant 4 : i32
        %swap3A_499 = arith.index_cast %swap3A_498 : i32 to index
        %swap3A_500 = arith.index_cast %scan3A_409 : i32 to index
        %swap3A_501 = arith.constant 80 : index
        %swap3A_502 = tpu.vector_load %arg6[%swap3A_499, %swap3A_500, %swap3A_501] {strides = array<i32>} : memref<5x64x256xf32, #tpu.memory_space<vmem>>, vector<1x1x16xf32>,
        %swap3A_503 = vector.shape_cast %swap3A_502 : vector<1x1x16xf32> to vector<16xf32>
        %swap3A_504 = vector.shape_cast %mul3A_497 : vector<16xf32> to vector<1x1x16xf32>
        tpu.vector_store %arg6[%swap3A_499, %swap3A_500, %swap3A_501], %swap3A_504 {strides = array<i32>} : memref<5x64x256xf32, #tpu.memory_space<vmem>>, vector<1x1x16xf32>,
        %get3A_505 = arith.constant 4 : i32
        %get3A_506 = arith.index_cast %get3A_505 : i32 to index
        %get3A_507 = arith.index_cast %scan3A_409 : i32 to index
        %get3A_508 = arith.constant 96 : index
        %get3A_509 = tpu.vector_load %arg6[%get3A_506, %get3A_507, %get3A_508] {strides = array<i32>} : memref<5x64x256xf32, #tpu.memory_space<vmem>>, vector<1x1x16xf32>,
        %get3A_510 = vector.shape_cast %get3A_509 : vector<1x1x16xf32> to vector<16xf32>
        %mul3A_511 = arith.constant 1.61803401 : f32
        %mul3A_512 = vector.broadcast %mul3A_511 : f32 to vector<16xf32>
        %mul3A_513 = arith.mulf %get3A_510, %mul3A_512 : vector<16xf32>
        %swap3A_514 = arith.constant 4 : i32
        %swap3A_515 = arith.index_cast %swap3A_514 : i32 to index
        %swap3A_516 = arith.index_cast %scan3A_409 : i32 to index
        %swap3A_517 = arith.constant 96 : index
        %swap3A_518 = tpu.vector_load %arg6[%swap3A_515, %swap3A_516, %swap3A_517] {strides = array<i32>} : memref<5x64x256xf32, #tpu.memory_space<vmem>>, vector<1x1x16xf32>,
        %swap3A_519 = vector.shape_cast %swap3A_518 : vector<1x1x16xf32> to vector<16xf32>
        %swap3A_520 = vector.shape_cast %mul3A_513 : vector<16xf32> to vector<1x1x16xf32>
        tpu.vector_store %arg6[%swap3A_515, %swap3A_516, %swap3A_517], %swap3A_520 {strides = array<i32>} : memref<5x64x256xf32, #tpu.memory_space<vmem>>, vector<1x1x16xf32>,
        %get3A_521 = arith.constant 4 : i32
        %get3A_522 = arith.index_cast %get3A_521 : i32 to index
        %get3A_523 = arith.index_cast %scan3A_409 : i32 to index
        %get3A_524 = arith.constant 112 : index
        %get3A_525 = tpu.vector_load %arg6[%get3A_522, %get3A_523, %get3A_524] {strides = array<i32>} : memref<5x64x256xf32, #tpu.memory_space<vmem>>, vector<1x1x16xf32>,
        %get3A_526 = vector.shape_cast %get3A_525 : vector<1x1x16xf32> to vector<16xf32>
        %mul3A_527 = arith.constant 1.61803401 : f32
        %mul3A_528 = vector.broadcast %mul3A_527 : f32 to vector<16xf32>
        %mul3A_529 = arith.mulf %get3A_526, %mul3A_528 : vector<16xf32>
        %swap3A_530 = arith.constant 4 : i32
        %swap3A_531 = arith.index_cast %swap3A_530 : i32 to index
        %swap3A_532 = arith.index_cast %scan3A_409 : i32 to index
        %swap3A_533 = arith.constant 112 : index
        %swap3A_534 = tpu.vector_load %arg6[%swap3A_531, %swap3A_532, %swap3A_533] {strides = array<i32>} : memref<5x64x256xf32, #tpu.memory_space<vmem>>, vector<1x1x16xf32>,
        %swap3A_535 = vector.shape_cast %swap3A_534 : vector<1x1x16xf32> to vector<16xf32>
        %swap3A_536 = vector.shape_cast %mul3A_529 : vector<16xf32> to vector<1x1x16xf32>
        tpu.vector_store %arg6[%swap3A_531, %swap3A_532, %swap3A_533], %swap3A_536 {strides = array<i32>} : memref<5x64x256xf32, #tpu.memory_space<vmem>>, vector<1x1x16xf32>,
        %get3A_537 = arith.constant 4 : i32
        %get3A_538 = arith.index_cast %get3A_537 : i32 to index
        %get3A_539 = arith.index_cast %scan3A_409 : i32 to index
        %get3A_540 = arith.constant 128 : index
        %get3A_541 = tpu.vector_load %arg6[%get3A_538, %get3A_539, %get3A_540] {strides = array<i32>} : memref<5x64x256xf32, #tpu.memory_space<vmem>>, vector<1x1x16xf32>,
        %get3A_542 = vector.shape_cast %get3A_541 : vector<1x1x16xf32> to vector<16xf32>
        %mul3A_543 = arith.constant 1.61803401 : f32
        %mul3A_544 = vector.broadcast %mul3A_543 : f32 to vector<16xf32>
        %mul3A_545 = arith.mulf %get3A_542, %mul3A_544 : vector<16xf32>
        %swap3A_546 = arith.constant 4 : i32
        %swap3A_547 = arith.index_cast %swap3A_546 : i32 to index
        %swap3A_548 = arith.index_cast %scan3A_409 : i32 to index
        %swap3A_549 = arith.constant 128 : index
        %swap3A_550 = tpu.vector_load %arg6[%swap3A_547, %swap3A_548, %swap3A_549] {strides = array<i32>} : memref<5x64x256xf32, #tpu.memory_space<vmem>>, vector<1x1x16xf32>,
        %swap3A_551 = vector.shape_cast %swap3A_550 : vector<1x1x16xf32> to vector<16xf32>
        %swap3A_552 = vector.shape_cast %mul3A_545 : vector<16xf32> to vector<1x1x16xf32>
        tpu.vector_store %arg6[%swap3A_547, %swap3A_548, %swap3A_549], %swap3A_552 {strides = array<i32>} : memref<5x64x256xf32, #tpu.memory_space<vmem>>, vector<1x1x16xf32>,
        %get3A_553 = arith.constant 4 : i32
        %get3A_554 = arith.index_cast %get3A_553 : i32 to index
        %get3A_555 = arith.index_cast %scan3A_409 : i32 to index
        %get3A_556 = arith.constant 144 : index
        %get3A_557 = tpu.vector_load %arg6[%get3A_554, %get3A_555, %get3A_556] {strides = array<i32>} : memref<5x64x256xf32, #tpu.memory_space<vmem>>, vector<1x1x16xf32>,
        %get3A_558 = vector.shape_cast %get3A_557 : vector<1x1x16xf32> to vector<16xf32>
        %mul3A_559 = arith.constant 1.61803401 : f32
        %mul3A_560 = vector.broadcast %mul3A_559 : f32 to vector<16xf32>
        %mul3A_561 = arith.mulf %get3A_558, %mul3A_560 : vector<16xf32>
        %swap3A_562 = arith.constant 4 : i32
        %swap3A_563 = arith.index_cast %swap3A_562 : i32 to index
        %swap3A_564 = arith.index_cast %scan3A_409 : i32 to index
        %swap3A_565 = arith.constant 144 : index
        %swap3A_566 = tpu.vector_load %arg6[%swap3A_563, %swap3A_564, %swap3A_565] {strides = array<i32>} : memref<5x64x256xf32, #tpu.memory_space<vmem>>, vector<1x1x16xf32>,
        %swap3A_567 = vector.shape_cast %swap3A_566 : vector<1x1x16xf32> to vector<16xf32>
        %swap3A_568 = vector.shape_cast %mul3A_561 : vector<16xf32> to vector<1x1x16xf32>
        tpu.vector_store %arg6[%swap3A_563, %swap3A_564, %swap3A_565], %swap3A_568 {strides = array<i32>} : memref<5x64x256xf32, #tpu.memory_space<vmem>>, vector<1x1x16xf32>,
        %get3A_569 = arith.constant 4 : i32
        %get3A_570 = arith.index_cast %get3A_569 : i32 to index
        %get3A_571 = arith.index_cast %scan3A_409 : i32 to index
        %get3A_572 = arith.constant 160 : index
        %get3A_573 = tpu.vector_load %arg6[%get3A_570, %get3A_571, %get3A_572] {strides = array<i32>} : memref<5x64x256xf32, #tpu.memory_space<vmem>>, vector<1x1x16xf32>,
        %get3A_574 = vector.shape_cast %get3A_573 : vector<1x1x16xf32> to vector<16xf32>
        %mul3A_575 = arith.constant 1.61803401 : f32
        %mul3A_576 = vector.broadcast %mul3A_575 : f32 to vector<16xf32>
        %mul3A_577 = arith.mulf %get3A_574, %mul3A_576 : vector<16xf32>
        %swap3A_578 = arith.constant 4 : i32
        %swap3A_579 = arith.index_cast %swap3A_578 : i32 to index
        %swap3A_580 = arith.index_cast %scan3A_409 : i32 to index
        %swap3A_581 = arith.constant 160 : index
        %swap3A_582 = tpu.vector_load %arg6[%swap3A_579, %swap3A_580, %swap3A_581] {strides = array<i32>} : memref<5x64x256xf32, #tpu.memory_space<vmem>>, vector<1x1x16xf32>,
        %swap3A_583 = vector.shape_cast %swap3A_582 : vector<1x1x16xf32> to vector<16xf32>
        %swap3A_584 = vector.shape_cast %mul3A_577 : vector<16xf32> to vector<1x1x16xf32>
        tpu.vector_store %arg6[%swap3A_579, %swap3A_580, %swap3A_581], %swap3A_584 {strides = array<i32>} : memref<5x64x256xf32, #tpu.memory_space<vmem>>, vector<1x1x16xf32>,
        %get3A_585 = arith.constant 4 : i32
        %get3A_586 = arith.index_cast %get3A_585 : i32 to index
        %get3A_587 = arith.index_cast %scan3A_409 : i32 to index
        %get3A_588 = arith.constant 176 : index
        %get3A_589 = tpu.vector_load %arg6[%get3A_586, %get3A_587, %get3A_588] {strides = array<i32>} : memref<5x64x256xf32, #tpu.memory_space<vmem>>, vector<1x1x16xf32>,
        %get3A_590 = vector.shape_cast %get3A_589 : vector<1x1x16xf32> to vector<16xf32>
        %mul3A_591 = arith.constant 1.61803401 : f32
        %mul3A_592 = vector.broadcast %mul3A_591 : f32 to vector<16xf32>
        %mul3A_593 = arith.mulf %get3A_590, %mul3A_592 : vector<16xf32>
        %swap3A_594 = arith.constant 4 : i32
        %swap3A_595 = arith.index_cast %swap3A_594 : i32 to index
        %swap3A_596 = arith.index_cast %scan3A_409 : i32 to index
        %swap3A_597 = arith.constant 176 : index
        %swap3A_598 = tpu.vector_load %arg6[%swap3A_595, %swap3A_596, %swap3A_597] {strides = array<i32>} : memref<5x64x256xf32, #tpu.memory_space<vmem>>, vector<1x1x16xf32>,
        %swap3A_599 = vector.shape_cast %swap3A_598 : vector<1x1x16xf32> to vector<16xf32>
        %swap3A_600 = vector.shape_cast %mul3A_593 : vector<16xf32> to vector<1x1x16xf32>
        tpu.vector_store %arg6[%swap3A_595, %swap3A_596, %swap3A_597], %swap3A_600 {strides = array<i32>} : memref<5x64x256xf32, #tpu.memory_space<vmem>>, vector<1x1x16xf32>,
        %get3A_601 = arith.constant 4 : i32
        %get3A_602 = arith.index_cast %get3A_601 : i32 to index
        %get3A_603 = arith.index_cast %scan3A_409 : i32 to index
        %get3A_604 = arith.constant 192 : index
        %get3A_605 = tpu.vector_load %arg6[%get3A_602, %get3A_603, %get3A_604] {strides = array<i32>} : memref<5x64x256xf32, #tpu.memory_space<vmem>>, vector<1x1x16xf32>,
        %get3A_606 = vector.shape_cast %get3A_605 : vector<1x1x16xf32> to vector<16xf32>
        %mul3A_607 = arith.constant 1.61803401 : f32
        %mul3A_608 = vector.broadcast %mul3A_607 : f32 to vector<16xf32>
        %mul3A_609 = arith.mulf %get3A_606, %mul3A_608 : vector<16xf32>
        %swap3A_610 = arith.constant 4 : i32
        %swap3A_611 = arith.index_cast %swap3A_610 : i32 to index
        %swap3A_612 = arith.index_cast %scan3A_409 : i32 to index
        %swap3A_613 = arith.constant 192 : index
        %swap3A_614 = tpu.vector_load %arg6[%swap3A_611, %swap3A_612, %swap3A_613] {strides = array<i32>} : memref<5x64x256xf32, #tpu.memory_space<vmem>>, vector<1x1x16xf32>,
        %swap3A_615 = vector.shape_cast %swap3A_614 : vector<1x1x16xf32> to vector<16xf32>
        %swap3A_616 = vector.shape_cast %mul3A_609 : vector<16xf32> to vector<1x1x16xf32>
        tpu.vector_store %arg6[%swap3A_611, %swap3A_612, %swap3A_613], %swap3A_616 {strides = array<i32>} : memref<5x64x256xf32, #tpu.memory_space<vmem>>, vector<1x1x16xf32>,
        %get3A_617 = arith.constant 4 : i32
        %get3A_618 = arith.index_cast %get3A_617 : i32 to index
        %get3A_619 = arith.index_cast %scan3A_409 : i32 to index
        %get3A_620 = arith.constant 208 : index
        %get3A_621 = tpu.vector_load %arg6[%get3A_618, %get3A_619, %get3A_620] {strides = array<i32>} : memref<5x64x256xf32, #tpu.memory_space<vmem>>, vector<1x1x16xf32>,
        %get3A_622 = vector.shape_cast %get3A_621 : vector<1x1x16xf32> to vector<16xf32>
        %mul3A_623 = arith.constant 1.61803401 : f32
        %mul3A_624 = vector.broadcast %mul3A_623 : f32 to vector<16xf32>
        %mul3A_625 = arith.mulf %get3A_622, %mul3A_624 : vector<16xf32>
        %swap3A_626 = arith.constant 4 : i32
        %swap3A_627 = arith.index_cast %swap3A_626 : i32 to index
        %swap3A_628 = arith.index_cast %scan3A_409 : i32 to index
        %swap3A_629 = arith.constant 208 : index
        %swap3A_630 = tpu.vector_load %arg6[%swap3A_627, %swap3A_628, %swap3A_629] {strides = array<i32>} : memref<5x64x256xf32, #tpu.memory_space<vmem>>, vector<1x1x16xf32>,
        %swap3A_631 = vector.shape_cast %swap3A_630 : vector<1x1x16xf32> to vector<16xf32>
        %swap3A_632 = vector.shape_cast %mul3A_625 : vector<16xf32> to vector<1x1x16xf32>
        tpu.vector_store %arg6[%swap3A_627, %swap3A_628, %swap3A_629], %swap3A_632 {strides = array<i32>} : memref<5x64x256xf32, #tpu.memory_space<vmem>>, vector<1x1x16xf32>,
        %get3A_633 = arith.constant 4 : i32
        %get3A_634 = arith.index_cast %get3A_633 : i32 to index
        %get3A_635 = arith.index_cast %scan3A_409 : i32 to index
        %get3A_636 = arith.constant 224 : index
        %get3A_637 = tpu.vector_load %arg6[%get3A_634, %get3A_635, %get3A_636] {strides = array<i32>} : memref<5x64x256xf32, #tpu.memory_space<vmem>>, vector<1x1x16xf32>,
        %get3A_638 = vector.shape_cast %get3A_637 : vector<1x1x16xf32> to vector<16xf32>
        %mul3A_639 = arith.constant 1.61803401 : f32
        %mul3A_640 = vector.broadcast %mul3A_639 : f32 to vector<16xf32>
        %mul3A_641 = arith.mulf %get3A_638, %mul3A_640 : vector<16xf32>
        %swap3A_642 = arith.constant 4 : i32
        %swap3A_643 = arith.index_cast %swap3A_642 : i32 to index
        %swap3A_644 = arith.index_cast %scan3A_409 : i32 to index
        %swap3A_645 = arith.constant 224 : index
        %swap3A_646 = tpu.vector_load %arg6[%swap3A_643, %swap3A_644, %swap3A_645] {strides = array<i32>} : memref<5x64x256xf32, #tpu.memory_space<vmem>>, vector<1x1x16xf32>,
        %swap3A_647 = vector.shape_cast %swap3A_646 : vector<1x1x16xf32> to vector<16xf32>
        %swap3A_648 = vector.shape_cast %mul3A_641 : vector<16xf32> to vector<1x1x16xf32>
        tpu.vector_store %arg6[%swap3A_643, %swap3A_644, %swap3A_645], %swap3A_648 {strides = array<i32>} : memref<5x64x256xf32, #tpu.memory_space<vmem>>, vector<1x1x16xf32>,
        %get3A_649 = arith.constant 4 : i32
        %get3A_650 = arith.index_cast %get3A_649 : i32 to index
        %get3A_651 = arith.index_cast %scan3A_409 : i32 to index
        %get3A_652 = arith.constant 240 : index
        %get3A_653 = tpu.vector_load %arg6[%get3A_650, %get3A_651, %get3A_652] {strides = array<i32>} : memref<5x64x256xf32, #tpu.memory_space<vmem>>, vector<1x1x16xf32>,
        %get3A_654 = vector.shape_cast %get3A_653 : vector<1x1x16xf32> to vector<16xf32>
        %mul3A_655 = arith.constant 1.61803401 : f32
        %mul3A_656 = vector.broadcast %mul3A_655 : f32 to vector<16xf32>
        %mul3A_657 = arith.mulf %get3A_654, %mul3A_656 : vector<16xf32>
        %swap3A_658 = arith.constant 4 : i32
        %swap3A_659 = arith.index_cast %swap3A_658 : i32 to index
        %swap3A_660 = arith.index_cast %scan3A_409 : i32 to index
        %swap3A_661 = arith.constant 240 : index
        %swap3A_662 = tpu.vector_load %arg6[%swap3A_659, %swap3A_660, %swap3A_661] {strides = array<i32>} : memref<5x64x256xf32, #tpu.memory_space<vmem>>, vector<1x1x16xf32>,
        %swap3A_663 = vector.shape_cast %swap3A_662 : vector<1x1x16xf32> to vector<16xf32>
        %swap3A_664 = vector.shape_cast %mul3A_657 : vector<16xf32> to vector<1x1x16xf32>
        tpu.vector_store %arg6[%swap3A_659, %swap3A_660, %swap3A_661], %swap3A_664 {strides = array<i32>} : memref<5x64x256xf32, #tpu.memory_space<vmem>>, vector<1x1x16xf32>,
        %scan3A_665 = arith.constant 0 : i32
        scf.yield %scan3A_665 : i32
      }
      %scan3A_391 = arith.constant 64 : i32
      %mul3A_392 = arith.constant 64 : i32
      %mul3A_393 = arith.muli %add3A_353, %mul3A_392 : i32
      %add3A_394 = arith.addi %mul3A_2, %mul3A_393 : i32
      %dma_start3A_395 = arith.constant 4 : i32
      %dma_start3A_396 = arith.constant 0 : i32
      %dma_start3A_397 = arith.constant 0 : i32
      %dma_start3A_398 = tpu.memref_slice %arg6[%dma_start3A_395, %dma_start3A_396, %dma_start3A_397] : memref<5x64x256xf32, #tpu.memory_space<vmem>> -> memref<1x64x256xf32, #tpu.memory_space<vmem>>
      %dma_start3A_399 = tpu.memref_squeeze %dma_start3A_398 : memref<1x64x256xf32, #tpu.memory_space<vmem>> -> memref<64x256xf32, #tpu.memory_space<vmem>>
      %dma_start3A_400 = arith.constant 0 : i32
      %dma_start3A_401 = tpu.memref_slice %arg4[%add3A_394, %dma_start3A_400] : memref<204800x256xf32, #tpu.memory_space<hbm>> -> memref<64x256xf32, #tpu.memory_space<hbm>>
      %dma_start3A_402 = arith.constant 0 : i32
      %dma_start3A_403 = tpu.memref_slice %arg4[%add3A_394, %dma_start3A_402] : memref<204800x256xf32, #tpu.memory_space<hbm>> -> memref<64x256xf32, #tpu.memory_space<hbm>>
      %dma_start3A_404 = arith.constant 0 : i32
      %dma_start3A_405 = arith.constant 0 : i32
      %dma_start3A_406 = tpu.memref_slice %arg6[%dma_start3A_395, %dma_start3A_404, %dma_start3A_405] : memref<5x64x256xf32, #tpu.memory_space<vmem>> -> memref<1x64x256xf32, #tpu.memory_space<vmem>>
      %dma_start3A_407 = tpu.memref_squeeze %dma_start3A_406 : memref<1x64x256xf32, #tpu.memory_space<vmem>> -> memref<64x256xf32, #tpu.memory_space<vmem>>
      tpu.enqueue_dma source(%dma_start3A_407 : memref<64x256xf32, #tpu.memory_space<vmem>>) target(%dma_start3A_403 : memref<64x256xf32, #tpu.memory_space<hbm>>) target_semaphore(%arg16 : memref<!tpu.dma_semaphore, #tpu.memory_space<semaphore_mem>>)
      %scan3A_408 = arith.constant 0 : i32
      scf.yield %scan3A_408 : i32
    }
    %scan3A_47 = arith.constant 20 : i32
    %add3A_48 = arith.constant 6080 : i32
    %add3A_49 = arith.addi %mul3A_2, %add3A_48 : i32
    %dma_wait3A = arith.constant 0 : i32
    %dma_wait3A_50 = arith.constant 0 : i32
    %dma_wait3A_51 = arith.constant 0 : i32
    %dma_wait3A_52 = tpu.memref_slice %arg6[%dma_wait3A, %dma_wait3A_50, %dma_wait3A_51] : memref<5x64x256xf32, #tpu.memory_space<vmem>> -> memref<1x64x256xf32, #tpu.memory_space<vmem>>
    %dma_wait3A_53 = tpu.memref_squeeze %dma_wait3A_52 : memref<1x64x256xf32, #tpu.memory_space<vmem>> -> memref<64x256xf32, #tpu.memory_space<vmem>>
    %dma_wait3A_54 = arith.constant 0 : i32
    %dma_wait3A_55 = tpu.memref_slice %arg4[%add3A_49, %dma_wait3A_54] : memref<204800x256xf32, #tpu.memory_space<hbm>> -> memref<64x256xf32, #tpu.memory_space<hbm>>
    %dma_wait3A_56 = arith.constant 0 : i32
    %dma_wait3A_57 = tpu.memref_slice %arg4[%add3A_49, %dma_wait3A_56] : memref<204800x256xf32, #tpu.memory_space<hbm>> -> memref<64x256xf32, #tpu.memory_space<hbm>>
    %dma_wait3A_58 = arith.constant 0 : i32
    %dma_wait3A_59 = arith.constant 0 : i32
    %dma_wait3A_60 = tpu.memref_slice %arg6[%dma_wait3A, %dma_wait3A_58, %dma_wait3A_59] : memref<5x64x256xf32, #tpu.memory_space<vmem>> -> memref<1x64x256xf32, #tpu.memory_space<vmem>>
    %dma_wait3A_61 = tpu.memref_squeeze %dma_wait3A_60 : memref<1x64x256xf32, #tpu.memory_space<vmem>> -> memref<64x256xf32, #tpu.memory_space<vmem>>
    tpu.wait_dma2 semaphore(%arg12 : memref<!tpu.dma_semaphore, #tpu.memory_space<semaphore_mem>>) src(%dma_wait3A_61 : memref<64x256xf32, #tpu.memory_space<vmem>>) dst(%dma_wait3A_57 : memref<64x256xf32, #tpu.memory_space<hbm>>)
    %add3A_62 = arith.constant 6144 : i32
    %add3A_63 = arith.addi %mul3A_2, %add3A_62 : i32
    %dma_wait3A_64 = arith.constant 1 : i32
    %dma_wait3A_65 = arith.constant 0 : i32
    %dma_wait3A_66 = arith.constant 0 : i32
    %dma_wait3A_67 = tpu.memref_slice %arg6[%dma_wait3A_64, %dma_wait3A_65, %dma_wait3A_66] : memref<5x64x256xf32, #tpu.memory_space<vmem>> -> memref<1x64x256xf32, #tpu.memory_space<vmem>>
    %dma_wait3A_68 = tpu.memref_squeeze %dma_wait3A_67 : memref<1x64x256xf32, #tpu.memory_space<vmem>> -> memref<64x256xf32, #tpu.memory_space<vmem>>
    %dma_wait3A_69 = arith.constant 0 : i32
    %dma_wait3A_70 = tpu.memref_slice %arg4[%add3A_63, %dma_wait3A_69] : memref<204800x256xf32, #tpu.memory_space<hbm>> -> memref<64x256xf32, #tpu.memory_space<hbm>>
    %dma_wait3A_71 = arith.constant 0 : i32
    %dma_wait3A_72 = tpu.memref_slice %arg4[%add3A_63, %dma_wait3A_71] : memref<204800x256xf32, #tpu.memory_space<hbm>> -> memref<64x256xf32, #tpu.memory_space<hbm>>
    %dma_wait3A_73 = arith.constant 0 : i32
    %dma_wait3A_74 = arith.constant 0 : i32
    %dma_wait3A_75 = tpu.memref_slice %arg6[%dma_wait3A_64, %dma_wait3A_73, %dma_wait3A_74] : memref<5x64x256xf32, #tpu.memory_space<vmem>> -> memref<1x64x256xf32, #tpu.memory_space<vmem>>
    %dma_wait3A_76 = tpu.memref_squeeze %dma_wait3A_75 : memref<1x64x256xf32, #tpu.memory_space<vmem>> -> memref<64x256xf32, #tpu.memory_space<vmem>>
    tpu.wait_dma2 semaphore(%arg13 : memref<!tpu.dma_semaphore, #tpu.memory_space<semaphore_mem>>) src(%dma_wait3A_76 : memref<64x256xf32, #tpu.memory_space<vmem>>) dst(%dma_wait3A_72 : memref<64x256xf32, #tpu.memory_space<hbm>>)
    %add3A_77 = arith.constant 6208 : i32
    %add3A_78 = arith.addi %mul3A_2, %add3A_77 : i32
    %dma_wait3A_79 = arith.constant 2 : i32
    %dma_wait3A_80 = arith.constant 0 : i32
    %dma_wait3A_81 = arith.constant 0 : i32
    %dma_wait3A_82 = tpu.memref_slice %arg6[%dma_wait3A_79, %dma_wait3A_80, %dma_wait3A_81] : memref<5x64x256xf32, #tpu.memory_space<vmem>> -> memref<1x64x256xf32, #tpu.memory_space<vmem>>
    %dma_wait3A_83 = tpu.memref_squeeze %dma_wait3A_82 : memref<1x64x256xf32, #tpu.memory_space<vmem>> -> memref<64x256xf32, #tpu.memory_space<vmem>>
    %dma_wait3A_84 = arith.constant 0 : i32
    %dma_wait3A_85 = tpu.memref_slice %arg4[%add3A_78, %dma_wait3A_84] : memref<204800x256xf32, #tpu.memory_space<hbm>> -> memref<64x256xf32, #tpu.memory_space<hbm>>
    %dma_wait3A_86 = arith.constant 0 : i32
    %dma_wait3A_87 = tpu.memref_slice %arg4[%add3A_78, %dma_wait3A_86] : memref<204800x256xf32, #tpu.memory_space<hbm>> -> memref<64x256xf32, #tpu.memory_space<hbm>>
    %dma_wait3A_88 = arith.constant 0 : i32
    %dma_wait3A_89 = arith.constant 0 : i32
    %dma_wait3A_90 = tpu.memref_slice %arg6[%dma_wait3A_79, %dma_wait3A_88, %dma_wait3A_89] : memref<5x64x256xf32, #tpu.memory_space<vmem>> -> memref<1x64x256xf32, #tpu.memory_space<vmem>>
    %dma_wait3A_91 = tpu.memref_squeeze %dma_wait3A_90 : memref<1x64x256xf32, #tpu.memory_space<vmem>> -> memref<64x256xf32, #tpu.memory_space<vmem>>
    tpu.wait_dma2 semaphore(%arg14 : memref<!tpu.dma_semaphore, #tpu.memory_space<semaphore_mem>>) src(%dma_wait3A_91 : memref<64x256xf32, #tpu.memory_space<vmem>>) dst(%dma_wait3A_87 : memref<64x256xf32, #tpu.memory_space<hbm>>)
    %add3A_92 = arith.constant 6272 : i32
    %add3A_93 = arith.addi %mul3A_2, %add3A_92 : i32
    %dma_wait3A_94 = arith.constant 3 : i32
    %dma_wait3A_95 = arith.constant 0 : i32
    %dma_wait3A_96 = arith.constant 0 : i32
    %dma_wait3A_97 = tpu.memref_slice %arg6[%dma_wait3A_94, %dma_wait3A_95, %dma_wait3A_96] : memref<5x64x256xf32, #tpu.memory_space<vmem>> -> memref<1x64x256xf32, #tpu.memory_space<vmem>>
    %dma_wait3A_98 = tpu.memref_squeeze %dma_wait3A_97 : memref<1x64x256xf32, #tpu.memory_space<vmem>> -> memref<64x256xf32, #tpu.memory_space<vmem>>
    %dma_wait3A_99 = arith.constant 0 : i32
    %dma_wait3A_100 = tpu.memref_slice %arg4[%add3A_93, %dma_wait3A_99] : memref<204800x256xf32, #tpu.memory_space<hbm>> -> memref<64x256xf32, #tpu.memory_space<hbm>>
    %dma_wait3A_101 = arith.constant 0 : i32
    %dma_wait3A_102 = tpu.memref_slice %arg4[%add3A_93, %dma_wait3A_101] : memref<204800x256xf32, #tpu.memory_space<hbm>> -> memref<64x256xf32, #tpu.memory_space<hbm>>
    %dma_wait3A_103 = arith.constant 0 : i32
    %dma_wait3A_104 = arith.constant 0 : i32
    %dma_wait3A_105 = tpu.memref_slice %arg6[%dma_wait3A_94, %dma_wait3A_103, %dma_wait3A_104] : memref<5x64x256xf32, #tpu.memory_space<vmem>> -> memref<1x64x256xf32, #tpu.memory_space<vmem>>
    %dma_wait3A_106 = tpu.memref_squeeze %dma_wait3A_105 : memref<1x64x256xf32, #tpu.memory_space<vmem>> -> memref<64x256xf32, #tpu.memory_space<vmem>>
    tpu.wait_dma2 semaphore(%arg15 : memref<!tpu.dma_semaphore, #tpu.memory_space<semaphore_mem>>) src(%dma_wait3A_106 : memref<64x256xf32, #tpu.memory_space<vmem>>) dst(%dma_wait3A_102 : memref<64x256xf32, #tpu.memory_space<hbm>>)
    %add3A_107 = arith.constant 6336 : i32
    %add3A_108 = arith.addi %mul3A_2, %add3A_107 : i32
    %dma_wait3A_109 = arith.constant 4 : i32
    %dma_wait3A_110 = arith.constant 0 : i32
    %dma_wait3A_111 = arith.constant 0 : i32
    %dma_wait3A_112 = tpu.memref_slice %arg6[%dma_wait3A_109, %dma_wait3A_110, %dma_wait3A_111] : memref<5x64x256xf32, #tpu.memory_space<vmem>> -> memref<1x64x256xf32, #tpu.memory_space<vmem>>
    %dma_wait3A_113 = tpu.memref_squeeze %dma_wait3A_112 : memref<1x64x256xf32, #tpu.memory_space<vmem>> -> memref<64x256xf32, #tpu.memory_space<vmem>>
    %dma_wait3A_114 = arith.constant 0 : i32
    %dma_wait3A_115 = tpu.memref_slice %arg4[%add3A_108, %dma_wait3A_114] : memref<204800x256xf32, #tpu.memory_space<hbm>> -> memref<64x256xf32, #tpu.memory_space<hbm>>
    %dma_wait3A_116 = arith.constant 0 : i32
    %dma_wait3A_117 = tpu.memref_slice %arg4[%add3A_108, %dma_wait3A_116] : memref<204800x256xf32, #tpu.memory_space<hbm>> -> memref<64x256xf32, #tpu.memory_space<hbm>>
    %dma_wait3A_118 = arith.constant 0 : i32
    %dma_wait3A_119 = arith.constant 0 : i32
    %dma_wait3A_120 = tpu.memref_slice %arg6[%dma_wait3A_109, %dma_wait3A_118, %dma_wait3A_119] : memref<5x64x256xf32, #tpu.memory_space<vmem>> -> memref<1x64x256xf32, #tpu.memory_space<vmem>>
    %dma_wait3A_121 = tpu.memref_squeeze %dma_wait3A_120 : memref<1x64x256xf32, #tpu.memory_space<vmem>> -> memref<64x256xf32, #tpu.memory_space<vmem>>
    tpu.wait_dma2 semaphore(%arg16 : memref<!tpu.dma_semaphore, #tpu.memory_space<semaphore_mem>>) src(%dma_wait3A_121 : memref<64x256xf32, #tpu.memory_space<vmem>>) dst(%dma_wait3A_117 : memref<64x256xf32, #tpu.memory_space<hbm>>)
    return
  }
}

</mosaic_0001>

<sc_bundles>
// kernel: kernel.3.cloned.1.call-start
scs
__scs_entry_jumppad:
0x0: {  	(pc) =	sbr.rel $0x88, $3  }
0x1: {  	(tag) =	ssettag $0x0;
	lr =	simm.s32 $0x1  }
0x2: {  	[smem:$0x3F9F] =	sst lr;
	_ =	strace $0xD0000000  }
0x3: {  	_ = 	snop  }
0x4: {  	_ = 	snop  }
0x5: {  	_ = 	snop  }
0x6: {  	_ = 	snop  }
0x7: {  	_ = 	snop  }
__scs_overlays_trampoline_lowered:
0x8: {  	[smem:$0x3FAE] =	sst s0  }
0x9: {  	[smem:$0x3FAF] =	sst s1  }
0xa: {  	[smem:$0x3FB0] =	sst s2  }
0xb: {  	[smem:$0x3FB1] =	sst s3  }
0xc: {  	[smem:$0x3FB2] =	sst s4  }
0xd: {  	[smem:$0x3FB3] =	sst s5  }
0xe: {  	[smem:$0x3FB4] =	sst s6  }
0xf: {  	[smem:$0x3FB5] =	sst s7  }
0x10: {  	[smem:$0x3FB6] =	sst s8  }
0x11: {  	[smem:$0x3FB7] =	sst s9;
	s0 =	simm.s32 @!p0 $0x0  }
0x12: {  	s1 =	sld [smem:$0x3F9D];
	s0 =	simm.s32 @p0 $0x1  }
0x13: {  	[smem:$0x3FB8] =	sst s0;
	s0 =	simm.s32 @!p1 $0x0  }
0x14: {  	s2 =	sld [smem:$0x3F9C];
	s0 =	simm.s32 @p1 $0x1  }
0x15: {  	[smem:$0x3FB9] =	sst s0;
	s0 =	simm.s32 @!p2 $0x0  }
0x16: {  	s3 =	sld [smem:$0x3FDB];
	s0 =	simm.s32 @p2 $0x1  }
0x17: {  	s4 =	simm.s32 $0x1BF5;
	[smem:$0x3FBB] =	sst s0  }
0x18: {  	s0 =	sld [smem:$0x3F9E];
	_ =	swait.ge [sflag:s4], $0x0  }
0x19: {  	s7 =	sld [smem:$0x3F9F]  }
0x1a: {  	s8 =	sadd.s32 $0xFFFFE003, lr  }
0x1b: {  	s9 =	sadd.s32 $0xFFFFFEF7, lr;
	s5 =	simm.s32 $0xFFFFFFFF;
	p2 =	slt.u32 s8, $0xFFFFF086  }
0x1c: {  	p1 =	slt.u32 s9, $0xF7A;
	s5 =	simm.s32 @!p2 $0x0  }
0x1d: {  	s5 =	simm.s32 @p1 $0x1;
	p0 =	seq.s32 s7, s2  }
0x1e: {  	s7 =	smul.u32 @!p0 $0xF7A, s2;
	p2 =	seq.s32 @!p0 s5, $0x0  }
0x1f: {  	s9 =	smul.u32 $0xF7A, s1;
	s8 =	simm.s32 @!p0 $0x1BF5;
	p2 =	por !p2, p0  }
0x20: {  	[sflag:s8] =	ssyncset.s32 @!p0 $0xFFFFF086;
	s6 =	sadd.s32 @!p0 s3, s7;
	s7 =	simm.s32 @!p0 $0x108  }
0x21: {  	s3 =	sadd.s32 s3, s9;
	s6 =	sadd.s32 @!p0 $0x88, s6;
	s7 =	simm.s32 @p2 $0x1082  }
0x22: {  	[simem:s7], [sflag:s8] =	dma.local @!p0 [hbm:s6], $0xF7A  }
0x23: {  	s9 =	sor.u32 $0xD0000000, s2;
	s6 =	simm.s32 $0x108;
	_ =	swait.ge @!p0 [sflag:s8], $0x0  }
0x24: {  	s3 =	sadd.s32 $0x88, s3;
	s6 =	simm.s32 @!p1 $0x1082;
	[sflag:s4] =	ssyncset.s32 $0xFFFFF086  }
0x25: {  	[simem:s6], [sflag:s4] =	dma.local [hbm:s3], $0xF7A  }
0x26: {  	[smem:$0x3F9F] =	sst s1;
	(tag) =	ssettag s2;
	_ =	strace s9  }
0x27: {  	s1 =	sld [smem:$0x3FAF]  }
0x28: {  	s2 =	sld [smem:$0x3FB0]  }
0x29: {  	s4 =	sld [smem:$0x3FB2]  }
0x2a: {  	p0 =	seq.s32 s5, $0x0;
	s5 =	sld [smem:$0x3FB3]  }
0x2b: {  	s6 =	sld [smem:$0x3FB4]  }
0x2c: {  	s7 =	sld [smem:$0x3FB5]  }
0x2d: {  	s3 =	simm.s32 $0x108;
	s8 =	sld [smem:$0x3FB6]  }
0x2e: {  	s3 =	simm.s32 @!p0 $0x1082;
	s9 =	sld [smem:$0x3FB7]  }
0x2f: {  	lr =	sadd.s32 s0, s3;
	s0 =	sld [smem:$0x3FAE]  }
0x30: {  	s3 =	sld [smem:$0x3FB1]  }
0x31: {  	[smem:$0x3FBA] =	sst s10  }
0x32: {  	s10 =	sld [smem:$0x3FB8];
	_ =	sdelay $0x3  }
0x33: {  	p0 =	seq.s32 s10, $0x1;
	s10 =	sld [smem:$0x3FBA];
	_ =	sdelay $0x3  }
0x34: {  	[smem:$0x3FBA] =	sst s10  }
0x35: {  	s10 =	sld [smem:$0x3FB9];
	_ =	sdelay $0x3  }
0x36: {  	p1 =	seq.s32 s10, $0x1;
	s10 =	sld [smem:$0x3FBA];
	_ =	sdelay $0x3  }
0x37: {  	[smem:$0x3FBA] =	sst s10  }
0x38: {  	s10 =	sld [smem:$0x3FBB]  }
0x39: {  	_ = 	snop;
	(pc) =	sbr.ind lr, $3  }
0x3a: {  	_ = 	snop  }
0x3b: {  	_ = 	snop  }
0x3c: {  	p2 =	seq.s32 s10, $0x1;
	s10 =	sld [smem:$0x3FBA]  }
0x3d: {  	_ =	shalt  }
0x3e: {  	_ =	shalt  }
0x3f: {  	_ =	shalt  }
0x40: {  	_ =	shalt  }
0x41: {  	_ =	shalt  }
0x42: {  	_ =	shalt  }
0x43: {  	_ =	shalt  }
0x44: {  	_ =	shalt  }
0x45: {  	_ =	shalt  }
0x46: {  	_ =	shalt  }
0x47: {  	_ =	shalt  }
0x48: {  	_ =	shalt  }
0x49: {  	_ =	shalt  }
0x4a: {  	_ =	shalt  }
0x4b: {  	_ =	shalt  }
0x4c: {  	_ =	shalt  }
0x4d: {  	_ =	shalt  }
0x4e: {  	_ =	shalt  }
0x4f: {  	_ =	shalt  }
0x50: {  	_ =	shalt  }
0x51: {  	_ =	shalt  }
0x52: {  	_ =	shalt  }
0x53: {  	_ =	shalt  }
0x54: {  	_ =	shalt  }
0x55: {  	_ =	shalt  }
0x56: {  	_ =	shalt  }
0x57: {  	_ =	shalt  }
0x58: {  	_ =	shalt  }
0x59: {  	_ =	shalt  }
0x5a: {  	_ =	shalt  }
0x5b: {  	_ =	shalt  }
0x5c: {  	_ =	shalt  }
0x5d: {  	_ =	shalt  }
0x5e: {  	_ =	shalt  }
0x5f: {  	_ =	shalt  }
0x60: {  	_ =	shalt  }
0x61: {  	_ =	shalt  }
0x62: {  	_ =	shalt  }
0x63: {  	_ =	shalt  }
0x64: {  	_ =	shalt  }
0x65: {  	_ =	shalt  }
0x66: {  	_ =	shalt  }
0x67: {  	_ =	shalt  }
0x68: {  	_ =	shalt  }
0x69: {  	_ =	shalt  }
0x6a: {  	_ =	shalt  }
0x6b: {  	_ =	shalt  }
0x6c: {  	_ =	shalt  }
0x6d: {  	_ =	shalt  }
0x6e: {  	_ =	shalt  }
0x6f: {  	_ =	shalt  }
0x70: {  	_ =	shalt  }
0x71: {  	_ =	shalt  }
0x72: {  	_ =	shalt  }
0x73: {  	_ =	shalt  }
0x74: {  	_ =	shalt  }
0x75: {  	_ =	shalt  }
0x76: {  	_ =	shalt  }
0x77: {  	_ =	shalt  }
0x78: {  	_ =	shalt  }
0x79: {  	_ =	shalt  }
0x7a: {  	_ =	shalt  }
0x7b: {  	_ =	shalt  }
0x7c: {  	_ =	shalt  }
0x7d: {  	_ =	shalt  }
0x7e: {  	_ =	shalt  }
0x7f: {  	_ =	shalt  }
0x80: {  	_ =	shalt  }
0x81: {  	_ =	shalt  }
0x82: {  	_ =	shalt  }
0x83: {  	_ =	shalt  }
0x84: {  	_ =	shalt  }
0x85: {  	_ =	shalt  }
0x86: {  	_ =	shalt  }
0x87: {  	_ =	shalt  }
.Lfunc_end0:
.L_simem_size_0:
called_computation_lowered:
.L_overlay_start_0:
0x88: {  	s2 =	sld [smem:$0x3FD9]  }
0x89: {  	s3 =	sld [smem:$0x3FFE];
	_ =	sdelay $0x1  }
0x8a: {  	s1 =	srdreg.scid  }
0x8b: {  	s0 =	sand.u32 $0x1, s1  }
0x8c: {  	s17 =	sshll.u32 s0, $0xA;
	s2 =	sadd.s32 s3, s2  }
0x8d: {  	s2 =	sadd.s32 s2, s17  }
0x8e: {  	[smem:$0x3FC6] =	sst s2  }
0x8f: {  	_ = 	snop  }
0x90: {  	s2 =	sld [smem:$0x3FC8]  }
0x91: {  	s18 =	sld [smem:$0x3FD0];
	(tm) =	ssettm $0x1  }
0x92: {  	s4 =	sld [smem:$0x3FFB];
	_ =	sdelay $0x3  }
0x93: {  	_ =	strace s4  }
0x94: {  	s4 =	sld [smem:$0x3FFC];
	_ =	sdelay $0x3  }
0x95: {  	_ =	strace s4  }
0x96: {  	s4 =	sld [smem:$0x3FFD];
	_ =	sdelay $0x3  }
0x97: {  	_ =	strace s4  }
0x98: {  	_ =	strace $0x8FFFFFFF  }
0x99: {  	s19 =	sld [smem:$0x3FDB];
	_ =	sdelay $0x1  }
0x9a: {  	s5 =	simm.s32 $_scs_section_size  }
0x9b: {  	s6 =	simm.s32 $_size__tile_overlayer_lowered;
	s7 =	simm.s32 $_tile_overlayer_lowered  }
0x9c: {  	s22 =	simm.s32 $0x1BFF;
	s21 =	sshll.u32 s7, $0x1;
	s4 =	sadd.s32 s5, s19  }
0x9d: {  	s8 =	simm.s32 $0x0;
	s20 =	sshll.u32 s6, $0x1;
	s6 =	sadd.s32 s21, s4  }
0x9e: {  	[timem:s8], [sflag:s22] =	dma.local [hbm:s6], s20  }
0x9f: {  	_ =	swait.ge [sflag:s22], s20  }
0xa0: {  	s5 =	ssub.s32 $0x0, s20;
	[sflag:s22] =	ssyncset.done $0x0  }
0xa1: {  	[sflag:s22] =	ssyncadd.s32 s5;
	_ =	sdelay $0x1  }
0xa2: {  	s23 =	simm.s32 $0x1B8B  }
0xa3: {  	_ =	swait.ge [sflag:s23], $0x1  }
0xa4: {  	[sflag:s23] =	ssyncset.done $0x0  }
0xa5: {  	s25 =	simm.s32 $0x1B8E;
	s24 =	sld [smem:$0x3FFE];
	[sflag:s23] =	ssyncadd.s32 $0xFFFFFFFF  }
0xa6: {  	s26 =	simm.s32 $execute0_lowered;
	[smem:$0x3FD2] =	sst s25  }
0xa7: {  	s6 =	sshll.u32 s26, $0x1;
	_ =	strace $0x80000046;
	[dreg:$0x1] =	wrdreg $0xFFFFFFFF  }
0xa8: {  	s28 =	simm.s32 $_size_execute0_lowered;
	s4 =	sadd.s32 s4, s6;
	[dreg:$0x0] =	wrdreg $0x0  }
0xa9: {  	s6 =	sshll.u32 s28, $0x1;
	[dreg:$0x2] =	wrdreg s4  }
0xaa: {  	[dreg:$0x3] =	wrdreg s6  }
0xab: {  	[dreg:$0x4] =	wrdreg $0xC0  }
0xac: {  	_ =	task [dreg:s8], $0x5FFFF  }
0xad: {  	[dreg:$0x1] =	wrdreg $0xFFFFFFFF  }
0xae: {  	[dreg:$0x0] =	wrdreg $0x60  }
0xaf: {  	[dreg:$0x2] =	wrdreg s2  }
0xb0: {  	[dreg:$0x3] =	wrdreg s24  }
0xb1: {  	[dreg:$0x4] =	wrdreg s18  }
0xb2: {  	[dreg:$0x5] =	wrdreg $0x9  }
0xb3: {  	_ =	task.clear_ibuf [dreg:s8], $0x6FFFF;
	_ =	strace $0x90000046  }
0xb4: {  	s29 =	simm.s32 $0x9;
	_ =	strace $0x80000048  }
0xb5: {  	_ =	swait.ge [sflag:s29], $0x1  }
0xb6: {  	[sflag:s29] =	ssyncadd.s32 $0xFFFFFFFF  }
0xb7: {  	_ =	strace $0x90000048  }
0xb8: {  	_ =	sfence  }
0xb9: {  	s30 =	sld [smem:$0x0];
	_ =	sdelay $0x2  }
0xba: {  	s31 =	sshll.u32 s1, $0xD;
	s1 =	sshrl.u32 s1, $0x2  }
0xbb: {  	s3 =	sand.u32 $0x4000, s31;
	s1 =	sadd.s32 s1, s30  }
0xbc: {  	s0 =	sor.u32 s3, s0;
	s1 =	sshll.u32 s1, $0x11  }
0xbd: {  	s0 =	sor.u32 s1, s0  }
0xbe: {  	s0 =	sadd.s32 $0x8F2B, s0  }
0xbf: {  	[sflag:s0] =	ssyncadd.remote.s32 $0x1  }
0xc0: {  	_ =	sfence.sel $0xFFFF  }
0xc1: {  	[dreg:$0x0] =	wrdreg $0xFFFFFFFF;
	(pc) =	sbr.abs _section_cstart, $3  }
0xc2: {  	[dreg:$0x1] =	wrdreg $0xFFFFFFFF  }
0xc3: {  	_ =	task.clear_ibuf [dreg:s8], $0x2FFFF;
	_ =	strace $0x9FFFFFFF  }
0xc4: {  	(tm) =	ssettm $0x7FFFFFFF  }
0xc5: {  	_ =	shalt  }
tec
execute0_lowered:
.L_overlay_start_1:
0x0: {  	(tag) =	ssettag $0x1  }
0x1: {  	s0 =	srdreg.scid;
	s1 =	rddreg [dreg:$0x0]  }
0x2: {  	s2 =	stileid.u32;
	s6 =	rddreg [dreg:$0x1]  }
0x3: {  	s3 =	rddreg [dreg:$0x2];
	s5 =	simm.s32 $0x0;
	s21 =	simm.s32 $0x5900  }
0x4: {  	s30 =	simm.s32 $0x9900;
	s15 =	simm.s32 $0xD900;
	s24 =	simm.s32 $0xA  }
0x5: {  	s25 =	simm.s32 $0x11900;
	s28 =	simm.s32 $0x2;
	s29 =	simm.s32 $0x3  }
0x6: {  	s31 =	simm.s32 $0x4;
	s11 =	simm.s32 $0x8;
	s12 =	simm.s32 $0x9  }
0x7: {  	s14 =	simm.s32 $0x0;
	s0 =	sand.u32 $0x1, s0;
	s2 =	sshll.u32 s2, $0x1  }
0x8: {  	[smem:$0x7FF] =	sst s5;
	s2 =	sor.u32 s0, s2;
	s0 =	ssub.s32 $0x2, s0  }
0x9: {  	_ =	strace $0x80000047;
	s4 =	smul.u32 $0x1900, s2;
	s26 =	sshrl.u32 s0, $0x1  }
0xa: {  	s10 =	smul.u32 $0x190000, s2;
	s2 =	simm.s32 $0x5;
	s0 =	ssub.s32 s0, s26  }
0xb: {  	s26 =	simm.s32 $0x1;
	s7 =	sshrl.u32 s4, $0x3;
	s8 =	sor.u32 $0x80, s4  }
0xc: {  	v2 =	vlaneseq.u32;
	s9 =	sor.u32 $0xC0, s4;
	s0 =	smax.u32 s0, $0x1;
	s6 =	sadd.s32 s7, s6  }
0xd: {  	vm0 =	vmmov $0xffff;
	v1 =	vshrl.u32 v2, $0x3;
	s7 =	sor.u32 $0x40, s4;
	[dreg:$0x5] =	wrdreg s0;
	s6 =	sadd.s32 $0x400, s6  }
0xe: {  	v0 =	vand.u32 $0x7, v2;
	v2 =	vor.u32 $0x8, v2;
	v1 =	vmul.u32 $0x8, v1;
	s0 =	simm.s32 $0x6;
	[dreg:$0x4] =	wrdreg s6;
	s6 =	simm.s32 $0x7  }
.LBB2_1:
0xf: {  	[dreg:$0x6] =	wrdreg s14  }
0x10: {  	s13 =	rddreg [dreg:$0x4];
	s17 =	simm.s32 $0xB  }
0x11: {  	[tilespmem:s5], [sflag:$0xB] =	stream.linear.gather [hbm4b:s13+s5], $0x1900, $0x38;
	[tilespmem:$0x15900] =	vst v63  }
0x12: {  	_ =	swait.ge [sflag:s17], $0x1900  }
0x13: {  	[sflag:s17] =	ssyncset.done $0x0  }
0x14: {  	[sflag:s17] =	ssyncadd.s32 $0xFFFFE700  }
0x15: {  	v3 =	vld [tilespmem:$0x0];
	_ =	sdelay $0x4  }
0x16: {  	v4 =	vshll.u32 v3, $0x1  }
0x17: {  	v3 =	vand.u32 $0x7, v3;
	v4 =	vand.u32 $0xFFFFFFF0, v4  }
0x18: {  	v3 =	vor.u32 v3, v4  }
0x19: {  	v4 =	vperm.xlane v3, v0;
	_ =	sdelay $0x1  }
0x1a: {  	v3 =	vperm.xlane v3, v2;
	v4 =	vadd.s32 v1, v4;
	_ =	sdelay $0x1  }
0x1b: {  	v3 =	vadd.s32 v1, v3;
	_ =	sdelay $0x1  }
0x1c: {  	s18 =	simm.s32 $0x1900  }
0x1d: {  	[tilespmem:s18], [sflag:$0x1] =	stream.indirect_vreg.gather [hbm4b:s1+s5], $0x80, v4, vm0, $0xb8;
	[tilespmem:$0x15900] =	vst v63  }
0x1e: {  	s19 =	simm.s32 $0x2100  }
0x1f: {  	[tilespmem:s19], [sflag:$0x1] =	stream.indirect_vreg.gather [hbm4b:s1+s5], $0x80, v3, vm0, $0xb8;
	[tilespmem:$0x15900] =	vst v63  }
0x20: {  	v3 =	vld [tilespmem:$0x10];
	_ =	sdelay $0x4  }
0x21: {  	v49 =	vshll.u32 v3, $0x1  }
0x22: {  	v3 =	vand.u32 $0x7, v3;
	v4 =	vand.u32 $0xFFFFFFF0, v49  }
0x23: {  	v3 =	vor.u32 v3, v4  }
0x24: {  	v4 =	vperm.xlane v3, v0;
	_ =	sdelay $0x1  }
0x25: {  	v3 =	vperm.xlane v3, v2;
	v4 =	vadd.s32 v1, v4;
	_ =	sdelay $0x1  }
0x26: {  	v3 =	vadd.s32 v1, v3;
	_ =	sdelay $0x1  }
0x27: {  	s20 =	simm.s32 $0x2900  }
0x28: {  	[tilespmem:s20], [sflag:$0x1] =	stream.indirect_vreg.gather [hbm4b:s1+s5], $0x80, v4, vm0, $0xb8;
	[tilespmem:$0x15900] =	vst v63  }
0x29: {  	s22 =	simm.s32 $0x3100  }
0x2a: {  	[tilespmem:s22], [sflag:$0x1] =	stream.indirect_vreg.gather [hbm4b:s1+s5], $0x80, v3, vm0, $0xb8;
	[tilespmem:$0x15900] =	vst v63  }
0x2b: {  	v3 =	vld [tilespmem:$0x20];
	_ =	sdelay $0x4  }
0x2c: {  	v50 =	vshll.u32 v3, $0x1  }
0x2d: {  	v3 =	vand.u32 $0x7, v3;
	v4 =	vand.u32 $0xFFFFFFF0, v50  }
0x2e: {  	v3 =	vor.u32 v3, v4  }
0x2f: {  	v4 =	vperm.xlane v3, v0;
	_ =	sdelay $0x1  }
0x30: {  	v3 =	vperm.xlane v3, v2;
	v4 =	vadd.s32 v1, v4;
	_ =	sdelay $0x1  }
0x31: {  	v3 =	vadd.s32 v1, v3;
	_ =	sdelay $0x1  }
0x32: {  	s23 =	simm.s32 $0x3900  }
0x33: {  	[tilespmem:s23], [sflag:$0x1] =	stream.indirect_vreg.gather [hbm4b:s1+s5], $0x80, v4, vm0, $0xb8;
	[tilespmem:$0x15900] =	vst v63  }
0x34: {  	s14 =	simm.s32 $0x4100  }
0x35: {  	[tilespmem:s14], [sflag:$0x1] =	stream.indirect_vreg.gather [hbm4b:s1+s5], $0x80, v3, vm0, $0xb8;
	[tilespmem:$0x15900] =	vst v63  }
0x36: {  	v3 =	vld [tilespmem:$0x30];
	_ =	sdelay $0x4  }
0x37: {  	v51 =	vshll.u32 v3, $0x1  }
0x38: {  	v3 =	vand.u32 $0x7, v3;
	v4 =	vand.u32 $0xFFFFFFF0, v51  }
0x39: {  	v3 =	vor.u32 v3, v4  }
0x3a: {  	v4 =	vperm.xlane v3, v0;
	_ =	sdelay $0x1  }
0x3b: {  	v3 =	vperm.xlane v3, v2;
	v4 =	vadd.s32 v1, v4;
	_ =	sdelay $0x1  }
0x3c: {  	v3 =	vadd.s32 v1, v3;
	_ =	sdelay $0x1  }
0x3d: {  	s16 =	simm.s32 $0x4900  }
0x3e: {  	[tilespmem:s16], [sflag:$0x1] =	stream.indirect_vreg.gather [hbm4b:s1+s5], $0x80, v4, vm0, $0xb8;
	[tilespmem:$0x15900] =	vst v63  }
0x3f: {  	s17 =	simm.s32 $0x5100  }
0x40: {  	[tilespmem:s17], [sflag:$0x1] =	stream.indirect_vreg.gather [hbm4b:s1+s5], $0x80, v3, vm0, $0xb8;
	[tilespmem:$0x15900] =	vst v63  }
0x41: {  	v3 =	vld [tilespmem:$0x40];
	_ =	sdelay $0x4  }
0x42: {  	v52 =	vshll.u32 v3, $0x1  }
0x43: {  	v3 =	vand.u32 $0x7, v3;
	v4 =	vand.u32 $0xFFFFFFF0, v52  }
0x44: {  	v3 =	vor.u32 v3, v4  }
0x45: {  	v4 =	vperm.xlane v3, v0;
	_ =	sdelay $0x1  }
0x46: {  	v3 =	vperm.xlane v3, v2;
	v4 =	vadd.s32 v1, v4;
	_ =	sdelay $0x1  }
0x47: {  	v3 =	vadd.s32 v1, v3;
	_ =	sdelay $0x2  }
0x48: {  	[tilespmem:s21], [sflag:$0x2] =	stream.indirect_vreg.gather [hbm4b:s1+s5], $0x80, v4, vm0, $0xb8;
	[tilespmem:$0x15900] =	vst v63  }
0x49: {  	s18 =	simm.s32 $0x6100  }
0x4a: {  	[tilespmem:s18], [sflag:$0x2] =	stream.indirect_vreg.gather [hbm4b:s1+s5], $0x80, v3, vm0, $0xb8;
	[tilespmem:$0x15900] =	vst v63  }
0x4b: {  	v3 =	vld [tilespmem:$0x50];
	_ =	sdelay $0x4  }
0x4c: {  	v53 =	vshll.u32 v3, $0x1  }
0x4d: {  	v3 =	vand.u32 $0x7, v3;
	v4 =	vand.u32 $0xFFFFFFF0, v53  }
0x4e: {  	v3 =	vor.u32 v3, v4  }
0x4f: {  	v4 =	vperm.xlane v3, v0;
	_ =	sdelay $0x1  }
0x50: {  	v3 =	vperm.xlane v3, v2;
	v4 =	vadd.s32 v1, v4;
	_ =	sdelay $0x1  }
0x51: {  	v3 =	vadd.s32 v1, v3;
	_ =	sdelay $0x1  }
0x52: {  	s19 =	simm.s32 $0x6900  }
0x53: {  	[tilespmem:s19], [sflag:$0x2] =	stream.indirect_vreg.gather [hbm4b:s1+s5], $0x80, v4, vm0, $0xb8;
	[tilespmem:$0x15900] =	vst v63  }
0x54: {  	s20 =	simm.s32 $0x7100  }
0x55: {  	[tilespmem:s20], [sflag:$0x2] =	stream.indirect_vreg.gather [hbm4b:s1+s5], $0x80, v3, vm0, $0xb8;
	[tilespmem:$0x15900] =	vst v63  }
0x56: {  	v3 =	vld [tilespmem:$0x60];
	_ =	sdelay $0x4  }
0x57: {  	v54 =	vshll.u32 v3, $0x1  }
0x58: {  	v3 =	vand.u32 $0x7, v3;
	v4 =	vand.u32 $0xFFFFFFF0, v54  }
0x59: {  	v3 =	vor.u32 v3, v4  }
0x5a: {  	v4 =	vperm.xlane v3, v0;
	_ =	sdelay $0x1  }
0x5b: {  	v3 =	vperm.xlane v3, v2;
	v4 =	vadd.s32 v1, v4;
	_ =	sdelay $0x1  }
0x5c: {  	v3 =	vadd.s32 v1, v3;
	_ =	sdelay $0x1  }
0x5d: {  	s22 =	simm.s32 $0x7900  }
0x5e: {  	[tilespmem:s22], [sflag:$0x2] =	stream.indirect_vreg.gather [hbm4b:s1+s5], $0x80, v4, vm0, $0xb8;
	[tilespmem:$0x15900] =	vst v63  }
0x5f: {  	s23 =	simm.s32 $0x8100  }
0x60: {  	[tilespmem:s23], [sflag:$0x2] =	stream.indirect_vreg.gather [hbm4b:s1+s5], $0x80, v3, vm0, $0xb8;
	[tilespmem:$0x15900] =	vst v63  }
0x61: {  	v3 =	vld [tilespmem:$0x70];
	_ =	sdelay $0x4  }
0x62: {  	v55 =	vshll.u32 v3, $0x1  }
0x63: {  	v3 =	vand.u32 $0x7, v3;
	v4 =	vand.u32 $0xFFFFFFF0, v55  }
0x64: {  	v3 =	vor.u32 v3, v4  }
0x65: {  	v4 =	vperm.xlane v3, v0;
	_ =	sdelay $0x1  }
0x66: {  	v3 =	vperm.xlane v3, v2;
	v4 =	vadd.s32 v1, v4;
	_ =	sdelay $0x1  }
0x67: {  	v3 =	vadd.s32 v1, v3;
	_ =	sdelay $0x1  }
0x68: {  	s14 =	simm.s32 $0x8900  }
0x69: {  	[tilespmem:s14], [sflag:$0x2] =	stream.indirect_vreg.gather [hbm4b:s1+s5], $0x80, v4, vm0, $0xb8;
	[tilespmem:$0x15900] =	vst v63  }
0x6a: {  	s16 =	simm.s32 $0x9100  }
0x6b: {  	[tilespmem:s16], [sflag:$0x2] =	stream.indirect_vreg.gather [hbm4b:s1+s5], $0x80, v3, vm0, $0xb8;
	[tilespmem:$0x15900] =	vst v63  }
0x6c: {  	v3 =	vld [tilespmem:$0x80];
	_ =	sdelay $0x4  }
0x6d: {  	v56 =	vshll.u32 v3, $0x1  }
0x6e: {  	v3 =	vand.u32 $0x7, v3;
	v4 =	vand.u32 $0xFFFFFFF0, v56  }
0x6f: {  	v3 =	vor.u32 v3, v4  }
0x70: {  	v4 =	vperm.xlane v3, v0;
	_ =	sdelay $0x1  }
0x71: {  	v3 =	vperm.xlane v3, v2;
	v4 =	vadd.s32 v1, v4;
	_ =	sdelay $0x1  }
0x72: {  	v3 =	vadd.s32 v1, v3;
	_ =	sdelay $0x2  }
0x73: {  	[tilespmem:s30], [sflag:$0x3] =	stream.indirect_vreg.gather [hbm4b:s1+s5], $0x80, v4, vm0, $0xb8;
	[tilespmem:$0x15900] =	vst v63  }
0x74: {  	s17 =	simm.s32 $0xA100  }
0x75: {  	[tilespmem:s17], [sflag:$0x3] =	stream.indirect_vreg.gather [hbm4b:s1+s5], $0x80, v3, vm0, $0xb8;
	[tilespmem:$0x15900] =	vst v63  }
0x76: {  	v3 =	vld [tilespmem:$0x90];
	_ =	sdelay $0x4  }
0x77: {  	v57 =	vshll.u32 v3, $0x1  }
0x78: {  	v3 =	vand.u32 $0x7, v3;
	v4 =	vand.u32 $0xFFFFFFF0, v57  }
0x79: {  	v3 =	vor.u32 v3, v4  }
0x7a: {  	v4 =	vperm.xlane v3, v0;
	_ =	sdelay $0x1  }
0x7b: {  	v3 =	vperm.xlane v3, v2;
	v4 =	vadd.s32 v1, v4;
	_ =	sdelay $0x1  }
0x7c: {  	v3 =	vadd.s32 v1, v3;
	_ =	sdelay $0x1  }
0x7d: {  	s18 =	simm.s32 $0xA900  }
0x7e: {  	[tilespmem:s18], [sflag:$0x3] =	stream.indirect_vreg.gather [hbm4b:s1+s5], $0x80, v4, vm0, $0xb8;
	[tilespmem:$0x15900] =	vst v63  }
0x7f: {  	s19 =	simm.s32 $0xB100  }
0x80: {  	[tilespmem:s19], [sflag:$0x3] =	stream.indirect_vreg.gather [hbm4b:s1+s5], $0x80, v3, vm0, $0xb8;
	[tilespmem:$0x15900] =	vst v63  }
0x81: {  	v3 =	vld [tilespmem:$0xA0];
	_ =	sdelay $0x4  }
0x82: {  	v58 =	vshll.u32 v3, $0x1  }
0x83: {  	v3 =	vand.u32 $0x7, v3;
	v4 =	vand.u32 $0xFFFFFFF0, v58  }
0x84: {  	v3 =	vor.u32 v3, v4  }
0x85: {  	v4 =	vperm.xlane v3, v0;
	_ =	sdelay $0x1  }
0x86: {  	v3 =	vperm.xlane v3, v2;
	v4 =	vadd.s32 v1, v4;
	_ =	sdelay $0x1  }
0x87: {  	v3 =	vadd.s32 v1, v3;
	_ =	sdelay $0x1  }
0x88: {  	s20 =	simm.s32 $0xB900  }
0x89: {  	[tilespmem:s20], [sflag:$0x3] =	stream.indirect_vreg.gather [hbm4b:s1+s5], $0x80, v4, vm0, $0xb8;
	[tilespmem:$0x15900] =	vst v63  }
0x8a: {  	s22 =	simm.s32 $0xC100  }
0x8b: {  	[tilespmem:s22], [sflag:$0x3] =	stream.indirect_vreg.gather [hbm4b:s1+s5], $0x80, v3, vm0, $0xb8;
	[tilespmem:$0x15900] =	vst v63  }
0x8c: {  	v3 =	vld [tilespmem:$0xB0];
	_ =	sdelay $0x4  }
0x8d: {  	v59 =	vshll.u32 v3, $0x1  }
0x8e: {  	v3 =	vand.u32 $0x7, v3;
	v4 =	vand.u32 $0xFFFFFFF0, v59  }
0x8f: {  	v3 =	vor.u32 v3, v4  }
0x90: {  	v4 =	vperm.xlane v3, v0;
	_ =	sdelay $0x1  }
0x91: {  	v3 =	vperm.xlane v3, v2;
	v4 =	vadd.s32 v1, v4;
	_ =	sdelay $0x1  }
0x92: {  	v3 =	vadd.s32 v1, v3;
	_ =	sdelay $0x1  }
0x93: {  	s23 =	simm.s32 $0xC900  }
0x94: {  	[tilespmem:s23], [sflag:$0x3] =	stream.indirect_vreg.gather [hbm4b:s1+s5], $0x80, v4, vm0, $0xb8;
	[tilespmem:$0x15900] =	vst v63  }
0x95: {  	s14 =	simm.s32 $0xD100  }
0x96: {  	[tilespmem:s14], [sflag:$0x3] =	stream.indirect_vreg.gather [hbm4b:s1+s5], $0x80, v3, vm0, $0xb8;
	[tilespmem:$0x15900] =	vst v63  }
0x97: {  	v3 =	vld [tilespmem:$0xC0];
	_ =	sdelay $0x4  }
0x98: {  	v60 =	vshll.u32 v3, $0x1  }
0x99: {  	v3 =	vand.u32 $0x7, v3;
	v4 =	vand.u32 $0xFFFFFFF0, v60  }
0x9a: {  	v3 =	vor.u32 v3, v4  }
0x9b: {  	v4 =	vperm.xlane v3, v0;
	_ =	sdelay $0x1  }
0x9c: {  	v3 =	vperm.xlane v3, v2;
	v4 =	vadd.s32 v1, v4;
	_ =	sdelay $0x1  }
0x9d: {  	v3 =	vadd.s32 v1, v3;
	_ =	sdelay $0x2  }
0x9e: {  	[tilespmem:s15], [sflag:$0x4] =	stream.indirect_vreg.gather [hbm4b:s1+s5], $0x80, v4, vm0, $0xb8;
	[tilespmem:$0x15900] =	vst v63  }
0x9f: {  	s16 =	simm.s32 $0xE100  }
0xa0: {  	[tilespmem:s16], [sflag:$0x4] =	stream.indirect_vreg.gather [hbm4b:s1+s5], $0x80, v3, vm0, $0xb8;
	[tilespmem:$0x15900] =	vst v63  }
0xa1: {  	v3 =	vld [tilespmem:$0xD0];
	_ =	sdelay $0x4  }
0xa2: {  	v61 =	vshll.u32 v3, $0x1  }
0xa3: {  	v3 =	vand.u32 $0x7, v3;
	v4 =	vand.u32 $0xFFFFFFF0, v61  }
0xa4: {  	v3 =	vor.u32 v3, v4  }
0xa5: {  	v4 =	vperm.xlane v3, v0;
	_ =	sdelay $0x1  }
0xa6: {  	v3 =	vperm.xlane v3, v2;
	v4 =	vadd.s32 v1, v4;
	_ =	sdelay $0x1  }
0xa7: {  	v3 =	vadd.s32 v1, v3;
	_ =	sdelay $0x1  }
0xa8: {  	s17 =	simm.s32 $0xE900  }
0xa9: {  	[tilespmem:s17], [sflag:$0x4] =	stream.indirect_vreg.gather [hbm4b:s1+s5], $0x80, v4, vm0, $0xb8;
	[tilespmem:$0x15900] =	vst v63  }
0xaa: {  	s18 =	simm.s32 $0xF100  }
0xab: {  	[tilespmem:s18], [sflag:$0x4] =	stream.indirect_vreg.gather [hbm4b:s1+s5], $0x80, v3, vm0, $0xb8;
	[tilespmem:$0x15900] =	vst v63  }
0xac: {  	v3 =	vld [tilespmem:$0xE0];
	_ =	sdelay $0x4  }
0xad: {  	v62 =	vshll.u32 v3, $0x1  }
0xae: {  	v3 =	vand.u32 $0x7, v3;
	v4 =	vand.u32 $0xFFFFFFF0, v62  }
0xaf: {  	v3 =	vor.u32 v3, v4  }
0xb0: {  	v4 =	vperm.xlane v3, v0;
	_ =	sdelay $0x1  }
0xb1: {  	v3 =	vperm.xlane v3, v2;
	v4 =	vadd.s32 v1, v4;
	_ =	sdelay $0x1  }
0xb2: {  	v3 =	vadd.s32 v1, v3;
	_ =	sdelay $0x1  }
0xb3: {  	s19 =	simm.s32 $0xF900  }
0xb4: {  	[tilespmem:s19], [sflag:$0x4] =	stream.indirect_vreg.gather [hbm4b:s1+s5], $0x80, v4, vm0, $0xb8;
	[tilespmem:$0x15900] =	vst v63  }
0xb5: {  	s20 =	simm.s32 $0x10100  }
0xb6: {  	[tilespmem:s20], [sflag:$0x4] =	stream.indirect_vreg.gather [hbm4b:s1+s5], $0x80, v3, vm0, $0xb8;
	[tilespmem:$0x15900] =	vst v63  }
0xb7: {  	v3 =	vld [tilespmem:$0xF0];
	_ =	sdelay $0x4  }
0xb8: {  	v63 =	vshll.u32 v3, $0x1  }
0xb9: {  	v3 =	vand.u32 $0x7, v3;
	v4 =	vand.u32 $0xFFFFFFF0, v63  }
0xba: {  	v3 =	vor.u32 v3, v4  }
0xbb: {  	v4 =	vperm.xlane v3, v0;
	_ =	sdelay $0x1  }
0xbc: {  	v3 =	vperm.xlane v3, v2;
	v4 =	vadd.s32 v1, v4;
	_ =	sdelay $0x1  }
0xbd: {  	v3 =	vadd.s32 v1, v3;
	_ =	sdelay $0x1  }
0xbe: {  	s22 =	simm.s32 $0x10900  }
0xbf: {  	[tilespmem:s22], [sflag:$0x4] =	stream.indirect_vreg.gather [hbm4b:s1+s5], $0x80, v4, vm0, $0xb8;
	[tilespmem:$0x15900] =	vst v63  }
0xc0: {  	s23 =	simm.s32 $0x11100;
	s14 =	simm.s32 $0x0  }
0xc1: {  	[tilespmem:s23], [sflag:$0x4] =	stream.indirect_vreg.gather [hbm4b:s1+s5], $0x80, v3, vm0, $0xb8;
	[tilespmem:$0x15900] =	vst v63  }
.LBB2_2:
0xc2: {  	s16 =	smul.u32 $0x5, s14;
	_ =	sdelay $0x1  }
0xc3: {  	s17 =	sadd.s32 $0xFFFFFFFF, s16  }
0xc4: {  	p0 =	sgt.u32 s17, $0x5E  }
.Ltmp0:
0xc5: {  	_ = 	snop;
	(pc) =	sbr.rel @p0 .LBB2_4-.Ltmp0, $2  }
0xc6: {  	_ =	sdelay $0x2  }
0xc7: {  	s16 =	sadd.s32 $0x4, s16  }
0xc8: {  	_ =	swait.ge [sflag:s24], $0x4000  }
0xc9: {  	s17 =	sshll.u32 s16, $0x6;
	[sflag:s24] =	ssyncset.done $0x0  }
0xca: {  	s17 =	sand.u32 $0x3FFFFFC0, s17;
	[sflag:s24] =	ssyncadd.s32 $0xFFFFC000  }
0xcb: {  	v3 =	vld [tilespmem:s17+$0x0];
	_ =	sdelay $0x4  }
0xcc: {  	v4 =	vshll.u32 v3, $0x1  }
0xcd: {  	v3 =	vand.u32 $0x7, v3;
	v4 =	vand.u32 $0xFFFFFFF0, v4  }
0xce: {  	v3 =	vor.u32 v3, v4  }
0xcf: {  	v4 =	vperm.xlane v3, v0;
	_ =	sdelay $0x1  }
0xd0: {  	v3 =	vperm.xlane v3, v2;
	v4 =	vadd.s32 v1, v4;
	_ =	sdelay $0x1  }
0xd1: {  	v3 =	vadd.s32 v1, v3;
	_ =	sdelay $0x2  }
0xd2: {  	[tilespmem:s25], [sflag:$0x5] =	stream.indirect_vreg.gather [hbm4b:s1+s5], $0x80, v4, vm0, $0xb8;
	[tilespmem:$0x15900] =	vst v63  }
0xd3: {  	s13 =	simm.s32 $0x12100  }
0xd4: {  	[tilespmem:s13], [sflag:$0x5] =	stream.indirect_vreg.gather [hbm4b:s1+s5], $0x80, v3, vm0, $0xb8;
	[tilespmem:$0x15900] =	vst v63  }
0xd5: {  	v3 =	vld [tilespmem:s17+$0x10];
	_ =	sdelay $0x4  }
0xd6: {  	v61 =	vshll.u32 v3, $0x1  }
0xd7: {  	v3 =	vand.u32 $0x7, v3;
	v4 =	vand.u32 $0xFFFFFFF0, v61  }
0xd8: {  	v3 =	vor.u32 v3, v4  }
0xd9: {  	v4 =	vperm.xlane v3, v0;
	_ =	sdelay $0x1  }
0xda: {  	v3 =	vperm.xlane v3, v2;
	v4 =	vadd.s32 v1, v4;
	_ =	sdelay $0x1  }
0xdb: {  	v3 =	vadd.s32 v1, v3;
	_ =	sdelay $0x1  }
0xdc: {  	s23 =	simm.s32 $0x12900  }
0xdd: {  	[tilespmem:s23], [sflag:$0x5] =	stream.indirect_vreg.gather [hbm4b:s1+s5], $0x80, v4, vm0, $0xb8;
	[tilespmem:$0x15900] =	vst v63  }
0xde: {  	s18 =	simm.s32 $0x13100  }
0xdf: {  	[tilespmem:s18], [sflag:$0x5] =	stream.indirect_vreg.gather [hbm4b:s1+s5], $0x80, v3, vm0, $0xb8;
	[tilespmem:$0x15900] =	vst v63  }
0xe0: {  	v3 =	vld [tilespmem:s17+$0x20];
	_ =	sdelay $0x4  }
0xe1: {  	v62 =	vshll.u32 v3, $0x1  }
0xe2: {  	v3 =	vand.u32 $0x7, v3;
	v4 =	vand.u32 $0xFFFFFFF0, v62  }
0xe3: {  	v3 =	vor.u32 v3, v4  }
0xe4: {  	v4 =	vperm.xlane v3, v0;
	_ =	sdelay $0x1  }
0xe5: {  	v3 =	vperm.xlane v3, v2;
	v4 =	vadd.s32 v1, v4;
	_ =	sdelay $0x1  }
0xe6: {  	v3 =	vadd.s32 v1, v3;
	_ =	sdelay $0x1  }
0xe7: {  	s19 =	simm.s32 $0x13900  }
0xe8: {  	[tilespmem:s19], [sflag:$0x5] =	stream.indirect_vreg.gather [hbm4b:s1+s5], $0x80, v4, vm0, $0xb8;
	[tilespmem:$0x15900] =	vst v63  }
0xe9: {  	s20 =	simm.s32 $0x14100  }
0xea: {  	[tilespmem:s20], [sflag:$0x5] =	stream.indirect_vreg.gather [hbm4b:s1+s5], $0x80, v3, vm0, $0xb8;
	[tilespmem:$0x15900] =	vst v63  }
0xeb: {  	v3 =	vld [tilespmem:s17+$0x30];
	_ =	sdelay $0x4  }
0xec: {  	v63 =	vshll.u32 v3, $0x1  }
0xed: {  	v3 =	vand.u32 $0x7, v3;
	v4 =	vand.u32 $0xFFFFFFF0, v63  }
0xee: {  	v3 =	vor.u32 v3, v4  }
0xef: {  	v4 =	vperm.xlane v3, v0;
	_ =	sdelay $0x1  }
0xf0: {  	v3 =	vperm.xlane v3, v2;
	v4 =	vadd.s32 v1, v4;
	_ =	sdelay $0x1  }
0xf1: {  	v3 =	vadd.s32 v1, v3;
	_ =	sdelay $0x1  }
0xf2: {  	s22 =	simm.s32 $0x14900  }
0xf3: {  	[tilespmem:s22], [sflag:$0x5] =	stream.indirect_vreg.gather [hbm4b:s1+s5], $0x80, v4, vm0, $0xb8;
	[tilespmem:$0x15900] =	vst v63  }
0xf4: {  	s23 =	simm.s32 $0x15100  }
0xf5: {  	[tilespmem:s23], [sflag:$0x5] =	stream.indirect_vreg.gather [hbm4b:s1+s5], $0x80, v3, vm0, $0xb8;
	[tilespmem:$0x15900] =	vst v63  }
.LBB2_4:
0xf6: {  	p0 =	sne.s32 s14, $0x0  }
0xf7: {  	v3 =	vld @!p0 [tilespmem:$0x100];
	_ =	sdelay $0x4  }
0xf8: {  	v4 =	vshll.u32 @!p0 v3, $0x1  }
0xf9: {  	v5 =	vlaneseq.u32 @!p0;
	v3 =	vand.u32 @!p0 $0x7, v3;
	v4 =	vand.u32 @!p0 $0xFFFFFFF0, v4  }
0xfa: {  	v6 =	vshrl.u32 @!p0 v5, $0x3;
	v3 =	vor.u32 @!p0 v3, v4;
	v4 =	vand.u32 @!p0 $0x7, v5  }
0xfb: {  	v6 =	vmul.u32 @!p0 $0x8, v6;
	v7 =	vperm.xlane @!p0 v3, v4  }
0xfc: {  	v5 =	vor.u32 @!p0 $0x8, v5  }
0xfd: {  	v3 =	vperm.xlane @!p0 v3, v5;
	v7 =	vadd.s32 @!p0 v6, v7;
	_ =	sdelay $0x1  }
0xfe: {  	v3 =	vadd.s32 @!p0 v6, v3;
	_ =	sdelay $0x1  }
0xff: {  	vm1 =	vmmov @!p0 $0xffff;
	s17 =	simm.s32 @!p0 $0x0;
	s18 =	simm.s32 @!p0 $0x11900  }
0x100: {  	[tilespmem:s18], [sflag:$0x5] =	stream.indirect_vreg.gather @!p0 [hbm4b:s1+s17], $0x80, v7, vm1, $0xb8;
	[tilespmem:$0x15900] =	vst v63  }
0x101: {  	s18 =	simm.s32 @!p0 $0x12100  }
0x102: {  	[tilespmem:s18], [sflag:$0x5] =	stream.indirect_vreg.gather @!p0 [hbm4b:s1+s17], $0x80, v3, vm1, $0xb8;
	[tilespmem:$0x15900] =	vst v63  }
0x103: {  	v3 =	vld @!p0 [tilespmem:$0x110];
	_ =	sdelay $0x4  }
0x104: {  	v7 =	vshll.u32 @!p0 v3, $0x1  }
0x105: {  	v3 =	vand.u32 @!p0 $0x7, v3;
	v7 =	vand.u32 @!p0 $0xFFFFFFF0, v7  }
0x106: {  	v3 =	vor.u32 @!p0 v3, v7  }
0x107: {  	v7 =	vperm.xlane @!p0 v3, v4;
	_ =	sdelay $0x1  }
0x108: {  	v3 =	vperm.xlane @!p0 v3, v5;
	v7 =	vadd.s32 @!p0 v6, v7;
	_ =	sdelay $0x1  }
0x109: {  	v3 =	vadd.s32 @!p0 v6, v3;
	_ =	sdelay $0x1  }
0x10a: {  	s18 =	simm.s32 @!p0 $0x12900  }
0x10b: {  	[tilespmem:s18], [sflag:$0x5] =	stream.indirect_vreg.gather @!p0 [hbm4b:s1+s17], $0x80, v7, vm1, $0xb8;
	[tilespmem:$0x15900] =	vst v63  }
0x10c: {  	s18 =	simm.s32 @!p0 $0x13100  }
0x10d: {  	[tilespmem:s18], [sflag:$0x5] =	stream.indirect_vreg.gather @!p0 [hbm4b:s1+s17], $0x80, v3, vm1, $0xb8;
	[tilespmem:$0x15900] =	vst v63  }
0x10e: {  	v3 =	vld @!p0 [tilespmem:$0x120];
	_ =	sdelay $0x4  }
0x10f: {  	v7 =	vshll.u32 @!p0 v3, $0x1  }
0x110: {  	v3 =	vand.u32 @!p0 $0x7, v3;
	v7 =	vand.u32 @!p0 $0xFFFFFFF0, v7  }
0x111: {  	v3 =	vor.u32 @!p0 v3, v7  }
0x112: {  	v7 =	vperm.xlane @!p0 v3, v4;
	_ =	sdelay $0x1  }
0x113: {  	v3 =	vperm.xlane @!p0 v3, v5;
	v7 =	vadd.s32 @!p0 v6, v7;
	_ =	sdelay $0x1  }
0x114: {  	v3 =	vadd.s32 @!p0 v6, v3;
	_ =	sdelay $0x1  }
0x115: {  	s18 =	simm.s32 @!p0 $0x13900  }
0x116: {  	[tilespmem:s18], [sflag:$0x5] =	stream.indirect_vreg.gather @!p0 [hbm4b:s1+s17], $0x80, v7, vm1, $0xb8;
	[tilespmem:$0x15900] =	vst v63  }
0x117: {  	s18 =	simm.s32 @!p0 $0x14100  }
0x118: {  	[tilespmem:s18], [sflag:$0x5] =	stream.indirect_vreg.gather @!p0 [hbm4b:s1+s17], $0x80, v3, vm1, $0xb8;
	[tilespmem:$0x15900] =	vst v63  }
0x119: {  	v3 =	vld @!p0 [tilespmem:$0x130];
	_ =	sdelay $0x4  }
0x11a: {  	v7 =	vshll.u32 @!p0 v3, $0x1  }
0x11b: {  	v3 =	vand.u32 @!p0 $0x7, v3;
	v7 =	vand.u32 @!p0 $0xFFFFFFF0, v7  }
0x11c: {  	v3 =	vor.u32 @!p0 v3, v7  }
0x11d: {  	v4 =	vperm.xlane @!p0 v3, v4;
	_ =	sdelay $0x1  }
0x11e: {  	v3 =	vperm.xlane @!p0 v3, v5;
	v4 =	vadd.s32 @!p0 v6, v4;
	_ =	sdelay $0x1  }
0x11f: {  	v3 =	vadd.s32 @!p0 v6, v3;
	_ =	sdelay $0x1  }
0x120: {  	s18 =	simm.s32 @!p0 $0x14900  }
0x121: {  	[tilespmem:s18], [sflag:$0x5] =	stream.indirect_vreg.gather @!p0 [hbm4b:s1+s17], $0x80, v4, vm1, $0xb8;
	[tilespmem:$0x15900] =	vst v63  }
0x122: {  	s18 =	simm.s32 @!p0 $0x15100  }
0x123: {  	[tilespmem:s18], [sflag:$0x5] =	stream.indirect_vreg.gather @!p0 [hbm4b:s1+s17], $0x80, v3, vm1, $0xb8;
	[tilespmem:$0x15900] =	vst v63  }
0x124: {  	s22 =	simm.s32 $0x0;
	_ =	swait.ge [sflag:s26], $0x4000  }
0x125: {  	s23 =	sand.u32 $0x3800, s22;
	s17 =	sand.u32 $0x380, s22;
	[sflag:s26] =	ssyncset.done $0x0  }
0x126: {  	s18 =	sor.u32 s17, s23;
	[sflag:s26] =	ssyncadd.s32 $0xFFFFC000  }
0x127: {  	v3 =	vld [tilespmem:s18+$0x1950]  }
0x128: {  	v4 =	vld [tilespmem:s18+$0x1D50]  }
0x129: {  	v5 =	vld [tilespmem:s18+$0x1D10]  }
0x12a: {  	v6 =	vld [tilespmem:s18+$0x1D70]  }
0x12b: {  	v7 =	vld [tilespmem:s18+$0x1D40]  }
0x12c: {  	v8 =	vld [tilespmem:s18+$0x1960]  }
0x12d: {  	v9 =	vld [tilespmem:s18+$0x1940]  }
0x12e: {  	v11 =	vld [tilespmem:s18+$0x1900];
	v5 =	vmul.f32 $1.618034010e+00, v5  }
0x12f: {  	v12 =	vld [tilespmem:s18+$0x1D60];
	v10 =	vmul.f32 $1.618034010e+00, v6  }
0x130: {  	v6 =	vld [tilespmem:s18+$0x1910];
	v13 =	vmul.f32 $1.618034010e+00, v7;
	[tilespmem:s18+$0x1D10] =	vst v5  }
0x131: {  	v3 =	vmul.f32 $1.618034010e+00, v3;
	v7 =	vld [tilespmem:s18+$0x1920];
	[tilespmem:s18+$0x1D70] =	vst v10  }
0x132: {  	v14 =	vmul.f32 $1.618034010e+00, v4;
	v4 =	vmul.f32 $1.618034010e+00, v8;
	v8 =	vld [tilespmem:s18+$0x1D00];
	[tilespmem:s18+$0x1D40] =	vst v13  }
0x133: {  	v5 =	vld [tilespmem:s18+$0x1D20];
	v10 =	vmul.f32 $1.618034010e+00, v9;
	[tilespmem:s18+$0x1950] =	vst v3  }
0x134: {  	s20 =	simm.s32 $0x100;
	s17 =	simm.s32 $0x80;
	v3 =	vmul.f32 $1.618034010e+00, v11;
	v9 =	vld [tilespmem:s18+$0x1930];
	[tilespmem:s18+$0x1D50] =	vst v14;
	v11 =	vmul.f32 $1.618034010e+00, v12  }
.LBB2_5:
0x135: {  	s19 =	smov.u32 s20  }
0x136: {  	s22 =	sand.u32 $0x3800, s20;
	s23 =	sand.u32 $0x380, s17;
	v6 =	vmul.f32 $1.618034010e+00, v6;
	[tilespmem:s18+$0x1940] =	vst v10;
	v10 =	vld [tilespmem:s18+$0x1D30];
	s19 =	sadd.s32 $0x100, s20  }
0x137: {  	p0 =	sne.s32 s20, $0x3F00;
	s22 =	sor.u32 s23, s22;
	v7 =	vmul.f32 $1.618034010e+00, v7;
	v12 =	vld [tilespmem:s18+$0x1970];
	[tilespmem:s18+$0x1D60] =	vst v11  }
0x138: {  	v5 =	vmul.f32 $1.618034010e+00, v5;
	v11 =	vld [tilespmem:s22+$0x1950];
	[tilespmem:s18+$0x1910] =	vst v6  }
0x139: {  	v6 =	vld [tilespmem:s22+$0x1D50];
	[tilespmem:s18+$0x1920] =	vst v7;
	v7 =	vmul.f32 $1.618034010e+00, v8  }
0x13a: {  	v9 =	vmul.f32 $1.618034010e+00, v9;
	v8 =	vld [tilespmem:s22+$0x1D70];
	[tilespmem:s18+$0x1960] =	vst v4  }
0x13b: {  	v4 =	vld [tilespmem:s22+$0x1D10];
	[tilespmem:s18+$0x1D00] =	vst v7;
	v7 =	vmul.f32 $1.618034010e+00, v10  }
0x13c: {  	v10 =	vld [tilespmem:s22+$0x1D40];
	[tilespmem:s18+$0x1930] =	vst v9;
	v9 =	vmul.f32 $1.618034010e+00, v12  }
0x13d: {  	v12 =	vld [tilespmem:s22+$0x1960];
	[tilespmem:s18+$0x1D20] =	vst v5  }
0x13e: {  	v13 =	vld [tilespmem:s22+$0x1940];
	v14 =	vmul.f32 $1.618034010e+00, v6;
	[tilespmem:s18+$0x1900] =	vst v3  }
0x13f: {  	v3 =	vld [tilespmem:s22+$0x1900];
	v5 =	vmul.f32 $1.618034010e+00, v8;
	[tilespmem:s18+$0x1D30] =	vst v7  }
0x140: {  	v4 =	vmul.f32 $1.618034010e+00, v4;
	v15 =	vld [tilespmem:s22+$0x1D60];
	[tilespmem:s18+$0x1970] =	vst v9;
	s18 =	smov.u32 s22  }
.Ltmp1:
0x141: {  	v6 =	vld [tilespmem:s18+$0x1910];
	v8 =	vmul.f32 $1.618034010e+00, v10;
	[tilespmem:s18+$0x1D70] =	vst v5;
	(pc) =	sbr.rel @p0 .LBB2_5-.Ltmp1, $4  }
0x142: {  	v9 =	vmul.f32 $1.618034010e+00, v11;
	v7 =	vld [tilespmem:s18+$0x1920];
	[tilespmem:s18+$0x1D10] =	vst v4  }
0x143: {  	v4 =	vmul.f32 $1.618034010e+00, v12;
	v5 =	vld [tilespmem:s18+$0x1D20];
	[tilespmem:s18+$0x1D40] =	vst v8  }
0x144: {  	v10 =	vmul.f32 $1.618034010e+00, v13;
	[tilespmem:s18+$0x1950] =	vst v9;
	v8 =	vld [tilespmem:s18+$0x1D00]  }
0x145: {  	s17 =	sadd.s32 $0x80, s17;
	s20 =	smov.u32 s19;
	v3 =	vmul.f32 $1.618034010e+00, v3;
	v9 =	vld [tilespmem:s18+$0x1930];
	[tilespmem:s18+$0x1D50] =	vst v14;
	v11 =	vmul.f32 $1.618034010e+00, v15  }
0x146: {  	[tilespmem:s18+$0x1940] =	vst v10  }
0x147: {  	[tilespmem:s18+$0x1960] =	vst v4  }
0x148: {  	v6 =	vmul.f32 $1.618034010e+00, v6;
	v57 =	vld [tilespmem:s18+$0x1D30];
	[tilespmem:s18+$0x1D60] =	vst v11  }
0x149: {  	v58 =	vld [tilespmem:s18+$0x1970];
	v7 =	vmul.f32 $1.618034010e+00, v7;
	[tilespmem:s18+$0x1900] =	vst v3  }
0x14a: {  	[tilespmem:s18+$0x1910] =	vst v6;
	v61 =	vmul.f32 $1.618034010e+00, v5  }
0x14b: {  	[tilespmem:s18+$0x1920] =	vst v7;
	v59 =	vmul.f32 $1.618034010e+00, v8  }
0x14c: {  	s17 =	smul.u32 $0x140, s14;
	p0 =	seq.s32 s14, $0x13;
	v60 =	vmul.f32 $1.618034010e+00, v9;
	[tilespmem:s18+$0x1D20] =	vst v61  }
.Ltmp2:
0x14d: {  	[tilespmem:s18+$0x1D00] =	vst v59;
	v62 =	vmul.f32 $1.618034010e+00, v57;
	(pc) =	sbr.rel @p0 .LBB2_8-.Ltmp2, $4  }
0x14e: {  	s19 =	sadd.s32 s4, s17;
	v63 =	vmul.f32 $1.618034010e+00, v58;
	[tilespmem:s18+$0x1930] =	vst v60  }
0x14f: {  	s19 =	sshll.u32 s19, $0x5;
	[tilespmem:s18+$0x1D30] =	vst v62  }
0x150: {  	s13 =	simm.s32 $0x1900;
	s23 =	sadd.s32 s3, s19;
	[tilespmem:s18+$0x1970] =	vst v63  }
0x151: {  	[hbm4b:s23+s5] =	stream.linear.scatter [tilespmem:s13], [sflag:$0x6], $0x4000, $0x38;
	[tilespmem:$0x15900] =	vst v63  }
0x152: {  	_ =	swait.ge [sflag:s0], $0x4000;
	s18 =	smul.u32 $0x500, s14  }
0x153: {  	[sflag:s0] =	ssyncset.done $0x0  }
0x154: {  	[sflag:s0] =	ssyncadd.s32 $0xFFFFC000;
	s18 =	sshra.s32 s18, $0x2  }
0x155: {  	v3 =	vld [tilespmem:s18+$0x140];
	_ =	sdelay $0x4  }
0x156: {  	v4 =	vshll.u32 v3, $0x1  }
0x157: {  	v3 =	vand.u32 $0x7, v3;
	v4 =	vand.u32 $0xFFFFFFF0, v4  }
0x158: {  	v3 =	vor.u32 v3, v4  }
0x159: {  	v4 =	vperm.xlane v3, v0;
	_ =	sdelay $0x1  }
0x15a: {  	v3 =	vperm.xlane v3, v2;
	v4 =	vadd.s32 v1, v4;
	_ =	sdelay $0x1  }
0x15b: {  	v3 =	vadd.s32 v1, v3;
	_ =	sdelay $0x1  }
0x15c: {  	s13 =	simm.s32 $0x1900  }
0x15d: {  	[tilespmem:s13], [sflag:$0x1] =	stream.indirect_vreg.gather [hbm4b:s1+s5], $0x80, v4, vm0, $0xb8;
	[tilespmem:$0x15900] =	vst v63  }
0x15e: {  	s20 =	simm.s32 $0x2100  }
0x15f: {  	[tilespmem:s20], [sflag:$0x1] =	stream.indirect_vreg.gather [hbm4b:s1+s5], $0x80, v3, vm0, $0xb8;
	[tilespmem:$0x15900] =	vst v63  }
0x160: {  	v3 =	vld [tilespmem:s18+$0x150];
	_ =	sdelay $0x4  }
0x161: {  	v61 =	vshll.u32 v3, $0x1  }
0x162: {  	v3 =	vand.u32 $0x7, v3;
	v4 =	vand.u32 $0xFFFFFFF0, v61  }
0x163: {  	v3 =	vor.u32 v3, v4  }
0x164: {  	v4 =	vperm.xlane v3, v0;
	_ =	sdelay $0x1  }
0x165: {  	v3 =	vperm.xlane v3, v2;
	v4 =	vadd.s32 v1, v4;
	_ =	sdelay $0x1  }
0x166: {  	v3 =	vadd.s32 v1, v3;
	_ =	sdelay $0x1  }
0x167: {  	s22 =	simm.s32 $0x2900  }
0x168: {  	[tilespmem:s22], [sflag:$0x1] =	stream.indirect_vreg.gather [hbm4b:s1+s5], $0x80, v4, vm0, $0xb8;
	[tilespmem:$0x15900] =	vst v63  }
0x169: {  	s23 =	simm.s32 $0x3100  }
0x16a: {  	[tilespmem:s23], [sflag:$0x1] =	stream.indirect_vreg.gather [hbm4b:s1+s5], $0x80, v3, vm0, $0xb8;
	[tilespmem:$0x15900] =	vst v63  }
0x16b: {  	v3 =	vld [tilespmem:s18+$0x160];
	_ =	sdelay $0x4  }
0x16c: {  	v62 =	vshll.u32 v3, $0x1  }
0x16d: {  	v3 =	vand.u32 $0x7, v3;
	v4 =	vand.u32 $0xFFFFFFF0, v62  }
0x16e: {  	v3 =	vor.u32 v3, v4  }
0x16f: {  	v4 =	vperm.xlane v3, v0;
	_ =	sdelay $0x1  }
0x170: {  	v3 =	vperm.xlane v3, v2;
	v4 =	vadd.s32 v1, v4;
	_ =	sdelay $0x1  }
0x171: {  	v3 =	vadd.s32 v1, v3;
	_ =	sdelay $0x1  }
0x172: {  	s19 =	simm.s32 $0x3900  }
0x173: {  	[tilespmem:s19], [sflag:$0x1] =	stream.indirect_vreg.gather [hbm4b:s1+s5], $0x80, v4, vm0, $0xb8;
	[tilespmem:$0x15900] =	vst v63  }
0x174: {  	s20 =	simm.s32 $0x4100  }
0x175: {  	[tilespmem:s20], [sflag:$0x1] =	stream.indirect_vreg.gather [hbm4b:s1+s5], $0x80, v3, vm0, $0xb8;
	[tilespmem:$0x15900] =	vst v63  }
0x176: {  	v3 =	vld [tilespmem:s18+$0x170];
	_ =	sdelay $0x4  }
0x177: {  	v63 =	vshll.u32 v3, $0x1  }
0x178: {  	v3 =	vand.u32 $0x7, v3;
	v4 =	vand.u32 $0xFFFFFFF0, v63  }
0x179: {  	v3 =	vor.u32 v3, v4  }
0x17a: {  	v4 =	vperm.xlane v3, v0;
	_ =	sdelay $0x1  }
0x17b: {  	v3 =	vperm.xlane v3, v2;
	v4 =	vadd.s32 v1, v4;
	_ =	sdelay $0x1  }
0x17c: {  	v3 =	vadd.s32 v1, v3;
	_ =	sdelay $0x1  }
0x17d: {  	s22 =	simm.s32 $0x4900  }
0x17e: {  	[tilespmem:s22], [sflag:$0x1] =	stream.indirect_vreg.gather [hbm4b:s1+s5], $0x80, v4, vm0, $0xb8;
	[tilespmem:$0x15900] =	vst v63  }
0x17f: {  	s23 =	simm.s32 $0x5100  }
0x180: {  	[tilespmem:s23], [sflag:$0x1] =	stream.indirect_vreg.gather [hbm4b:s1+s5], $0x80, v3, vm0, $0xb8;
	[tilespmem:$0x15900] =	vst v63  }
.LBB2_8:
0x181: {  	_ =	swait.ge [sflag:s28], $0x4000;
	s18 =	simm.s32 $0x0  }
0x182: {  	[sflag:s28] =	ssyncset.done $0x0;
	s19 =	sand.u32 $0x3800, s18;
	s18 =	sand.u32 $0x380, s18  }
0x183: {  	[sflag:s28] =	ssyncadd.s32 $0xFFFFC000;
	s18 =	sor.u32 s18, s19  }
0x184: {  	v3 =	vld [tilespmem:s18+$0x5950]  }
0x185: {  	v4 =	vld [tilespmem:s18+$0x5D50]  }
0x186: {  	v5 =	vld [tilespmem:s18+$0x5D10]  }
0x187: {  	v6 =	vld [tilespmem:s18+$0x5D70]  }
0x188: {  	v7 =	vld [tilespmem:s18+$0x5D40]  }
0x189: {  	v8 =	vld [tilespmem:s18+$0x5960]  }
0x18a: {  	v9 =	vld [tilespmem:s18+$0x5940]  }
0x18b: {  	v11 =	vld [tilespmem:s18+$0x5900];
	v5 =	vmul.f32 $1.618034010e+00, v5  }
0x18c: {  	v12 =	vld [tilespmem:s18+$0x5D60];
	v10 =	vmul.f32 $1.618034010e+00, v6  }
0x18d: {  	v6 =	vld [tilespmem:s18+$0x5910];
	v13 =	vmul.f32 $1.618034010e+00, v7;
	[tilespmem:s18+$0x5D10] =	vst v5  }
0x18e: {  	v3 =	vmul.f32 $1.618034010e+00, v3;
	v7 =	vld [tilespmem:s18+$0x5920];
	[tilespmem:s18+$0x5D70] =	vst v10  }
0x18f: {  	v14 =	vmul.f32 $1.618034010e+00, v4;
	v4 =	vmul.f32 $1.618034010e+00, v8;
	v8 =	vld [tilespmem:s18+$0x5D00];
	[tilespmem:s18+$0x5D40] =	vst v13  }
0x190: {  	v5 =	vld [tilespmem:s18+$0x5D20];
	v10 =	vmul.f32 $1.618034010e+00, v9;
	[tilespmem:s18+$0x5950] =	vst v3  }
0x191: {  	s20 =	simm.s32 $0x100;
	s19 =	simm.s32 $0x80;
	v3 =	vmul.f32 $1.618034010e+00, v11;
	v9 =	vld [tilespmem:s18+$0x5930];
	[tilespmem:s18+$0x5D50] =	vst v14;
	v11 =	vmul.f32 $1.618034010e+00, v12  }
.LBB2_9:
0x192: {  	s22 =	smov.u32 s20  }
0x193: {  	s23 =	sand.u32 $0x3800, s20;
	s13 =	sand.u32 $0x380, s19;
	v6 =	vmul.f32 $1.618034010e+00, v6;
	[tilespmem:s18+$0x5940] =	vst v10;
	v10 =	vld [tilespmem:s18+$0x5D30];
	s22 =	sadd.s32 $0x100, s20  }
0x194: {  	p1 =	sne.s32 s20, $0x3F00;
	s13 =	sor.u32 s13, s23;
	v7 =	vmul.f32 $1.618034010e+00, v7;
	v12 =	vld [tilespmem:s18+$0x5970];
	[tilespmem:s18+$0x5D60] =	vst v11  }
0x195: {  	v5 =	vmul.f32 $1.618034010e+00, v5;
	v11 =	vld [tilespmem:s13+$0x5950];
	[tilespmem:s18+$0x5910] =	vst v6  }
0x196: {  	v6 =	vld [tilespmem:s13+$0x5D50];
	[tilespmem:s18+$0x5920] =	vst v7;
	v7 =	vmul.f32 $1.618034010e+00, v8  }
0x197: {  	v9 =	vmul.f32 $1.618034010e+00, v9;
	v8 =	vld [tilespmem:s13+$0x5D70];
	[tilespmem:s18+$0x5960] =	vst v4  }
0x198: {  	v4 =	vld [tilespmem:s13+$0x5D10];
	[tilespmem:s18+$0x5D00] =	vst v7;
	v7 =	vmul.f32 $1.618034010e+00, v10  }
0x199: {  	v10 =	vld [tilespmem:s13+$0x5D40];
	[tilespmem:s18+$0x5930] =	vst v9;
	v9 =	vmul.f32 $1.618034010e+00, v12  }
0x19a: {  	v12 =	vld [tilespmem:s13+$0x5960];
	[tilespmem:s18+$0x5D20] =	vst v5  }
0x19b: {  	v13 =	vld [tilespmem:s13+$0x5940];
	v14 =	vmul.f32 $1.618034010e+00, v6;
	[tilespmem:s18+$0x5900] =	vst v3  }
0x19c: {  	v3 =	vld [tilespmem:s13+$0x5900];
	v5 =	vmul.f32 $1.618034010e+00, v8;
	[tilespmem:s18+$0x5D30] =	vst v7  }
0x19d: {  	v4 =	vmul.f32 $1.618034010e+00, v4;
	v15 =	vld [tilespmem:s13+$0x5D60];
	[tilespmem:s18+$0x5970] =	vst v9;
	s18 =	smov.u32 s13  }
.Ltmp3:
0x19e: {  	v6 =	vld [tilespmem:s18+$0x5910];
	v8 =	vmul.f32 $1.618034010e+00, v10;
	[tilespmem:s18+$0x5D70] =	vst v5;
	(pc) =	sbr.rel @p1 .LBB2_9-.Ltmp3, $4  }
0x19f: {  	v9 =	vmul.f32 $1.618034010e+00, v11;
	v7 =	vld [tilespmem:s18+$0x5920];
	[tilespmem:s18+$0x5D10] =	vst v4  }
0x1a0: {  	v4 =	vmul.f32 $1.618034010e+00, v12;
	v5 =	vld [tilespmem:s18+$0x5D20];
	[tilespmem:s18+$0x5D40] =	vst v8  }
0x1a1: {  	v10 =	vmul.f32 $1.618034010e+00, v13;
	[tilespmem:s18+$0x5950] =	vst v9;
	v8 =	vld [tilespmem:s18+$0x5D00]  }
0x1a2: {  	s19 =	sadd.s32 $0x80, s19;
	s20 =	smov.u32 s22;
	v3 =	vmul.f32 $1.618034010e+00, v3;
	v9 =	vld [tilespmem:s18+$0x5930];
	[tilespmem:s18+$0x5D50] =	vst v14;
	v11 =	vmul.f32 $1.618034010e+00, v15  }
0x1a3: {  	[tilespmem:s18+$0x5940] =	vst v10  }
0x1a4: {  	[tilespmem:s18+$0x5960] =	vst v4  }
0x1a5: {  	v6 =	vmul.f32 $1.618034010e+00, v6;
	v57 =	vld [tilespmem:s18+$0x5D30];
	[tilespmem:s18+$0x5D60] =	vst v11  }
0x1a6: {  	v58 =	vld [tilespmem:s18+$0x5970];
	v7 =	vmul.f32 $1.618034010e+00, v7;
	[tilespmem:s18+$0x5900] =	vst v3  }
0x1a7: {  	[tilespmem:s18+$0x5910] =	vst v6;
	v61 =	vmul.f32 $1.618034010e+00, v5  }
0x1a8: {  	[tilespmem:s18+$0x5920] =	vst v7;
	v59 =	vmul.f32 $1.618034010e+00, v8  }
0x1a9: {  	v60 =	vmul.f32 $1.618034010e+00, v9;
	[tilespmem:s18+$0x5D20] =	vst v61  }
.Ltmp4:
0x1aa: {  	[tilespmem:s18+$0x5D00] =	vst v59;
	v62 =	vmul.f32 $1.618034010e+00, v57;
	(pc) =	sbr.rel @p0 .LBB2_12-.Ltmp4, $4  }
0x1ab: {  	s13 =	sadd.s32 s17, s7;
	v63 =	vmul.f32 $1.618034010e+00, v58;
	[tilespmem:s18+$0x5930] =	vst v60  }
0x1ac: {  	s13 =	sshll.u32 s13, $0x5;
	[tilespmem:s18+$0x5D30] =	vst v62  }
0x1ad: {  	s13 =	sadd.s32 s3, s13;
	[tilespmem:s18+$0x5970] =	vst v63  }
0x1ae: {  	[hbm4b:s13+s5] =	stream.linear.scatter [tilespmem:s21], [sflag:$0x7], $0x4000, $0x38;
	[tilespmem:$0x15900] =	vst v63  }
0x1af: {  	_ =	swait.ge [sflag:s6], $0x4000;
	s13 =	smul.u32 $0x500, s14  }
0x1b0: {  	[sflag:s6] =	ssyncset.done $0x0  }
0x1b1: {  	[sflag:s6] =	ssyncadd.s32 $0xFFFFC000;
	s13 =	sshra.s32 s13, $0x2  }
0x1b2: {  	v3 =	vld [tilespmem:s13+$0x180];
	_ =	sdelay $0x4  }
0x1b3: {  	v4 =	vshll.u32 v3, $0x1  }
0x1b4: {  	v3 =	vand.u32 $0x7, v3;
	v4 =	vand.u32 $0xFFFFFFF0, v4  }
0x1b5: {  	v3 =	vor.u32 v3, v4  }
0x1b6: {  	v4 =	vperm.xlane v3, v0;
	_ =	sdelay $0x1  }
0x1b7: {  	v3 =	vperm.xlane v3, v2;
	v4 =	vadd.s32 v1, v4;
	_ =	sdelay $0x1  }
0x1b8: {  	v3 =	vadd.s32 v1, v3;
	_ =	sdelay $0x2  }
0x1b9: {  	[tilespmem:s21], [sflag:$0x2] =	stream.indirect_vreg.gather [hbm4b:s1+s5], $0x80, v4, vm0, $0xb8;
	[tilespmem:$0x15900] =	vst v63  }
0x1ba: {  	s18 =	simm.s32 $0x6100  }
0x1bb: {  	[tilespmem:s18], [sflag:$0x2] =	stream.indirect_vreg.gather [hbm4b:s1+s5], $0x80, v3, vm0, $0xb8;
	[tilespmem:$0x15900] =	vst v63  }
0x1bc: {  	v3 =	vld [tilespmem:s13+$0x190];
	_ =	sdelay $0x4  }
0x1bd: {  	v61 =	vshll.u32 v3, $0x1  }
0x1be: {  	v3 =	vand.u32 $0x7, v3;
	v4 =	vand.u32 $0xFFFFFFF0, v61  }
0x1bf: {  	v3 =	vor.u32 v3, v4  }
0x1c0: {  	v4 =	vperm.xlane v3, v0;
	_ =	sdelay $0x1  }
0x1c1: {  	v3 =	vperm.xlane v3, v2;
	v4 =	vadd.s32 v1, v4;
	_ =	sdelay $0x1  }
0x1c2: {  	v3 =	vadd.s32 v1, v3;
	_ =	sdelay $0x1  }
0x1c3: {  	s22 =	simm.s32 $0x6900  }
0x1c4: {  	[tilespmem:s22], [sflag:$0x2] =	stream.indirect_vreg.gather [hbm4b:s1+s5], $0x80, v4, vm0, $0xb8;
	[tilespmem:$0x15900] =	vst v63  }
0x1c5: {  	s23 =	simm.s32 $0x7100  }
0x1c6: {  	[tilespmem:s23], [sflag:$0x2] =	stream.indirect_vreg.gather [hbm4b:s1+s5], $0x80, v3, vm0, $0xb8;
	[tilespmem:$0x15900] =	vst v63  }
0x1c7: {  	v3 =	vld [tilespmem:s13+$0x1A0];
	_ =	sdelay $0x4  }
0x1c8: {  	v62 =	vshll.u32 v3, $0x1  }
0x1c9: {  	v3 =	vand.u32 $0x7, v3;
	v4 =	vand.u32 $0xFFFFFFF0, v62  }
0x1ca: {  	v3 =	vor.u32 v3, v4  }
0x1cb: {  	v4 =	vperm.xlane v3, v0;
	_ =	sdelay $0x1  }
0x1cc: {  	v3 =	vperm.xlane v3, v2;
	v4 =	vadd.s32 v1, v4;
	_ =	sdelay $0x1  }
0x1cd: {  	v3 =	vadd.s32 v1, v3;
	_ =	sdelay $0x1  }
0x1ce: {  	s19 =	simm.s32 $0x7900  }
0x1cf: {  	[tilespmem:s19], [sflag:$0x2] =	stream.indirect_vreg.gather [hbm4b:s1+s5], $0x80, v4, vm0, $0xb8;
	[tilespmem:$0x15900] =	vst v63  }
0x1d0: {  	s20 =	simm.s32 $0x8100  }
0x1d1: {  	[tilespmem:s20], [sflag:$0x2] =	stream.indirect_vreg.gather [hbm4b:s1+s5], $0x80, v3, vm0, $0xb8;
	[tilespmem:$0x15900] =	vst v63  }
0x1d2: {  	v3 =	vld [tilespmem:s13+$0x1B0];
	_ =	sdelay $0x4  }
0x1d3: {  	v63 =	vshll.u32 v3, $0x1  }
0x1d4: {  	v3 =	vand.u32 $0x7, v3;
	v4 =	vand.u32 $0xFFFFFFF0, v63  }
0x1d5: {  	v3 =	vor.u32 v3, v4  }
0x1d6: {  	v4 =	vperm.xlane v3, v0;
	_ =	sdelay $0x1  }
0x1d7: {  	v3 =	vperm.xlane v3, v2;
	v4 =	vadd.s32 v1, v4;
	_ =	sdelay $0x1  }
0x1d8: {  	v3 =	vadd.s32 v1, v3;
	_ =	sdelay $0x1  }
0x1d9: {  	s22 =	simm.s32 $0x8900  }
0x1da: {  	[tilespmem:s22], [sflag:$0x2] =	stream.indirect_vreg.gather [hbm4b:s1+s5], $0x80, v4, vm0, $0xb8;
	[tilespmem:$0x15900] =	vst v63  }
0x1db: {  	s23 =	simm.s32 $0x9100  }
0x1dc: {  	[tilespmem:s23], [sflag:$0x2] =	stream.indirect_vreg.gather [hbm4b:s1+s5], $0x80, v3, vm0, $0xb8;
	[tilespmem:$0x15900] =	vst v63  }
.LBB2_12:
0x1dd: {  	_ =	swait.ge [sflag:s29], $0x4000;
	s13 =	simm.s32 $0x0  }
0x1de: {  	[sflag:s29] =	ssyncset.done $0x0;
	s18 =	sand.u32 $0x3800, s13;
	s13 =	sand.u32 $0x380, s13  }
0x1df: {  	[sflag:s29] =	ssyncadd.s32 $0xFFFFC000;
	s18 =	sor.u32 s13, s18  }
0x1e0: {  	v3 =	vld [tilespmem:s18+$0x9950]  }
0x1e1: {  	v4 =	vld [tilespmem:s18+$0x9D50]  }
0x1e2: {  	v5 =	vld [tilespmem:s18+$0x9D10]  }
0x1e3: {  	v6 =	vld [tilespmem:s18+$0x9D70]  }
0x1e4: {  	v7 =	vld [tilespmem:s18+$0x9D40]  }
0x1e5: {  	v8 =	vld [tilespmem:s18+$0x9960]  }
0x1e6: {  	v9 =	vld [tilespmem:s18+$0x9940]  }
0x1e7: {  	v11 =	vld [tilespmem:s18+$0x9900];
	v5 =	vmul.f32 $1.618034010e+00, v5  }
0x1e8: {  	v12 =	vld [tilespmem:s18+$0x9D60];
	v10 =	vmul.f32 $1.618034010e+00, v6  }
0x1e9: {  	v6 =	vld [tilespmem:s18+$0x9910];
	v13 =	vmul.f32 $1.618034010e+00, v7;
	[tilespmem:s18+$0x9D10] =	vst v5  }
0x1ea: {  	v3 =	vmul.f32 $1.618034010e+00, v3;
	v7 =	vld [tilespmem:s18+$0x9920];
	[tilespmem:s18+$0x9D70] =	vst v10  }
0x1eb: {  	v14 =	vmul.f32 $1.618034010e+00, v4;
	v4 =	vmul.f32 $1.618034010e+00, v8;
	v8 =	vld [tilespmem:s18+$0x9D00];
	[tilespmem:s18+$0x9D40] =	vst v13  }
0x1ec: {  	v5 =	vld [tilespmem:s18+$0x9D20];
	v10 =	vmul.f32 $1.618034010e+00, v9;
	[tilespmem:s18+$0x9950] =	vst v3  }
0x1ed: {  	s22 =	simm.s32 $0x100;
	s19 =	simm.s32 $0x80;
	v3 =	vmul.f32 $1.618034010e+00, v11;
	v9 =	vld [tilespmem:s18+$0x9930];
	[tilespmem:s18+$0x9D50] =	vst v14;
	v11 =	vmul.f32 $1.618034010e+00, v12  }
.LBB2_13:
0x1ee: {  	s20 =	smov.u32 s22  }
0x1ef: {  	s13 =	sand.u32 $0x3800, s22;
	s23 =	sand.u32 $0x380, s19;
	v6 =	vmul.f32 $1.618034010e+00, v6;
	[tilespmem:s18+$0x9940] =	vst v10;
	v10 =	vld [tilespmem:s18+$0x9D30];
	s20 =	sadd.s32 $0x100, s22  }
0x1f0: {  	p1 =	sne.s32 s22, $0x3F00;
	s13 =	sor.u32 s23, s13;
	v7 =	vmul.f32 $1.618034010e+00, v7;
	v12 =	vld [tilespmem:s18+$0x9970];
	[tilespmem:s18+$0x9D60] =	vst v11  }
0x1f1: {  	v5 =	vmul.f32 $1.618034010e+00, v5;
	v11 =	vld [tilespmem:s13+$0x9950];
	[tilespmem:s18+$0x9910] =	vst v6  }
0x1f2: {  	v6 =	vld [tilespmem:s13+$0x9D50];
	[tilespmem:s18+$0x9920] =	vst v7;
	v7 =	vmul.f32 $1.618034010e+00, v8  }
0x1f3: {  	v9 =	vmul.f32 $1.618034010e+00, v9;
	v8 =	vld [tilespmem:s13+$0x9D70];
	[tilespmem:s18+$0x9960] =	vst v4  }
0x1f4: {  	v4 =	vld [tilespmem:s13+$0x9D10];
	[tilespmem:s18+$0x9D00] =	vst v7;
	v7 =	vmul.f32 $1.618034010e+00, v10  }
0x1f5: {  	v10 =	vld [tilespmem:s13+$0x9D40];
	[tilespmem:s18+$0x9930] =	vst v9;
	v9 =	vmul.f32 $1.618034010e+00, v12  }
0x1f6: {  	v12 =	vld [tilespmem:s13+$0x9960];
	[tilespmem:s18+$0x9D20] =	vst v5  }
0x1f7: {  	v13 =	vld [tilespmem:s13+$0x9940];
	v14 =	vmul.f32 $1.618034010e+00, v6;
	[tilespmem:s18+$0x9900] =	vst v3  }
0x1f8: {  	v3 =	vld [tilespmem:s13+$0x9900];
	v5 =	vmul.f32 $1.618034010e+00, v8;
	[tilespmem:s18+$0x9D30] =	vst v7  }
0x1f9: {  	v4 =	vmul.f32 $1.618034010e+00, v4;
	v15 =	vld [tilespmem:s13+$0x9D60];
	[tilespmem:s18+$0x9970] =	vst v9;
	s18 =	smov.u32 s13  }
.Ltmp5:
0x1fa: {  	v6 =	vld [tilespmem:s18+$0x9910];
	v8 =	vmul.f32 $1.618034010e+00, v10;
	[tilespmem:s18+$0x9D70] =	vst v5;
	(pc) =	sbr.rel @p1 .LBB2_13-.Ltmp5, $4  }
0x1fb: {  	v9 =	vmul.f32 $1.618034010e+00, v11;
	v7 =	vld [tilespmem:s18+$0x9920];
	[tilespmem:s18+$0x9D10] =	vst v4  }
0x1fc: {  	v4 =	vmul.f32 $1.618034010e+00, v12;
	v5 =	vld [tilespmem:s18+$0x9D20];
	[tilespmem:s18+$0x9D40] =	vst v8  }
0x1fd: {  	v10 =	vmul.f32 $1.618034010e+00, v13;
	[tilespmem:s18+$0x9950] =	vst v9;
	v8 =	vld [tilespmem:s18+$0x9D00]  }
0x1fe: {  	s19 =	sadd.s32 $0x80, s19;
	s22 =	smov.u32 s20;
	v3 =	vmul.f32 $1.618034010e+00, v3;
	v9 =	vld [tilespmem:s18+$0x9930];
	[tilespmem:s18+$0x9D50] =	vst v14;
	v11 =	vmul.f32 $1.618034010e+00, v15  }
0x1ff: {  	[tilespmem:s18+$0x9940] =	vst v10  }
0x200: {  	[tilespmem:s18+$0x9960] =	vst v4  }
0x201: {  	v6 =	vmul.f32 $1.618034010e+00, v6;
	v57 =	vld [tilespmem:s18+$0x9D30];
	[tilespmem:s18+$0x9D60] =	vst v11  }
0x202: {  	v58 =	vld [tilespmem:s18+$0x9970];
	v7 =	vmul.f32 $1.618034010e+00, v7;
	[tilespmem:s18+$0x9900] =	vst v3  }
0x203: {  	[tilespmem:s18+$0x9910] =	vst v6;
	v61 =	vmul.f32 $1.618034010e+00, v5  }
0x204: {  	[tilespmem:s18+$0x9920] =	vst v7;
	v59 =	vmul.f32 $1.618034010e+00, v8  }
0x205: {  	v60 =	vmul.f32 $1.618034010e+00, v9;
	[tilespmem:s18+$0x9D20] =	vst v61  }
.Ltmp6:
0x206: {  	[tilespmem:s18+$0x9D00] =	vst v59;
	v62 =	vmul.f32 $1.618034010e+00, v57;
	(pc) =	sbr.rel @p0 .LBB2_16-.Ltmp6, $4  }
0x207: {  	s13 =	sadd.s32 s17, s8;
	v63 =	vmul.f32 $1.618034010e+00, v58;
	[tilespmem:s18+$0x9930] =	vst v60  }
0x208: {  	s13 =	sshll.u32 s13, $0x5;
	[tilespmem:s18+$0x9D30] =	vst v62  }
0x209: {  	s13 =	sadd.s32 s3, s13;
	[tilespmem:s18+$0x9970] =	vst v63  }
0x20a: {  	[hbm4b:s13+s5] =	stream.linear.scatter [tilespmem:s30], [sflag:$0x8], $0x4000, $0x38;
	[tilespmem:$0x15900] =	vst v63  }
0x20b: {  	_ =	swait.ge [sflag:s11], $0x4000;
	s13 =	smul.u32 $0x500, s14  }
0x20c: {  	[sflag:s11] =	ssyncset.done $0x0  }
0x20d: {  	[sflag:s11] =	ssyncadd.s32 $0xFFFFC000;
	s13 =	sshra.s32 s13, $0x2  }
0x20e: {  	v3 =	vld [tilespmem:s13+$0x1C0];
	_ =	sdelay $0x4  }
0x20f: {  	v4 =	vshll.u32 v3, $0x1  }
0x210: {  	v3 =	vand.u32 $0x7, v3;
	v4 =	vand.u32 $0xFFFFFFF0, v4  }
0x211: {  	v3 =	vor.u32 v3, v4  }
0x212: {  	v4 =	vperm.xlane v3, v0;
	_ =	sdelay $0x1  }
0x213: {  	v3 =	vperm.xlane v3, v2;
	v4 =	vadd.s32 v1, v4;
	_ =	sdelay $0x1  }
0x214: {  	v3 =	vadd.s32 v1, v3;
	_ =	sdelay $0x2  }
0x215: {  	[tilespmem:s30], [sflag:$0x3] =	stream.indirect_vreg.gather [hbm4b:s1+s5], $0x80, v4, vm0, $0xb8;
	[tilespmem:$0x15900] =	vst v63  }
0x216: {  	s18 =	simm.s32 $0xA100  }
0x217: {  	[tilespmem:s18], [sflag:$0x3] =	stream.indirect_vreg.gather [hbm4b:s1+s5], $0x80, v3, vm0, $0xb8;
	[tilespmem:$0x15900] =	vst v63  }
0x218: {  	v3 =	vld [tilespmem:s13+$0x1D0];
	_ =	sdelay $0x4  }
0x219: {  	v61 =	vshll.u32 v3, $0x1  }
0x21a: {  	v3 =	vand.u32 $0x7, v3;
	v4 =	vand.u32 $0xFFFFFFF0, v61  }
0x21b: {  	v3 =	vor.u32 v3, v4  }
0x21c: {  	v4 =	vperm.xlane v3, v0;
	_ =	sdelay $0x1  }
0x21d: {  	v3 =	vperm.xlane v3, v2;
	v4 =	vadd.s32 v1, v4;
	_ =	sdelay $0x1  }
0x21e: {  	v3 =	vadd.s32 v1, v3;
	_ =	sdelay $0x1  }
0x21f: {  	s22 =	simm.s32 $0xA900  }
0x220: {  	[tilespmem:s22], [sflag:$0x3] =	stream.indirect_vreg.gather [hbm4b:s1+s5], $0x80, v4, vm0, $0xb8;
	[tilespmem:$0x15900] =	vst v63  }
0x221: {  	s23 =	simm.s32 $0xB100  }
0x222: {  	[tilespmem:s23], [sflag:$0x3] =	stream.indirect_vreg.gather [hbm4b:s1+s5], $0x80, v3, vm0, $0xb8;
	[tilespmem:$0x15900] =	vst v63  }
0x223: {  	v3 =	vld [tilespmem:s13+$0x1E0];
	_ =	sdelay $0x4  }
0x224: {  	v62 =	vshll.u32 v3, $0x1  }
0x225: {  	v3 =	vand.u32 $0x7, v3;
	v4 =	vand.u32 $0xFFFFFFF0, v62  }
0x226: {  	v3 =	vor.u32 v3, v4  }
0x227: {  	v4 =	vperm.xlane v3, v0;
	_ =	sdelay $0x1  }
0x228: {  	v3 =	vperm.xlane v3, v2;
	v4 =	vadd.s32 v1, v4;
	_ =	sdelay $0x1  }
0x229: {  	v3 =	vadd.s32 v1, v3;
	_ =	sdelay $0x1  }
0x22a: {  	s19 =	simm.s32 $0xB900  }
0x22b: {  	[tilespmem:s19], [sflag:$0x3] =	stream.indirect_vreg.gather [hbm4b:s1+s5], $0x80, v4, vm0, $0xb8;
	[tilespmem:$0x15900] =	vst v63  }
0x22c: {  	s20 =	simm.s32 $0xC100  }
0x22d: {  	[tilespmem:s20], [sflag:$0x3] =	stream.indirect_vreg.gather [hbm4b:s1+s5], $0x80, v3, vm0, $0xb8;
	[tilespmem:$0x15900] =	vst v63  }
0x22e: {  	v3 =	vld [tilespmem:s13+$0x1F0];
	_ =	sdelay $0x4  }
0x22f: {  	v63 =	vshll.u32 v3, $0x1  }
0x230: {  	v3 =	vand.u32 $0x7, v3;
	v4 =	vand.u32 $0xFFFFFFF0, v63  }
0x231: {  	v3 =	vor.u32 v3, v4  }
0x232: {  	v4 =	vperm.xlane v3, v0;
	_ =	sdelay $0x1  }
0x233: {  	v3 =	vperm.xlane v3, v2;
	v4 =	vadd.s32 v1, v4;
	_ =	sdelay $0x1  }
0x234: {  	v3 =	vadd.s32 v1, v3;
	_ =	sdelay $0x1  }
0x235: {  	s22 =	simm.s32 $0xC900  }
0x236: {  	[tilespmem:s22], [sflag:$0x3] =	stream.indirect_vreg.gather [hbm4b:s1+s5], $0x80, v4, vm0, $0xb8;
	[tilespmem:$0x15900] =	vst v63  }
0x237: {  	s23 =	simm.s32 $0xD100  }
0x238: {  	[tilespmem:s23], [sflag:$0x3] =	stream.indirect_vreg.gather [hbm4b:s1+s5], $0x80, v3, vm0, $0xb8;
	[tilespmem:$0x15900] =	vst v63  }
.LBB2_16:
0x239: {  	_ =	swait.ge [sflag:s31], $0x4000;
	s13 =	simm.s32 $0x0  }
0x23a: {  	[sflag:s31] =	ssyncset.done $0x0;
	s18 =	sand.u32 $0x3800, s13;
	s13 =	sand.u32 $0x380, s13  }
0x23b: {  	[sflag:s31] =	ssyncadd.s32 $0xFFFFC000;
	s18 =	sor.u32 s13, s18  }
0x23c: {  	v3 =	vld [tilespmem:s18+$0xD950]  }
0x23d: {  	v4 =	vld [tilespmem:s18+$0xDD50]  }
0x23e: {  	v5 =	vld [tilespmem:s18+$0xDD10]  }
0x23f: {  	v6 =	vld [tilespmem:s18+$0xDD70]  }
0x240: {  	v7 =	vld [tilespmem:s18+$0xDD40]  }
0x241: {  	v8 =	vld [tilespmem:s18+$0xD960]  }
0x242: {  	v9 =	vld [tilespmem:s18+$0xD940]  }
0x243: {  	v11 =	vld [tilespmem:s18+$0xD900];
	v5 =	vmul.f32 $1.618034010e+00, v5  }
0x244: {  	v12 =	vld [tilespmem:s18+$0xDD60];
	v10 =	vmul.f32 $1.618034010e+00, v6  }
0x245: {  	v6 =	vld [tilespmem:s18+$0xD910];
	v13 =	vmul.f32 $1.618034010e+00, v7;
	[tilespmem:s18+$0xDD10] =	vst v5  }
0x246: {  	v3 =	vmul.f32 $1.618034010e+00, v3;
	v7 =	vld [tilespmem:s18+$0xD920];
	[tilespmem:s18+$0xDD70] =	vst v10  }
0x247: {  	v14 =	vmul.f32 $1.618034010e+00, v4;
	v4 =	vmul.f32 $1.618034010e+00, v8;
	v8 =	vld [tilespmem:s18+$0xDD00];
	[tilespmem:s18+$0xDD40] =	vst v13  }
0x248: {  	v5 =	vld [tilespmem:s18+$0xDD20];
	v10 =	vmul.f32 $1.618034010e+00, v9;
	[tilespmem:s18+$0xD950] =	vst v3  }
0x249: {  	s22 =	simm.s32 $0x100;
	s19 =	simm.s32 $0x80;
	v3 =	vmul.f32 $1.618034010e+00, v11;
	v9 =	vld [tilespmem:s18+$0xD930];
	[tilespmem:s18+$0xDD50] =	vst v14;
	v11 =	vmul.f32 $1.618034010e+00, v12  }
.LBB2_17:
0x24a: {  	s20 =	smov.u32 s22  }
0x24b: {  	s13 =	sand.u32 $0x3800, s22;
	s23 =	sand.u32 $0x380, s19;
	v6 =	vmul.f32 $1.618034010e+00, v6;
	[tilespmem:s18+$0xD940] =	vst v10;
	v10 =	vld [tilespmem:s18+$0xDD30];
	s20 =	sadd.s32 $0x100, s22  }
0x24c: {  	p1 =	sne.s32 s22, $0x3F00;
	s13 =	sor.u32 s23, s13;
	v7 =	vmul.f32 $1.618034010e+00, v7;
	v12 =	vld [tilespmem:s18+$0xD970];
	[tilespmem:s18+$0xDD60] =	vst v11  }
0x24d: {  	v5 =	vmul.f32 $1.618034010e+00, v5;
	v11 =	vld [tilespmem:s13+$0xD950];
	[tilespmem:s18+$0xD910] =	vst v6  }
0x24e: {  	v6 =	vld [tilespmem:s13+$0xDD50];
	[tilespmem:s18+$0xD920] =	vst v7;
	v7 =	vmul.f32 $1.618034010e+00, v8  }
0x24f: {  	v9 =	vmul.f32 $1.618034010e+00, v9;
	v8 =	vld [tilespmem:s13+$0xDD70];
	[tilespmem:s18+$0xD960] =	vst v4  }
0x250: {  	v4 =	vld [tilespmem:s13+$0xDD10];
	[tilespmem:s18+$0xDD00] =	vst v7;
	v7 =	vmul.f32 $1.618034010e+00, v10  }
0x251: {  	v10 =	vld [tilespmem:s13+$0xDD40];
	[tilespmem:s18+$0xD930] =	vst v9;
	v9 =	vmul.f32 $1.618034010e+00, v12  }
0x252: {  	v12 =	vld [tilespmem:s13+$0xD960];
	[tilespmem:s18+$0xDD20] =	vst v5  }
0x253: {  	v13 =	vld [tilespmem:s13+$0xD940];
	v14 =	vmul.f32 $1.618034010e+00, v6;
	[tilespmem:s18+$0xD900] =	vst v3  }
0x254: {  	v3 =	vld [tilespmem:s13+$0xD900];
	v5 =	vmul.f32 $1.618034010e+00, v8;
	[tilespmem:s18+$0xDD30] =	vst v7  }
0x255: {  	v4 =	vmul.f32 $1.618034010e+00, v4;
	v15 =	vld [tilespmem:s13+$0xDD60];
	[tilespmem:s18+$0xD970] =	vst v9;
	s18 =	smov.u32 s13  }
.Ltmp7:
0x256: {  	v6 =	vld [tilespmem:s18+$0xD910];
	v8 =	vmul.f32 $1.618034010e+00, v10;
	[tilespmem:s18+$0xDD70] =	vst v5;
	(pc) =	sbr.rel @p1 .LBB2_17-.Ltmp7, $4  }
0x257: {  	v9 =	vmul.f32 $1.618034010e+00, v11;
	v7 =	vld [tilespmem:s18+$0xD920];
	[tilespmem:s18+$0xDD10] =	vst v4  }
0x258: {  	v4 =	vmul.f32 $1.618034010e+00, v12;
	v5 =	vld [tilespmem:s18+$0xDD20];
	[tilespmem:s18+$0xDD40] =	vst v8  }
0x259: {  	v10 =	vmul.f32 $1.618034010e+00, v13;
	[tilespmem:s18+$0xD950] =	vst v9;
	v8 =	vld [tilespmem:s18+$0xDD00]  }
0x25a: {  	s19 =	sadd.s32 $0x80, s19;
	s22 =	smov.u32 s20;
	v3 =	vmul.f32 $1.618034010e+00, v3;
	v9 =	vld [tilespmem:s18+$0xD930];
	[tilespmem:s18+$0xDD50] =	vst v14;
	v11 =	vmul.f32 $1.618034010e+00, v15  }
0x25b: {  	[tilespmem:s18+$0xD940] =	vst v10  }
0x25c: {  	[tilespmem:s18+$0xD960] =	vst v4  }
0x25d: {  	v6 =	vmul.f32 $1.618034010e+00, v6;
	v57 =	vld [tilespmem:s18+$0xDD30];
	[tilespmem:s18+$0xDD60] =	vst v11  }
0x25e: {  	v58 =	vld [tilespmem:s18+$0xD970];
	v7 =	vmul.f32 $1.618034010e+00, v7;
	[tilespmem:s18+$0xD900] =	vst v3  }
0x25f: {  	[tilespmem:s18+$0xD910] =	vst v6;
	v61 =	vmul.f32 $1.618034010e+00, v5  }
0x260: {  	[tilespmem:s18+$0xD920] =	vst v7;
	v59 =	vmul.f32 $1.618034010e+00, v8  }
0x261: {  	v60 =	vmul.f32 $1.618034010e+00, v9;
	[tilespmem:s18+$0xDD20] =	vst v61  }
.Ltmp8:
0x262: {  	[tilespmem:s18+$0xDD00] =	vst v59;
	v62 =	vmul.f32 $1.618034010e+00, v57;
	(pc) =	sbr.rel @p0 .LBB2_20-.Ltmp8, $4  }
0x263: {  	s13 =	sadd.s32 s17, s9;
	v63 =	vmul.f32 $1.618034010e+00, v58;
	[tilespmem:s18+$0xD930] =	vst v60  }
0x264: {  	s13 =	sshll.u32 s13, $0x5;
	[tilespmem:s18+$0xDD30] =	vst v62  }
0x265: {  	s13 =	sadd.s32 s3, s13;
	[tilespmem:s18+$0xD970] =	vst v63  }
0x266: {  	[hbm4b:s13+s5] =	stream.linear.scatter [tilespmem:s15], [sflag:$0x9], $0x4000, $0x38;
	[tilespmem:$0x15900] =	vst v63  }
0x267: {  	_ =	swait.ge [sflag:s12], $0x4000;
	s13 =	smul.u32 $0x500, s14  }
0x268: {  	[sflag:s12] =	ssyncset.done $0x0  }
0x269: {  	[sflag:s12] =	ssyncadd.s32 $0xFFFFC000;
	s13 =	sshra.s32 s13, $0x2  }
0x26a: {  	v3 =	vld [tilespmem:s13+$0x200];
	_ =	sdelay $0x4  }
0x26b: {  	v4 =	vshll.u32 v3, $0x1  }
0x26c: {  	v3 =	vand.u32 $0x7, v3;
	v4 =	vand.u32 $0xFFFFFFF0, v4  }
0x26d: {  	v3 =	vor.u32 v3, v4  }
0x26e: {  	v4 =	vperm.xlane v3, v0;
	_ =	sdelay $0x1  }
0x26f: {  	v3 =	vperm.xlane v3, v2;
	v4 =	vadd.s32 v1, v4;
	_ =	sdelay $0x1  }
0x270: {  	v3 =	vadd.s32 v1, v3;
	_ =	sdelay $0x2  }
0x271: {  	[tilespmem:s15], [sflag:$0x4] =	stream.indirect_vreg.gather [hbm4b:s1+s5], $0x80, v4, vm0, $0xb8;
	[tilespmem:$0x15900] =	vst v63  }
0x272: {  	s17 =	simm.s32 $0xE100  }
0x273: {  	[tilespmem:s17], [sflag:$0x4] =	stream.indirect_vreg.gather [hbm4b:s1+s5], $0x80, v3, vm0, $0xb8;
	[tilespmem:$0x15900] =	vst v63  }
0x274: {  	v3 =	vld [tilespmem:s13+$0x210];
	_ =	sdelay $0x4  }
0x275: {  	v61 =	vshll.u32 v3, $0x1  }
0x276: {  	v3 =	vand.u32 $0x7, v3;
	v4 =	vand.u32 $0xFFFFFFF0, v61  }
0x277: {  	v3 =	vor.u32 v3, v4  }
0x278: {  	v4 =	vperm.xlane v3, v0;
	_ =	sdelay $0x1  }
0x279: {  	v3 =	vperm.xlane v3, v2;
	v4 =	vadd.s32 v1, v4;
	_ =	sdelay $0x1  }
0x27a: {  	v3 =	vadd.s32 v1, v3;
	_ =	sdelay $0x1  }
0x27b: {  	s23 =	simm.s32 $0xE900  }
0x27c: {  	[tilespmem:s23], [sflag:$0x4] =	stream.indirect_vreg.gather [hbm4b:s1+s5], $0x80, v4, vm0, $0xb8;
	[tilespmem:$0x15900] =	vst v63  }
0x27d: {  	s18 =	simm.s32 $0xF100  }
0x27e: {  	[tilespmem:s18], [sflag:$0x4] =	stream.indirect_vreg.gather [hbm4b:s1+s5], $0x80, v3, vm0, $0xb8;
	[tilespmem:$0x15900] =	vst v63  }
0x27f: {  	v3 =	vld [tilespmem:s13+$0x220];
	_ =	sdelay $0x4  }
0x280: {  	v62 =	vshll.u32 v3, $0x1  }
0x281: {  	v3 =	vand.u32 $0x7, v3;
	v4 =	vand.u32 $0xFFFFFFF0, v62  }
0x282: {  	v3 =	vor.u32 v3, v4  }
0x283: {  	v4 =	vperm.xlane v3, v0;
	_ =	sdelay $0x1  }
0x284: {  	v3 =	vperm.xlane v3, v2;
	v4 =	vadd.s32 v1, v4;
	_ =	sdelay $0x1  }
0x285: {  	v3 =	vadd.s32 v1, v3;
	_ =	sdelay $0x1  }
0x286: {  	s19 =	simm.s32 $0xF900  }
0x287: {  	[tilespmem:s19], [sflag:$0x4] =	stream.indirect_vreg.gather [hbm4b:s1+s5], $0x80, v4, vm0, $0xb8;
	[tilespmem:$0x15900] =	vst v63  }
0x288: {  	s20 =	simm.s32 $0x10100  }
0x289: {  	[tilespmem:s20], [sflag:$0x4] =	stream.indirect_vreg.gather [hbm4b:s1+s5], $0x80, v3, vm0, $0xb8;
	[tilespmem:$0x15900] =	vst v63  }
0x28a: {  	v3 =	vld [tilespmem:s13+$0x230];
	_ =	sdelay $0x4  }
0x28b: {  	v63 =	vshll.u32 v3, $0x1  }
0x28c: {  	v3 =	vand.u32 $0x7, v3;
	v4 =	vand.u32 $0xFFFFFFF0, v63  }
0x28d: {  	v3 =	vor.u32 v3, v4  }
0x28e: {  	v4 =	vperm.xlane v3, v0;
	_ =	sdelay $0x1  }
0x28f: {  	v3 =	vperm.xlane v3, v2;
	v4 =	vadd.s32 v1, v4;
	_ =	sdelay $0x1  }
0x290: {  	v3 =	vadd.s32 v1, v3;
	_ =	sdelay $0x1  }
0x291: {  	s22 =	simm.s32 $0x10900  }
0x292: {  	[tilespmem:s22], [sflag:$0x4] =	stream.indirect_vreg.gather [hbm4b:s1+s5], $0x80, v4, vm0, $0xb8;
	[tilespmem:$0x15900] =	vst v63  }
0x293: {  	s23 =	simm.s32 $0x11100  }
0x294: {  	[tilespmem:s23], [sflag:$0x4] =	stream.indirect_vreg.gather [hbm4b:s1+s5], $0x80, v3, vm0, $0xb8;
	[tilespmem:$0x15900] =	vst v63  }
.LBB2_20:
0x295: {  	_ =	swait.ge [sflag:s2], $0x4000;
	s13 =	simm.s32 $0x0  }
0x296: {  	[sflag:s2] =	ssyncset.done $0x0;
	s17 =	sand.u32 $0x3800, s13;
	s13 =	sand.u32 $0x380, s13  }
0x297: {  	[sflag:s2] =	ssyncadd.s32 $0xFFFFC000;
	s17 =	sor.u32 s13, s17  }
0x298: {  	v3 =	vld [tilespmem:s17+$0x11950]  }
0x299: {  	v4 =	vld [tilespmem:s17+$0x11D50]  }
0x29a: {  	v5 =	vld [tilespmem:s17+$0x11D10]  }
0x29b: {  	v6 =	vld [tilespmem:s17+$0x11D70]  }
0x29c: {  	v7 =	vld [tilespmem:s17+$0x11D40]  }
0x29d: {  	v8 =	vld [tilespmem:s17+$0x11960]  }
0x29e: {  	v9 =	vld [tilespmem:s17+$0x11940]  }
0x29f: {  	v11 =	vld [tilespmem:s17+$0x11900];
	v5 =	vmul.f32 $1.618034010e+00, v5  }
0x2a0: {  	v12 =	vld [tilespmem:s17+$0x11D60];
	v10 =	vmul.f32 $1.618034010e+00, v6  }
0x2a1: {  	v6 =	vld [tilespmem:s17+$0x11910];
	v13 =	vmul.f32 $1.618034010e+00, v7;
	[tilespmem:s17+$0x11D10] =	vst v5  }
0x2a2: {  	v3 =	vmul.f32 $1.618034010e+00, v3;
	v7 =	vld [tilespmem:s17+$0x11920];
	[tilespmem:s17+$0x11D70] =	vst v10  }
0x2a3: {  	v14 =	vmul.f32 $1.618034010e+00, v4;
	v4 =	vmul.f32 $1.618034010e+00, v8;
	v8 =	vld [tilespmem:s17+$0x11D00];
	[tilespmem:s17+$0x11D40] =	vst v13  }
0x2a4: {  	v5 =	vld [tilespmem:s17+$0x11D20];
	v10 =	vmul.f32 $1.618034010e+00, v9;
	[tilespmem:s17+$0x11950] =	vst v3  }
0x2a5: {  	s20 =	simm.s32 $0x100;
	s18 =	simm.s32 $0x80;
	v3 =	vmul.f32 $1.618034010e+00, v11;
	v9 =	vld [tilespmem:s17+$0x11930];
	[tilespmem:s17+$0x11D50] =	vst v14;
	v11 =	vmul.f32 $1.618034010e+00, v12  }
.LBB2_21:
0x2a6: {  	s19 =	smov.u32 s20  }
0x2a7: {  	s13 =	sand.u32 $0x3800, s20;
	s22 =	sand.u32 $0x380, s18;
	v6 =	vmul.f32 $1.618034010e+00, v6;
	[tilespmem:s17+$0x11940] =	vst v10;
	v10 =	vld [tilespmem:s17+$0x11D30];
	s19 =	sadd.s32 $0x100, s20  }
0x2a8: {  	p0 =	sne.s32 s20, $0x3F00;
	s13 =	sor.u32 s22, s13;
	v7 =	vmul.f32 $1.618034010e+00, v7;
	v12 =	vld [tilespmem:s17+$0x11970];
	[tilespmem:s17+$0x11D60] =	vst v11  }
0x2a9: {  	v5 =	vmul.f32 $1.618034010e+00, v5;
	v11 =	vld [tilespmem:s13+$0x11950];
	[tilespmem:s17+$0x11910] =	vst v6  }
0x2aa: {  	v6 =	vld [tilespmem:s13+$0x11D50];
	[tilespmem:s17+$0x11920] =	vst v7;
	v7 =	vmul.f32 $1.618034010e+00, v8  }
0x2ab: {  	v9 =	vmul.f32 $1.618034010e+00, v9;
	v8 =	vld [tilespmem:s13+$0x11D70];
	[tilespmem:s17+$0x11960] =	vst v4  }
0x2ac: {  	v4 =	vld [tilespmem:s13+$0x11D10];
	[tilespmem:s17+$0x11D00] =	vst v7;
	v7 =	vmul.f32 $1.618034010e+00, v10  }
0x2ad: {  	v10 =	vld [tilespmem:s13+$0x11D40];
	[tilespmem:s17+$0x11930] =	vst v9;
	v9 =	vmul.f32 $1.618034010e+00, v12  }
0x2ae: {  	v12 =	vld [tilespmem:s13+$0x11960];
	[tilespmem:s17+$0x11D20] =	vst v5  }
0x2af: {  	v13 =	vld [tilespmem:s13+$0x11940];
	v14 =	vmul.f32 $1.618034010e+00, v6;
	[tilespmem:s17+$0x11900] =	vst v3  }
0x2b0: {  	v3 =	vld [tilespmem:s13+$0x11900];
	v5 =	vmul.f32 $1.618034010e+00, v8;
	[tilespmem:s17+$0x11D30] =	vst v7  }
0x2b1: {  	v4 =	vmul.f32 $1.618034010e+00, v4;
	v15 =	vld [tilespmem:s13+$0x11D60];
	[tilespmem:s17+$0x11970] =	vst v9;
	s17 =	smov.u32 s13  }
.Ltmp9:
0x2b2: {  	v6 =	vld [tilespmem:s17+$0x11910];
	v8 =	vmul.f32 $1.618034010e+00, v10;
	[tilespmem:s17+$0x11D70] =	vst v5;
	(pc) =	sbr.rel @p0 .LBB2_21-.Ltmp9, $4  }
0x2b3: {  	v9 =	vmul.f32 $1.618034010e+00, v11;
	v7 =	vld [tilespmem:s17+$0x11920];
	[tilespmem:s17+$0x11D10] =	vst v4  }
0x2b4: {  	v4 =	vmul.f32 $1.618034010e+00, v12;
	v5 =	vld [tilespmem:s17+$0x11D20];
	[tilespmem:s17+$0x11D40] =	vst v8  }
0x2b5: {  	v10 =	vmul.f32 $1.618034010e+00, v13;
	[tilespmem:s17+$0x11950] =	vst v9;
	v8 =	vld [tilespmem:s17+$0x11D00]  }
0x2b6: {  	s18 =	sadd.s32 $0x80, s18;
	s20 =	smov.u32 s19;
	v3 =	vmul.f32 $1.618034010e+00, v3;
	v9 =	vld [tilespmem:s17+$0x11930];
	[tilespmem:s17+$0x11D50] =	vst v14;
	v11 =	vmul.f32 $1.618034010e+00, v15  }
0x2b7: {  	[tilespmem:s17+$0x11940] =	vst v10  }
0x2b8: {  	[tilespmem:s17+$0x11960] =	vst v4  }
0x2b9: {  	v6 =	vmul.f32 $1.618034010e+00, v6;
	v57 =	vld [tilespmem:s17+$0x11D30];
	[tilespmem:s17+$0x11D60] =	vst v11  }
0x2ba: {  	v58 =	vld [tilespmem:s17+$0x11970];
	v7 =	vmul.f32 $1.618034010e+00, v7;
	[tilespmem:s17+$0x11900] =	vst v3  }
0x2bb: {  	[tilespmem:s17+$0x11910] =	vst v6;
	v61 =	vmul.f32 $1.618034010e+00, v5  }
0x2bc: {  	s14 =	sadd.s32 $0x1, s14;
	[tilespmem:s17+$0x11920] =	vst v7;
	v59 =	vmul.f32 $1.618034010e+00, v8  }
0x2bd: {  	p0 =	sne.s32 s14, $0x14;
	v60 =	vmul.f32 $1.618034010e+00, v9;
	[tilespmem:s17+$0x11D20] =	vst v61  }
.Ltmp10:
0x2be: {  	s13 =	sshll.u32 s16, $0xE;
	[tilespmem:s17+$0x11D00] =	vst v59;
	v62 =	vmul.f32 $1.618034010e+00, v57;
	(pc) =	sbr.rel @p0 .LBB2_2-.Ltmp10, $4  }
0x2bf: {  	s13 =	sadd.s32 s10, s13;
	v63 =	vmul.f32 $1.618034010e+00, v58;
	[tilespmem:s17+$0x11930] =	vst v60  }
0x2c0: {  	s13 =	sshrl.u32 s13, $0x3;
	[tilespmem:s17+$0x11D30] =	vst v62  }
0x2c1: {  	s13 =	sadd.s32 s3, s13;
	[tilespmem:s17+$0x11970] =	vst v63  }
0x2c2: {  	[hbm4b:s13+s5] =	stream.linear.scatter [tilespmem:s25], [sflag:$0xA], $0x4000, $0x38;
	[tilespmem:$0x15900] =	vst v63  }
0x2c3: {  	_ =	swait.ge [sflag:s0], $0x4000  }
0x2c4: {  	[sflag:s0] =	ssyncset.done $0x0  }
0x2c5: {  	[sflag:s0] =	ssyncadd.s32 $0xFFFFC000  }
0x2c6: {  	_ =	swait.ge [sflag:s6], $0x4000  }
0x2c7: {  	[sflag:s6] =	ssyncset.done $0x0  }
0x2c8: {  	[sflag:s6] =	ssyncadd.s32 $0xFFFFC000  }
0x2c9: {  	_ =	swait.ge [sflag:s11], $0x4000  }
0x2ca: {  	[sflag:s11] =	ssyncset.done $0x0  }
0x2cb: {  	[sflag:s11] =	ssyncadd.s32 $0xFFFFC000  }
0x2cc: {  	_ =	swait.ge [sflag:s12], $0x4000  }
0x2cd: {  	[sflag:s12] =	ssyncset.done $0x0  }
0x2ce: {  	[sflag:s12] =	ssyncadd.s32 $0xFFFFC000  }
0x2cf: {  	_ =	swait.ge [sflag:s24], $0x4000  }
0x2d0: {  	s14 =	rddreg [dreg:$0x6]  }
0x2d1: {  	s13 =	rddreg [dreg:$0x5];
	s14 =	sadd.s32 $0x1, s14  }
0x2d2: {  	p0 =	sne.s32 s14, s13  }
.Ltmp11:
0x2d3: {  	_ = 	snop;
	(pc) =	sbr.rel @p0 .LBB2_1-.Ltmp11, $3  }
0x2d4: {  	_ =	sdelay $0x1  }
0x2d5: {  	[sflag:s24] =	ssyncset.done $0x0  }
0x2d6: {  	[sflag:s24] =	ssyncadd.s32 $0xFFFFC000  }
0x2d7: {  	_ =	sfence.sel $0x180000  }
0x2d8: {  	[bflag:$0x0] =	sbarrier.arrive $0xFFFF  }
0x2d9: {  	_ =	strace $0x90000047  }
0x2da: {  	s0 =	stileid.u32;
	[bflag:$0x2] =	sbarrier.arrive $0xFFFF  }
0x2db: {  	p0 =	sne.s32 s0, $0x0;
	s0 =	rddreg [dreg:$0x3]  }
0x2dc: {  	s0 =	sadd.s32 @!p0 $0x100000, s0  }
0x2dd: {  	[sflag:s0] =	ssyncadd.tile.s32 @!p0 $0x1;
	_ =	shalt  }
.Lfunc_end2:
_tile_overlayer_lowered:
.L_overlay_start_2:
0x2de: {  	(tag) =	ssettag $0x2  }
0x2df: {  	s0 =	rddreg [dreg:$0x0];
	s2 =	stileid.u32  }
0x2e0: {  	s1 =	rddreg [dreg:$0x1];
	p0 =	sne.s32 s2, $0x0  }
0x2e1: {  	s3 =	rddreg [dreg:$0x2];
	[bflag:$0x3] =	sbarrier.arrive $0xFFFF;
	s2 =	simm.s32 @!p0 $0x1C0B  }
0x2e2: {  	[timem:s3], [sflag:s2] =	dma.local @!p0 [hbm:s0], s1  }
0x2e3: {  	s0 =	simm.s32 @!p0 $0xB  }
0x2e4: {  	_ =	swait.ge @!p0 [sflag:s0], s1  }
0x2e5: {  	s1 =	ssub.s32 @!p0 $0x0, s1;
	[sflag:s0] =	ssyncset.done @!p0 $0x0  }
0x2e6: {  	[sflag:s0] =	ssyncadd.s32 @!p0 s1  }
0x2e7: {  	[bflag:$0x3] =	sbarrier.arrive $0xFFFF  }
0x2e8: {  	_ =	shalt  }

</sc_bundles>
